<compile_context>
chip_gen: v7x
topology: tpu7x:2x2x1
jax: 0.10.2.dev20260603
libtpu: 0.0.44.dev20260713+nightly
codegen_flags: <defaults>
</compile_context>

<pallas_src>
import functools

import jax
import jax.numpy as jnp
from jax import lax
from jax.experimental import pallas as pl
from jax.experimental.pallas import tpu as pltpu
from jax.experimental.pallas import tpu_sc as plsc

_N = 10000
_E = 320000
_D_IN = 128
_H1 = 64
_H2 = 128
_D_OUT = 256
_B = 64

_NC = 2
_NS = 16
_NW = _NC * _NS
_EBLK = 128
_GRP = 4
_NBUF = 2
_E_PER_TILE = 10240
_NBLK = _E_PER_TILE // _EBLK
_NGRP = _NBLK // _GRP
_E_PAD = _E_PER_TILE * _NW
_NPAD = 10048
_RPT = _NPAD // _NS
_CW = 8

_R = 1000
_GRID = _N // _R



def _sc_mesh():
    return plsc.VectorSubcoreMesh(core_axis_name="c", subcore_axis_name="s")


@functools.lru_cache(maxsize=None)
def _deg_kernel():
    @functools.partial(
        pl.kernel,
        out_type=jax.ShapeDtypeStruct((_NC, _NPAD, _CW), jnp.float32),
        mesh=_sc_mesh(),
        compiler_params=pltpu.CompilerParams(use_tc_tiling_on_sc=False),
        scratch_types=[
            pltpu.VMEM((_NBLK, _EBLK), jnp.int32),
            pltpu.VMEM((_EBLK, _CW), jnp.float32),
            pltpu.VMEM_SHARED((_NPAD, _CW), jnp.float32),
        ],
    )
    def k(dst2d_hbm, ones_hbm, zero_hbm, out_hbm, dstbuf, ones_v, degS):
        c = lax.axis_index("c")
        s = lax.axis_index("s")
        w = s * _NC + c
        r0 = s * _RPT
        pltpu.sync_copy(zero_hbm.at[pl.ds(r0, _RPT)],
                        degS.at[pl.ds(r0, _RPT)])
        pltpu.sync_copy(dst2d_hbm.at[pl.ds(w * _NBLK, _NBLK)], dstbuf)
        pltpu.sync_copy(ones_hbm, ones_v)
        plsc.subcore_barrier()

        def blk(j, carry):
            pltpu.sync_copy(ones_v, degS.at[dstbuf.at[j]], add=True)
            return carry

        lax.fori_loop(0, _NBLK, blk, 0)
        plsc.subcore_barrier()
        pltpu.sync_copy(degS.at[pl.ds(r0, _RPT)],
                        out_hbm.at[c, pl.ds(r0, _RPT)])

    return k


@functools.lru_cache(maxsize=None)
def _edge_scatter_kernel(d):
    rows_per_buf = _GRP * _EBLK
    n_loop = _NGRP // _NBUF
    n_tail = _NGRP - n_loop * _NBUF

    @functools.partial(
        pl.kernel,
        out_type=jax.ShapeDtypeStruct((_NC, _NPAD, d), jnp.float32),
        mesh=_sc_mesh(),
        compiler_params=pltpu.CompilerParams(use_tc_tiling_on_sc=False),
        scratch_types=[
            pltpu.VMEM((_E_PER_TILE,), jnp.int32),
            pltpu.VMEM((_NBLK, _EBLK), jnp.int32),
            pltpu.VMEM((rows_per_buf, d), jnp.float32),
            pltpu.VMEM((rows_per_buf, d), jnp.float32),
            pltpu.VMEM_SHARED((_NPAD, d), jnp.float32),
            pltpu.SemaphoreType.DMA,
            pltpu.SemaphoreType.DMA,
            pltpu.SemaphoreType.DMA,
            pltpu.SemaphoreType.DMA,
        ],
    )
    def k(src_hbm, dst2d_hbm, h_hbm, zero_hbm, out_hbm,
          srcflat, dstbuf, rows0, rows1, accS, gsem0, gsem1, ssem0, ssem1):
        rows = (rows0, rows1)
        gsems = (gsem0, gsem1)
        ssems = (ssem0, ssem1)
        c = lax.axis_index("c")
        s = lax.axis_index("s")
        w = s * _NC + c
        r0 = s * _RPT
        pltpu.async_copy(zero_hbm.at[pl.ds(r0, _RPT)],
                         accS.at[pl.ds(r0, _RPT)], ssem0)
        pltpu.async_copy(src_hbm.at[pl.ds(w * _E_PER_TILE, _E_PER_TILE)],
                         srcflat, ssem0)
        pltpu.async_copy(dst2d_hbm.at[pl.ds(w * _NBLK, _NBLK)], dstbuf, ssem0)
        pltpu.make_async_copy(zero_hbm.at[pl.ds(r0, _RPT)],
                              accS.at[pl.ds(r0, _RPT)], ssem0).wait()
        pltpu.make_async_copy(src_hbm.at[pl.ds(0, _E_PER_TILE)],
                              srcflat, ssem0).wait()
        pltpu.make_async_copy(dst2d_hbm.at[pl.ds(0, _NBLK)], dstbuf,
                              ssem0).wait()
        plsc.subcore_barrier()

        def gather_grp(grp, b):
            for kk in range(_GRP):
                idx = srcflat.at[pl.ds((grp * _GRP + kk) * _EBLK, _EBLK)]
                pltpu.async_copy(h_hbm.at[idx],
                                 rows[b].at[pl.ds(kk * _EBLK, _EBLK)],
                                 gsems[b])

        def buf_wait(b, sem):
            pltpu.make_async_copy(
                zero_hbm.at[pl.ds(0, rows_per_buf)], rows[b], sem).wait()

        def scat_grp(grp, b):
            for kk in range(_GRP):
                pltpu.async_copy(rows[b].at[pl.ds(kk * _EBLK, _EBLK)],
                                 accS.at[dstbuf.at[grp * _GRP + kk]],
                                 ssems[b], add=True)

        for b in range(_NBUF):
            gather_grp(b, b)

        def slot(grp, b, prefetch):
            buf_wait(b, gsems[b])
            scat_grp(grp, b)
            buf_wait(b, ssems[b])
            if prefetch:
                gather_grp(jnp.minimum(grp + _NBUF, _NGRP - 1), b)

        def body(g, carry):
            for b in range(_NBUF):
                slot(_NBUF * g + b, b, True)
            return carry

        lax.fori_loop(0, n_loop, body, 0)
        for b in range(n_tail):
            slot(n_loop * _NBUF + b, b, False)
        for b in range(n_tail, _NBUF):
            buf_wait(b, gsems[b])
        plsc.subcore_barrier()
        pltpu.sync_copy(accS.at[pl.ds(r0, _RPT)],
                        out_hbm.at[c, pl.ds(r0, _RPT)])

    return k



def _dinv(cnt_blk):
    return lax.rsqrt(1.0 + cnt_blk[0][:, 0:1] + cnt_blk[1][:, 0:1])


def _k1a_body(x_ref, w_ref, o_ref):
    o_ref[...] = jnp.dot(x_ref[...], w_ref[...],
                         preferred_element_type=jnp.float32)


def _k1b_body(g_ref, cnt_ref, o_ref):
    o_ref[...] = g_ref[...] * _dinv(cnt_ref)


def _k2_body(acc_ref, h_ref, cnt_ref, b_ref, o_ref):
    dinv = _dinv(cnt_ref)
    t = jnp.maximum(dinv * (acc_ref[0] + acc_ref[1] + h_ref[...]) + b_ref[...],
                    0.0)
    o_ref[...] = t * dinv


def _k3_body(acc_ref, t_ref, cnt_ref, w2_ref, b_ref, batch_ref,
             wfc_ref, bfc_ref, o_ref, pooled, counts):
    i = pl.program_id(0)

    @pl.when(i == 0)
    def _():
        pooled[...] = jnp.zeros_like(pooled)
        counts[...] = jnp.zeros_like(counts)

    dinv = _dinv(cnt_ref)
    u = dinv * (acc_ref[0] + acc_ref[1] + t_ref[...])
    out2 = jnp.maximum(
        jnp.dot(u, w2_ref[...], preferred_element_type=jnp.float32)
        + b_ref[...], 0.0)
    oh = (batch_ref[...] == lax.broadcasted_iota(jnp.int32, (1, _B), 1)
          ).astype(jnp.float32)
    cdims = (((0,), (0,)), ((), ()))
    pooled[...] += lax.dot_general(oh, out2, cdims,
                                   preferred_element_type=jnp.float32)
    counts[...] += lax.dot_general(oh, jnp.ones((_R, 1), jnp.float32), cdims,
                                   preferred_element_type=jnp.float32)

    @pl.when(i == _GRID - 1)
    def _():
        pm = pooled[...] / jnp.maximum(counts[...], 1.0)
        o_ref[...] = jnp.maximum(
            jnp.dot(pm, wfc_ref[...], preferred_element_type=jnp.float32)
            + bfc_ref[...], 0.0)


def _row_spec(d):
    return pl.BlockSpec((_R, d), lambda i: (i, 0))


def _full_spec(shape):
    return pl.BlockSpec(shape, lambda i: tuple(0 for _ in shape))


def _cnt_spec():
    return pl.BlockSpec((_NC, _R, _CW), lambda i: (0, i, 0))


def _acc_spec(d):
    return pl.BlockSpec((_NC, _R, d), lambda i: (0, i, 0))


@functools.lru_cache(maxsize=None)
def _k1a_call():
    return pl.pallas_call(
        _k1a_body,
        grid=(_GRID,),
        in_specs=[_row_spec(_D_IN), _full_spec((_D_IN, _H1))],
        out_specs=_row_spec(_H1),
        out_shape=jax.ShapeDtypeStruct((_N, _H1), jnp.float32),
    )


@functools.lru_cache(maxsize=None)
def _k1b_call():
    return pl.pallas_call(
        _k1b_body,
        grid=(_GRID,),
        in_specs=[_row_spec(_H1), _cnt_spec()],
        out_specs=_row_spec(_H1),
        out_shape=jax.ShapeDtypeStruct((_N, _H1), jnp.float32),
    )


@functools.lru_cache(maxsize=None)
def _k2_call():
    return pl.pallas_call(
        _k2_body,
        grid=(_GRID,),
        in_specs=[_acc_spec(_H1), _row_spec(_H1), _cnt_spec(),
                  _full_spec((1, _H1))],
        out_specs=_row_spec(_H1),
        out_shape=jax.ShapeDtypeStruct((_N, _H1), jnp.float32),
    )


@functools.lru_cache(maxsize=None)
def _k3_call():
    return pl.pallas_call(
        _k3_body,
        grid=(_GRID,),
        in_specs=[_acc_spec(_H1), _row_spec(_H1), _cnt_spec(),
                  _full_spec((_H1, _H2)), _full_spec((1, _H2)), _row_spec(1),
                  _full_spec((_H2, _D_OUT)), _full_spec((1, _D_OUT))],
        out_specs=_full_spec((_B, _D_OUT)),
        out_shape=jax.ShapeDtypeStruct((_B, _D_OUT), jnp.float32),
        scratch_shapes=[pltpu.VMEM((_B, _H2), jnp.float32),
                        pltpu.VMEM((_B, 1), jnp.float32)],
    )



def kernel(x, edge_index, batch, W1, b1, W2, b2, Wfc, bfc):
    f32 = jnp.float32
    i32 = jnp.int32
    pad_src = jnp.arange(_E_PAD - _E, dtype=i32) % _N
    src_pad = jnp.concatenate([edge_index[0].astype(i32), pad_src])
    pad_dst = _N + jnp.arange(_E_PAD - _E, dtype=i32) % (_NPAD - _N)
    dst_pad = jnp.concatenate([edge_index[1].astype(i32), pad_dst])
    dst2d = dst_pad.reshape(_E_PAD // _EBLK, _EBLK)
    batch2d = batch.astype(i32)[:, None]
    onesrow = jnp.tile(
        (jnp.arange(_CW) == 0).astype(f32)[None, :], (_EBLK, 1))
    z_deg = jnp.zeros((_NPAD, _CW), f32)
    z1 = jnp.zeros((_NPAD, _H1), f32)

    scat = _edge_scatter_kernel(_H1)
    cnt = _deg_kernel()(dst2d, onesrow, z_deg)
    g1 = _k1a_call()(x, W1)
    h1 = _k1b_call()(g1, cnt)
    acc1 = scat(src_pad, dst2d, h1, z1)
    t = _k2_call()(acc1, h1, cnt, b1.reshape(1, _H1))
    acc2 = scat(src_pad, dst2d, t, z1)
    out = _k3_call()(acc2, t, cnt, W2, b2.reshape(1, _H2),
                     batch2d, Wfc, bfc.reshape(1, _D_OUT))
    return out

# --- scband reference (transcript-rebuilt; emitter-appended) ---
"""Pipeline reference for scband-gcnmodel-58394375357080 (READ-ONLY COPY).

The authoritative reference and input builder live on the scoring server;
editing this copy changes nothing except your own understanding.
"""

import jax, jax.numpy as jnp
import numpy as np

N = 10000
E = 320000
D_IN = 128
D_OUT = 256
H1 = D_OUT // 4   # 64
H2 = D_OUT // 2   # 128
B = 64            # number of graphs in the batch


def setup_inputs(seed: int = 0) -> dict:
    key = jax.random.key(seed)
    k1, k2, k3, k4, k5, k6 = jax.random.split(key, 6)
    x = jax.random.normal(k1, (N, D_IN), dtype=jnp.float32)
    edge_index = jax.random.randint(k2, (2, E), 0, N, dtype=jnp.int32)
    batch = jnp.sort(jax.random.randint(k3, (N,), 0, B, dtype=jnp.int32))
    # GCNConv weights (PyG convention: lin has weight [out,in]; we store [in,out])
    W1 = jax.random.normal(k4, (D_IN, H1), dtype=jnp.float32) * 0.05
    b1 = jnp.zeros((H1,), dtype=jnp.float32)
    W2 = jax.random.normal(k5, (H1, H2), dtype=jnp.float32) * 0.05
    b2 = jnp.zeros((H2,), dtype=jnp.float32)
    Wfc = jax.random.normal(k6, (H2, D_OUT), dtype=jnp.float32) * 0.05
    bfc = jnp.zeros((D_OUT,), dtype=jnp.float32)
    return {"x": x, "edge_index": edge_index, "batch": batch,
            "W1": W1, "b1": b1, "W2": W2, "b2": b2, "Wfc": Wfc, "bfc": bfc}


def _gcn_conv(x, src, dst, norm, W, b, n):
    # x' = D^{-1/2} (A + I) D^{-1/2} X W + b  (PyG GCNConv, add_self_loops=True)
    h = x @ W
    msg = h[src] * norm[:, None]
    out = jnp.zeros((n, h.shape[1]), dtype=h.dtype).at[dst].add(msg)
    return out + b


def reference(x, edge_index, batch, W1, b1, W2, b2, Wfc, bfc):
    n = x.shape[0]
    loops = jnp.arange(n, dtype=edge_index.dtype)
    src = jnp.concatenate([edge_index[0], loops])
    dst = jnp.concatenate([edge_index[1], loops])
    # symmetric normalization with self-loops
    deg = jnp.zeros((n,), dtype=x.dtype).at[dst].add(1.0)
    dinv = jnp.where(deg > 0, 1.0 / jnp.sqrt(jnp.maximum(deg, 1.0)), 0.0)
    norm = dinv[src] * dinv[dst]
    # conv1 -> relu (dropout is identity in eval mode)
    h = jax.nn.relu(_gcn_conv(x, src, dst, norm, W1, b1, n))
    # conv2 -> relu
    h = jax.nn.relu(_gcn_conv(h, src, dst, norm, W2, b2, n))
    # global_mean_pool over batch assignment
    sums = jax.ops.segment_sum(h, batch, num_segments=B)
    counts = jax.ops.segment_sum(jnp.ones((n, 1), dtype=h.dtype), batch, num_segments=B)
    pooled = sums / jnp.maximum(counts, 1.0)
    # fc -> relu
    out = jax.nn.relu(pooled @ Wfc + bfc)
    return out

if __name__ == "__main__":
    import jax
    _d = setup_inputs()
    print(jax.jit(kernel)(*tuple(_d.values())))

</pallas_src>

<mosaic_0001>
#map = affine_map<(d0, d1) -> (0)>
#map1 = affine_map<(d0, d1) -> (0, 0)>
#map2 = affine_map<(d0, d1) -> (0, 0, 0)>
module attributes {stable_mosaic.version = 14 : i64} {
  func.func @k(%arg0: i32, %arg1: i32, %arg2: memref<327680xi32, #tpu.memory_space<hbm>>, %arg3: memref<2560x128xi32, #tpu.memory_space<hbm>>, %arg4: memref<10000x64xf32, #tpu.memory_space<hbm>>, %arg5: memref<10048x64xf32, #tpu.memory_space<hbm>>, %arg6: memref<2x10048x64xf32, #tpu.memory_space<hbm>>, %arg7: memref<10240xi32, #tpu.memory_space<vmem>>, %arg8: memref<80x128xi32, #tpu.memory_space<vmem>>, %arg9: memref<512x64xf32, #tpu.memory_space<vmem>>, %arg10: memref<512x64xf32, #tpu.memory_space<vmem>>, %arg11: memref<10048x64xf32, #tpu.memory_space<vmem_shared>>, %arg12: memref<!tpu.dma_semaphore, #tpu.memory_space<semaphore_mem>>, %arg13: memref<!tpu.dma_semaphore, #tpu.memory_space<semaphore_mem>>, %arg14: memref<!tpu.dma_semaphore, #tpu.memory_space<semaphore_mem>>, %arg15: memref<!tpu.dma_semaphore, #tpu.memory_space<semaphore_mem>>) attributes {dimension_semantics = [#tpu.dimension_semantics<core_parallel>, #tpu.dimension_semantics<subcore_parallel>], iteration_bounds = array<i64: 2, 16>, scalar_prefetch = 0 : i64, scratch_operands = 9 : i64, tpu.core_type = #tpu.core_type<sc_vector_subcore>, window_params = [{transform_indices = #map}, {transform_indices = #map1}, {transform_indices = #map1}, {transform_indices = #map1}, {transform_indices = #map2}]} {
    %mul3A = arith.constant 2 : i32
    %mul3A_0 = arith.muli %arg1, %mul3A : i32
    %add3A = arith.addi %mul3A_0, %arg0 : i32
    %mul3A_1 = arith.constant 628 : i32
    %mul3A_2 = arith.muli %arg1, %mul3A_1 : i32
    %dma_start3A = arith.constant 0 : i32
    %dma_start3A_3 = tpu.memref_slice %arg11[%mul3A_2, %dma_start3A] : memref<10048x64xf32, #tpu.memory_space<vmem_shared>> -> memref<628x64xf32, #tpu.memory_space<vmem_shared>>
    %dma_start3A_4 = arith.constant 0 : i32
    %dma_start3A_5 = tpu.memref_slice %arg5[%mul3A_2, %dma_start3A_4] : memref<10048x64xf32, #tpu.memory_space<hbm>> -> memref<628x64xf32, #tpu.memory_space<hbm>>
    tpu.enqueue_dma source(%dma_start3A_5 : memref<628x64xf32, #tpu.memory_space<hbm>>) target(%dma_start3A_3 : memref<628x64xf32, #tpu.memory_space<vmem_shared>>) target_semaphore(%arg14 : memref<!tpu.dma_semaphore, #tpu.memory_space<semaphore_mem>>)
    %mul3A_6 = arith.constant 10240 : i32
    %mul3A_7 = arith.muli %add3A, %mul3A_6 : i32
    %dma_start3A_8 = tpu.memref_slice %arg2[%mul3A_7] : memref<327680xi32, #tpu.memory_space<hbm>> -> memref<10240xi32, #tpu.memory_space<hbm>>
    %dma_start3A_9 = tpu.memref_slice %arg2[%mul3A_7] : memref<327680xi32, #tpu.memory_space<hbm>> -> memref<10240xi32, #tpu.memory_space<hbm>>
    tpu.enqueue_dma source(%dma_start3A_9 : memref<10240xi32, #tpu.memory_space<hbm>>) target(%arg7 : memref<10240xi32, #tpu.memory_space<vmem>>) target_semaphore(%arg14 : memref<!tpu.dma_semaphore, #tpu.memory_space<semaphore_mem>>)
    %mul3A_10 = arith.constant 80 : i32
    %mul3A_11 = arith.muli %add3A, %mul3A_10 : i32
    %dma_start3A_12 = arith.constant 0 : i32
    %dma_start3A_13 = tpu.memref_slice %arg3[%mul3A_11, %dma_start3A_12] : memref<2560x128xi32, #tpu.memory_space<hbm>> -> memref<80x128xi32, #tpu.memory_space<hbm>>
    %dma_start3A_14 = arith.constant 0 : i32
    %dma_start3A_15 = tpu.memref_slice %arg3[%mul3A_11, %dma_start3A_14] : memref<2560x128xi32, #tpu.memory_space<hbm>> -> memref<80x128xi32, #tpu.memory_space<hbm>>
    tpu.enqueue_dma source(%dma_start3A_15 : memref<80x128xi32, #tpu.memory_space<hbm>>) target(%arg8 : memref<80x128xi32, #tpu.memory_space<vmem>>) target_semaphore(%arg14 : memref<!tpu.dma_semaphore, #tpu.memory_space<semaphore_mem>>)
    %dma_wait3A = arith.constant 0 : i32
    %dma_wait3A_16 = tpu.memref_slice %arg11[%mul3A_2, %dma_wait3A] : memref<10048x64xf32, #tpu.memory_space<vmem_shared>> -> memref<628x64xf32, #tpu.memory_space<vmem_shared>>
    %dma_wait3A_17 = arith.constant 0 : i32
    %dma_wait3A_18 = tpu.memref_slice %arg5[%mul3A_2, %dma_wait3A_17] : memref<10048x64xf32, #tpu.memory_space<hbm>> -> memref<628x64xf32, #tpu.memory_space<hbm>>
    tpu.wait_dma2 semaphore(%arg14 : memref<!tpu.dma_semaphore, #tpu.memory_space<semaphore_mem>>) src(%dma_wait3A_18 : memref<628x64xf32, #tpu.memory_space<hbm>>) dst(%dma_wait3A_16 : memref<628x64xf32, #tpu.memory_space<vmem_shared>>)
    %dma_wait3A_19 = arith.constant 0 : i32
    %dma_wait3A_20 = tpu.memref_slice %arg2[%dma_wait3A_19] : memref<327680xi32, #tpu.memory_space<hbm>> -> memref<10240xi32, #tpu.memory_space<hbm>>
    %dma_wait3A_21 = arith.constant 0 : i32
    %dma_wait3A_22 = tpu.memref_slice %arg2[%dma_wait3A_21] : memref<327680xi32, #tpu.memory_space<hbm>> -> memref<10240xi32, #tpu.memory_space<hbm>>
    tpu.wait_dma2 semaphore(%arg14 : memref<!tpu.dma_semaphore, #tpu.memory_space<semaphore_mem>>) src(%dma_wait3A_22 : memref<10240xi32, #tpu.memory_space<hbm>>) dst(%arg7 : memref<10240xi32, #tpu.memory_space<vmem>>)
    %dma_wait3A_23 = arith.constant 0 : i32
    %dma_wait3A_24 = arith.constant 0 : i32
    %dma_wait3A_25 = tpu.memref_slice %arg3[%dma_wait3A_23, %dma_wait3A_24] : memref<2560x128xi32, #tpu.memory_space<hbm>> -> memref<80x128xi32, #tpu.memory_space<hbm>>
    %dma_wait3A_26 = arith.constant 0 : i32
    %dma_wait3A_27 = arith.constant 0 : i32
    %dma_wait3A_28 = tpu.memref_slice %arg3[%dma_wait3A_26, %dma_wait3A_27] : memref<2560x128xi32, #tpu.memory_space<hbm>> -> memref<80x128xi32, #tpu.memory_space<hbm>>
    tpu.wait_dma2 semaphore(%arg14 : memref<!tpu.dma_semaphore, #tpu.memory_space<semaphore_mem>>) src(%dma_wait3A_28 : memref<80x128xi32, #tpu.memory_space<hbm>>) dst(%arg8 : memref<80x128xi32, #tpu.memory_space<vmem>>)
    %barrier3A = arith.constant 0 : index
    tpu.barrier barrier_id(%barrier3A)
    %dma_start3A_29 = arith.constant 0 : i32
    %dma_start3A_30 = arith.constant 0 : i32
    %dma_start3A_31 = tpu.memref_slice %arg9[%dma_start3A_29, %dma_start3A_30] : memref<512x64xf32, #tpu.memory_space<vmem>> -> memref<128x64xf32, #tpu.memory_space<vmem>>
    %dma_start3A_32 = arith.constant 0 : i32
    %dma_start3A_33 = tpu.memref_slice %arg7[%dma_start3A_32] : memref<10240xi32, #tpu.memory_space<vmem>> -> memref<128xi32, #tpu.memory_space<vmem>>
    %dma_start3A_34 = arith.constant 0 : i32
    %dma_start3A_35 = arith.constant 0 : i32
    %dma_start3A_36 = tpu.memref_slice %arg4[%dma_start3A_34, %dma_start3A_35] : memref<10000x64xf32, #tpu.memory_space<hbm>> -> memref<10000x64xf32, #tpu.memory_space<hbm>>
    tpu.enqueue_indirect_dma source(%dma_start3A_36 : memref<10000x64xf32, #tpu.memory_space<hbm>>) target(%dma_start3A_31 : memref<128x64xf32, #tpu.memory_space<vmem>>) offsets(%dma_start3A_33 : memref<128xi32, #tpu.memory_space<vmem>>) semaphore(%arg12 : memref<!tpu.dma_semaphore, #tpu.memory_space<semaphore_mem>>)
    %dma_start3A_37 = arith.constant 128 : i32
    %dma_start3A_38 = arith.constant 0 : i32
    %dma_start3A_39 = tpu.memref_slice %arg9[%dma_start3A_37, %dma_start3A_38] : memref<512x64xf32, #tpu.memory_space<vmem>> -> memref<128x64xf32, #tpu.memory_space<vmem>>
    %dma_start3A_40 = arith.constant 128 : i32
    %dma_start3A_41 = tpu.memref_slice %arg7[%dma_start3A_40] : memref<10240xi32, #tpu.memory_space<vmem>> -> memref<128xi32, #tpu.memory_space<vmem>>
    %dma_start3A_42 = arith.constant 0 : i32
    %dma_start3A_43 = arith.constant 0 : i32
    %dma_start3A_44 = tpu.memref_slice %arg4[%dma_start3A_42, %dma_start3A_43] : memref<10000x64xf32, #tpu.memory_space<hbm>> -> memref<10000x64xf32, #tpu.memory_space<hbm>>
    tpu.enqueue_indirect_dma source(%dma_start3A_44 : memref<10000x64xf32, #tpu.memory_space<hbm>>) target(%dma_start3A_39 : memref<128x64xf32, #tpu.memory_space<vmem>>) offsets(%dma_start3A_41 : memref<128xi32, #tpu.memory_space<vmem>>) semaphore(%arg12 : memref<!tpu.dma_semaphore, #tpu.memory_space<semaphore_mem>>)
    %dma_start3A_45 = arith.constant 256 : i32
    %dma_start3A_46 = arith.constant 0 : i32
    %dma_start3A_47 = tpu.memref_slice %arg9[%dma_start3A_45, %dma_start3A_46] : memref<512x64xf32, #tpu.memory_space<vmem>> -> memref<128x64xf32, #tpu.memory_space<vmem>>
    %dma_start3A_48 = arith.constant 256 : i32
    %dma_start3A_49 = tpu.memref_slice %arg7[%dma_start3A_48] : memref<10240xi32, #tpu.memory_space<vmem>> -> memref<128xi32, #tpu.memory_space<vmem>>
    %dma_start3A_50 = arith.constant 0 : i32
    %dma_start3A_51 = arith.constant 0 : i32
    %dma_start3A_52 = tpu.memref_slice %arg4[%dma_start3A_50, %dma_start3A_51] : memref<10000x64xf32, #tpu.memory_space<hbm>> -> memref<10000x64xf32, #tpu.memory_space<hbm>>
    tpu.enqueue_indirect_dma source(%dma_start3A_52 : memref<10000x64xf32, #tpu.memory_space<hbm>>) target(%dma_start3A_47 : memref<128x64xf32, #tpu.memory_space<vmem>>) offsets(%dma_start3A_49 : memref<128xi32, #tpu.memory_space<vmem>>) semaphore(%arg12 : memref<!tpu.dma_semaphore, #tpu.memory_space<semaphore_mem>>)
    %dma_start3A_53 = arith.constant 384 : i32
    %dma_start3A_54 = arith.constant 0 : i32
    %dma_start3A_55 = tpu.memref_slice %arg9[%dma_start3A_53, %dma_start3A_54] : memref<512x64xf32, #tpu.memory_space<vmem>> -> memref<128x64xf32, #tpu.memory_space<vmem>>
    %dma_start3A_56 = arith.constant 384 : i32
    %dma_start3A_57 = tpu.memref_slice %arg7[%dma_start3A_56] : memref<10240xi32, #tpu.memory_space<vmem>> -> memref<128xi32, #tpu.memory_space<vmem>>
    %dma_start3A_58 = arith.constant 0 : i32
    %dma_start3A_59 = arith.constant 0 : i32
    %dma_start3A_60 = tpu.memref_slice %arg4[%dma_start3A_58, %dma_start3A_59] : memref<10000x64xf32, #tpu.memory_space<hbm>> -> memref<10000x64xf32, #tpu.memory_space<hbm>>
    tpu.enqueue_indirect_dma source(%dma_start3A_60 : memref<10000x64xf32, #tpu.memory_space<hbm>>) target(%dma_start3A_55 : memref<128x64xf32, #tpu.memory_space<vmem>>) offsets(%dma_start3A_57 : memref<128xi32, #tpu.memory_space<vmem>>) semaphore(%arg12 : memref<!tpu.dma_semaphore, #tpu.memory_space<semaphore_mem>>)
    %dma_start3A_61 = arith.constant 0 : i32
    %dma_start3A_62 = arith.constant 0 : i32
    %dma_start3A_63 = tpu.memref_slice %arg10[%dma_start3A_61, %dma_start3A_62] : memref<512x64xf32, #tpu.memory_space<vmem>> -> memref<128x64xf32, #tpu.memory_space<vmem>>
    %dma_start3A_64 = arith.constant 512 : i32
    %dma_start3A_65 = tpu.memref_slice %arg7[%dma_start3A_64] : memref<10240xi32, #tpu.memory_space<vmem>> -> memref<128xi32, #tpu.memory_space<vmem>>
    %dma_start3A_66 = arith.constant 0 : i32
    %dma_start3A_67 = arith.constant 0 : i32
    %dma_start3A_68 = tpu.memref_slice %arg4[%dma_start3A_66, %dma_start3A_67] : memref<10000x64xf32, #tpu.memory_space<hbm>> -> memref<10000x64xf32, #tpu.memory_space<hbm>>
    tpu.enqueue_indirect_dma source(%dma_start3A_68 : memref<10000x64xf32, #tpu.memory_space<hbm>>) target(%dma_start3A_63 : memref<128x64xf32, #tpu.memory_space<vmem>>) offsets(%dma_start3A_65 : memref<128xi32, #tpu.memory_space<vmem>>) semaphore(%arg13 : memref<!tpu.dma_semaphore, #tpu.memory_space<semaphore_mem>>)
    %dma_start3A_69 = arith.constant 128 : i32
    %dma_start3A_70 = arith.constant 0 : i32
    %dma_start3A_71 = tpu.memref_slice %arg10[%dma_start3A_69, %dma_start3A_70] : memref<512x64xf32, #tpu.memory_space<vmem>> -> memref<128x64xf32, #tpu.memory_space<vmem>>
    %dma_start3A_72 = arith.constant 640 : i32
    %dma_start3A_73 = tpu.memref_slice %arg7[%dma_start3A_72] : memref<10240xi32, #tpu.memory_space<vmem>> -> memref<128xi32, #tpu.memory_space<vmem>>
    %dma_start3A_74 = arith.constant 0 : i32
    %dma_start3A_75 = arith.constant 0 : i32
    %dma_start3A_76 = tpu.memref_slice %arg4[%dma_start3A_74, %dma_start3A_75] : memref<10000x64xf32, #tpu.memory_space<hbm>> -> memref<10000x64xf32, #tpu.memory_space<hbm>>
    tpu.enqueue_indirect_dma source(%dma_start3A_76 : memref<10000x64xf32, #tpu.memory_space<hbm>>) target(%dma_start3A_71 : memref<128x64xf32, #tpu.memory_space<vmem>>) offsets(%dma_start3A_73 : memref<128xi32, #tpu.memory_space<vmem>>) semaphore(%arg13 : memref<!tpu.dma_semaphore, #tpu.memory_space<semaphore_mem>>)
    %dma_start3A_77 = arith.constant 256 : i32
    %dma_start3A_78 = arith.constant 0 : i32
    %dma_start3A_79 = tpu.memref_slice %arg10[%dma_start3A_77, %dma_start3A_78] : memref<512x64xf32, #tpu.memory_space<vmem>> -> memref<128x64xf32, #tpu.memory_space<vmem>>
    %dma_start3A_80 = arith.constant 768 : i32
    %dma_start3A_81 = tpu.memref_slice %arg7[%dma_start3A_80] : memref<10240xi32, #tpu.memory_space<vmem>> -> memref<128xi32, #tpu.memory_space<vmem>>
    %dma_start3A_82 = arith.constant 0 : i32
    %dma_start3A_83 = arith.constant 0 : i32
    %dma_start3A_84 = tpu.memref_slice %arg4[%dma_start3A_82, %dma_start3A_83] : memref<10000x64xf32, #tpu.memory_space<hbm>> -> memref<10000x64xf32, #tpu.memory_space<hbm>>
    tpu.enqueue_indirect_dma source(%dma_start3A_84 : memref<10000x64xf32, #tpu.memory_space<hbm>>) target(%dma_start3A_79 : memref<128x64xf32, #tpu.memory_space<vmem>>) offsets(%dma_start3A_81 : memref<128xi32, #tpu.memory_space<vmem>>) semaphore(%arg13 : memref<!tpu.dma_semaphore, #tpu.memory_space<semaphore_mem>>)
    %dma_start3A_85 = arith.constant 384 : i32
    %dma_start3A_86 = arith.constant 0 : i32
    %dma_start3A_87 = tpu.memref_slice %arg10[%dma_start3A_85, %dma_start3A_86] : memref<512x64xf32, #tpu.memory_space<vmem>> -> memref<128x64xf32, #tpu.memory_space<vmem>>
    %dma_start3A_88 = arith.constant 896 : i32
    %dma_start3A_89 = tpu.memref_slice %arg7[%dma_start3A_88] : memref<10240xi32, #tpu.memory_space<vmem>> -> memref<128xi32, #tpu.memory_space<vmem>>
    %dma_start3A_90 = arith.constant 0 : i32
    %dma_start3A_91 = arith.constant 0 : i32
    %dma_start3A_92 = tpu.memref_slice %arg4[%dma_start3A_90, %dma_start3A_91] : memref<10000x64xf32, #tpu.memory_space<hbm>> -> memref<10000x64xf32, #tpu.memory_space<hbm>>
    tpu.enqueue_indirect_dma source(%dma_start3A_92 : memref<10000x64xf32, #tpu.memory_space<hbm>>) target(%dma_start3A_87 : memref<128x64xf32, #tpu.memory_space<vmem>>) offsets(%dma_start3A_89 : memref<128xi32, #tpu.memory_space<vmem>>) semaphore(%arg13 : memref<!tpu.dma_semaphore, #tpu.memory_space<semaphore_mem>>)
    %scan3A = arith.constant 0 : i32
    %scan3A_93 = arith.constant 0 : i32
    %scan3A_94 = arith.constant 10 : i32
    %scan3A_95 = arith.addi %scan3A_93, %scan3A_94 : i32
    %scan3A_96 = arith.constant 1 : i32
    scf.for %scan3A_111 = %scan3A_93 to %scan3A_95 step %scan3A_96  : i32 {
      %mul3A_112 = arith.constant 2 : i32
      %mul3A_113 = arith.muli %mul3A_112, %scan3A_111 : i32
      %add3A_114 = arith.constant 0 : i32
      %add3A_115 = arith.addi %mul3A_113, %add3A_114 : i32
      %dma_wait3A_116 = arith.constant 0 : i32
      %dma_wait3A_117 = arith.constant 0 : i32
      %dma_wait3A_118 = tpu.memref_slice %arg5[%dma_wait3A_116, %dma_wait3A_117] : memref<10048x64xf32, #tpu.memory_space<hbm>> -> memref<512x64xf32, #tpu.memory_space<hbm>>
      %dma_wait3A_119 = arith.constant 0 : i32
      %dma_wait3A_120 = arith.constant 0 : i32
      %dma_wait3A_121 = tpu.memref_slice %arg5[%dma_wait3A_119, %dma_wait3A_120] : memref<10048x64xf32, #tpu.memory_space<hbm>> -> memref<512x64xf32, #tpu.memory_space<hbm>>
      tpu.wait_dma2 semaphore(%arg12 : memref<!tpu.dma_semaphore, #tpu.memory_space<semaphore_mem>>) src(%dma_wait3A_121 : memref<512x64xf32, #tpu.memory_space<hbm>>) dst(%arg9 : memref<512x64xf32, #tpu.memory_space<vmem>>)
      %mul3A_122 = arith.constant 4 : i32
      %mul3A_123 = arith.muli %add3A_115, %mul3A_122 : i32
      %add3A_124 = arith.constant 0 : i32
      %add3A_125 = arith.addi %mul3A_123, %add3A_124 : i32
      %dma_start3A_126 = arith.constant 0 : i32
      %dma_start3A_127 = arith.constant 0 : i32
      %dma_start3A_128 = tpu.memref_slice %arg9[%dma_start3A_126, %dma_start3A_127] : memref<512x64xf32, #tpu.memory_space<vmem>> -> memref<128x64xf32, #tpu.memory_space<vmem>>
      %dma_start3A_129 = arith.constant 0 : i32
      %dma_start3A_130 = tpu.memref_slice %arg8[%add3A_125, %dma_start3A_129] : memref<80x128xi32, #tpu.memory_space<vmem>> -> memref<1x128xi32, #tpu.memory_space<vmem>>
      %dma_start3A_131 = tpu.memref_squeeze %dma_start3A_130 : memref<1x128xi32, #tpu.memory_space<vmem>> -> memref<128xi32, #tpu.memory_space<vmem>>
      %dma_start3A_132 = arith.constant 0 : i32
      %dma_start3A_133 = arith.constant 0 : i32
      %dma_start3A_134 = tpu.memref_slice %arg11[%dma_start3A_132, %dma_start3A_133] : memref<10048x64xf32, #tpu.memory_space<vmem_shared>> -> memref<10048x64xf32, #tpu.memory_space<vmem_shared>>
      tpu.enqueue_indirect_dma source(%dma_start3A_128 : memref<128x64xf32, #tpu.memory_space<vmem>>) target(%dma_start3A_134 : memref<10048x64xf32, #tpu.memory_space<vmem_shared>>) offsets(%dma_start3A_131 : memref<128xi32, #tpu.memory_space<vmem>>) semaphore(%arg14 : memref<!tpu.dma_semaphore, #tpu.memory_space<semaphore_mem>>) {add = true}
      %mul3A_135 = arith.constant 4 : i32
      %mul3A_136 = arith.muli %add3A_115, %mul3A_135 : i32
      %add3A_137 = arith.constant 1 : i32
      %add3A_138 = arith.addi %mul3A_136, %add3A_137 : i32
      %dma_start3A_139 = arith.constant 128 : i32
      %dma_start3A_140 = arith.constant 0 : i32
      %dma_start3A_141 = tpu.memref_slice %arg9[%dma_start3A_139, %dma_start3A_140] : memref<512x64xf32, #tpu.memory_space<vmem>> -> memref<128x64xf32, #tpu.memory_space<vmem>>
      %dma_start3A_142 = arith.constant 0 : i32
      %dma_start3A_143 = tpu.memref_slice %arg8[%add3A_138, %dma_start3A_142] : memref<80x128xi32, #tpu.memory_space<vmem>> -> memref<1x128xi32, #tpu.memory_space<vmem>>
      %dma_start3A_144 = tpu.memref_squeeze %dma_start3A_143 : memref<1x128xi32, #tpu.memory_space<vmem>> -> memref<128xi32, #tpu.memory_space<vmem>>
      %dma_start3A_145 = arith.constant 0 : i32
      %dma_start3A_146 = arith.constant 0 : i32
      %dma_start3A_147 = tpu.memref_slice %arg11[%dma_start3A_145, %dma_start3A_146] : memref<10048x64xf32, #tpu.memory_space<vmem_shared>> -> memref<10048x64xf32, #tpu.memory_space<vmem_shared>>
      tpu.enqueue_indirect_dma source(%dma_start3A_141 : memref<128x64xf32, #tpu.memory_space<vmem>>) target(%dma_start3A_147 : memref<10048x64xf32, #tpu.memory_space<vmem_shared>>) offsets(%dma_start3A_144 : memref<128xi32, #tpu.memory_space<vmem>>) semaphore(%arg14 : memref<!tpu.dma_semaphore, #tpu.memory_space<semaphore_mem>>) {add = true}
      %mul3A_148 = arith.constant 4 : i32
      %mul3A_149 = arith.muli %add3A_115, %mul3A_148 : i32
      %add3A_150 = arith.constant 2 : i32
      %add3A_151 = arith.addi %mul3A_149, %add3A_150 : i32
      %dma_start3A_152 = arith.constant 256 : i32
      %dma_start3A_153 = arith.constant 0 : i32
      %dma_start3A_154 = tpu.memref_slice %arg9[%dma_start3A_152, %dma_start3A_153] : memref<512x64xf32, #tpu.memory_space<vmem>> -> memref<128x64xf32, #tpu.memory_space<vmem>>
      %dma_start3A_155 = arith.constant 0 : i32
      %dma_start3A_156 = tpu.memref_slice %arg8[%add3A_151, %dma_start3A_155] : memref<80x128xi32, #tpu.memory_space<vmem>> -> memref<1x128xi32, #tpu.memory_space<vmem>>
      %dma_start3A_157 = tpu.memref_squeeze %dma_start3A_156 : memref<1x128xi32, #tpu.memory_space<vmem>> -> memref<128xi32, #tpu.memory_space<vmem>>
      %dma_start3A_158 = arith.constant 0 : i32
      %dma_start3A_159 = arith.constant 0 : i32
      %dma_start3A_160 = tpu.memref_slice %arg11[%dma_start3A_158, %dma_start3A_159] : memref<10048x64xf32, #tpu.memory_space<vmem_shared>> -> memref<10048x64xf32, #tpu.memory_space<vmem_shared>>
      tpu.enqueue_indirect_dma source(%dma_start3A_154 : memref<128x64xf32, #tpu.memory_space<vmem>>) target(%dma_start3A_160 : memref<10048x64xf32, #tpu.memory_space<vmem_shared>>) offsets(%dma_start3A_157 : memref<128xi32, #tpu.memory_space<vmem>>) semaphore(%arg14 : memref<!tpu.dma_semaphore, #tpu.memory_space<semaphore_mem>>) {add = true}
      %mul3A_161 = arith.constant 4 : i32
      %mul3A_162 = arith.muli %add3A_115, %mul3A_161 : i32
      %add3A_163 = arith.constant 3 : i32
      %add3A_164 = arith.addi %mul3A_162, %add3A_163 : i32
      %dma_start3A_165 = arith.constant 384 : i32
      %dma_start3A_166 = arith.constant 0 : i32
      %dma_start3A_167 = tpu.memref_slice %arg9[%dma_start3A_165, %dma_start3A_166] : memref<512x64xf32, #tpu.memory_space<vmem>> -> memref<128x64xf32, #tpu.memory_space<vmem>>
      %dma_start3A_168 = arith.constant 0 : i32
      %dma_start3A_169 = tpu.memref_slice %arg8[%add3A_164, %dma_start3A_168] : memref<80x128xi32, #tpu.memory_space<vmem>> -> memref<1x128xi32, #tpu.memory_space<vmem>>
      %dma_start3A_170 = tpu.memref_squeeze %dma_start3A_169 : memref<1x128xi32, #tpu.memory_space<vmem>> -> memref<128xi32, #tpu.memory_space<vmem>>
      %dma_start3A_171 = arith.constant 0 : i32
      %dma_start3A_172 = arith.constant 0 : i32
      %dma_start3A_173 = tpu.memref_slice %arg11[%dma_start3A_171, %dma_start3A_172] : memref<10048x64xf32, #tpu.memory_space<vmem_shared>> -> memref<10048x64xf32, #tpu.memory_space<vmem_shared>>
      tpu.enqueue_indirect_dma source(%dma_start3A_167 : memref<128x64xf32, #tpu.memory_space<vmem>>) target(%dma_start3A_173 : memref<10048x64xf32, #tpu.memory_space<vmem_shared>>) offsets(%dma_start3A_170 : memref<128xi32, #tpu.memory_space<vmem>>) semaphore(%arg14 : memref<!tpu.dma_semaphore, #tpu.memory_space<semaphore_mem>>) {add = true}
      %dma_wait3A_174 = arith.constant 0 : i32
      %dma_wait3A_175 = arith.constant 0 : i32
      %dma_wait3A_176 = tpu.memref_slice %arg5[%dma_wait3A_174, %dma_wait3A_175] : memref<10048x64xf32, #tpu.memory_space<hbm>> -> memref<512x64xf32, #tpu.memory_space<hbm>>
      %dma_wait3A_177 = arith.constant 0 : i32
      %dma_wait3A_178 = arith.constant 0 : i32
      %dma_wait3A_179 = tpu.memref_slice %arg5[%dma_wait3A_177, %dma_wait3A_178] : memref<10048x64xf32, #tpu.memory_space<hbm>> -> memref<512x64xf32, #tpu.memory_space<hbm>>
      tpu.wait_dma2 semaphore(%arg14 : memref<!tpu.dma_semaphore, #tpu.memory_space<semaphore_mem>>) src(%dma_wait3A_179 : memref<512x64xf32, #tpu.memory_space<hbm>>) dst(%arg9 : memref<512x64xf32, #tpu.memory_space<vmem>>)
      %add3A_180 = arith.constant 2 : i32
      %add3A_181 = arith.addi %add3A_115, %add3A_180 : i32
      %min3A = arith.constant 19 : i32
      %min3A_182 = arith.minsi %add3A_181, %min3A : i32
      %mul3A_183 = arith.constant 4 : i32
      %mul3A_184 = arith.muli %min3A_182, %mul3A_183 : i32
      %add3A_185 = arith.constant 0 : i32
      %add3A_186 = arith.addi %mul3A_184, %add3A_185 : i32
      %mul3A_187 = arith.constant 128 : i32
      %mul3A_188 = arith.muli %add3A_186, %mul3A_187 : i32
      %dma_start3A_189 = arith.constant 0 : i32
      %dma_start3A_190 = arith.constant 0 : i32
      %dma_start3A_191 = tpu.memref_slice %arg9[%dma_start3A_189, %dma_start3A_190] : memref<512x64xf32, #tpu.memory_space<vmem>> -> memref<128x64xf32, #tpu.memory_space<vmem>>
      %dma_start3A_192 = tpu.memref_slice %arg7[%mul3A_188] : memref<10240xi32, #tpu.memory_space<vmem>> -> memref<128xi32, #tpu.memory_space<vmem>>
      %dma_start3A_193 = arith.constant 0 : i32
      %dma_start3A_194 = arith.constant 0 : i32
      %dma_start3A_195 = tpu.memref_slice %arg4[%dma_start3A_193, %dma_start3A_194] : memref<10000x64xf32, #tpu.memory_space<hbm>> -> memref<10000x64xf32, #tpu.memory_space<hbm>>
      tpu.enqueue_indirect_dma source(%dma_start3A_195 : memref<10000x64xf32, #tpu.memory_space<hbm>>) target(%dma_start3A_191 : memref<128x64xf32, #tpu.memory_space<vmem>>) offsets(%dma_start3A_192 : memref<128xi32, #tpu.memory_space<vmem>>) semaphore(%arg12 : memref<!tpu.dma_semaphore, #tpu.memory_space<semaphore_mem>>)
      %mul3A_196 = arith.constant 4 : i32
      %mul3A_197 = arith.muli %min3A_182, %mul3A_196 : i32
      %add3A_198 = arith.constant 1 : i32
      %add3A_199 = arith.addi %mul3A_197, %add3A_198 : i32
      %mul3A_200 = arith.constant 128 : i32
      %mul3A_201 = arith.muli %add3A_199, %mul3A_200 : i32
      %dma_start3A_202 = arith.constant 128 : i32
      %dma_start3A_203 = arith.constant 0 : i32
      %dma_start3A_204 = tpu.memref_slice %arg9[%dma_start3A_202, %dma_start3A_203] : memref<512x64xf32, #tpu.memory_space<vmem>> -> memref<128x64xf32, #tpu.memory_space<vmem>>
      %dma_start3A_205 = tpu.memref_slice %arg7[%mul3A_201] : memref<10240xi32, #tpu.memory_space<vmem>> -> memref<128xi32, #tpu.memory_space<vmem>>
      %dma_start3A_206 = arith.constant 0 : i32
      %dma_start3A_207 = arith.constant 0 : i32
      %dma_start3A_208 = tpu.memref_slice %arg4[%dma_start3A_206, %dma_start3A_207] : memref<10000x64xf32, #tpu.memory_space<hbm>> -> memref<10000x64xf32, #tpu.memory_space<hbm>>
      tpu.enqueue_indirect_dma source(%dma_start3A_208 : memref<10000x64xf32, #tpu.memory_space<hbm>>) target(%dma_start3A_204 : memref<128x64xf32, #tpu.memory_space<vmem>>) offsets(%dma_start3A_205 : memref<128xi32, #tpu.memory_space<vmem>>) semaphore(%arg12 : memref<!tpu.dma_semaphore, #tpu.memory_space<semaphore_mem>>)
      %mul3A_209 = arith.constant 4 : i32
      %mul3A_210 = arith.muli %min3A_182, %mul3A_209 : i32
      %add3A_211 = arith.constant 2 : i32
      %add3A_212 = arith.addi %mul3A_210, %add3A_211 : i32
      %mul3A_213 = arith.constant 128 : i32
      %mul3A_214 = arith.muli %add3A_212, %mul3A_213 : i32
      %dma_start3A_215 = arith.constant 256 : i32
      %dma_start3A_216 = arith.constant 0 : i32
      %dma_start3A_217 = tpu.memref_slice %arg9[%dma_start3A_215, %dma_start3A_216] : memref<512x64xf32, #tpu.memory_space<vmem>> -> memref<128x64xf32, #tpu.memory_space<vmem>>
      %dma_start3A_218 = tpu.memref_slice %arg7[%mul3A_214] : memref<10240xi32, #tpu.memory_space<vmem>> -> memref<128xi32, #tpu.memory_space<vmem>>
      %dma_start3A_219 = arith.constant 0 : i32
      %dma_start3A_220 = arith.constant 0 : i32
      %dma_start3A_221 = tpu.memref_slice %arg4[%dma_start3A_219, %dma_start3A_220] : memref<10000x64xf32, #tpu.memory_space<hbm>> -> memref<10000x64xf32, #tpu.memory_space<hbm>>
      tpu.enqueue_indirect_dma source(%dma_start3A_221 : memref<10000x64xf32, #tpu.memory_space<hbm>>) target(%dma_start3A_217 : memref<128x64xf32, #tpu.memory_space<vmem>>) offsets(%dma_start3A_218 : memref<128xi32, #tpu.memory_space<vmem>>) semaphore(%arg12 : memref<!tpu.dma_semaphore, #tpu.memory_space<semaphore_mem>>)
      %mul3A_222 = arith.constant 4 : i32
      %mul3A_223 = arith.muli %min3A_182, %mul3A_222 : i32
      %add3A_224 = arith.constant 3 : i32
      %add3A_225 = arith.addi %mul3A_223, %add3A_224 : i32
      %mul3A_226 = arith.constant 128 : i32
      %mul3A_227 = arith.muli %add3A_225, %mul3A_226 : i32
      %dma_start3A_228 = arith.constant 384 : i32
      %dma_start3A_229 = arith.constant 0 : i32
      %dma_start3A_230 = tpu.memref_slice %arg9[%dma_start3A_228, %dma_start3A_229] : memref<512x64xf32, #tpu.memory_space<vmem>> -> memref<128x64xf32, #tpu.memory_space<vmem>>
      %dma_start3A_231 = tpu.memref_slice %arg7[%mul3A_227] : memref<10240xi32, #tpu.memory_space<vmem>> -> memref<128xi32, #tpu.memory_space<vmem>>
      %dma_start3A_232 = arith.constant 0 : i32
      %dma_start3A_233 = arith.constant 0 : i32
      %dma_start3A_234 = tpu.memref_slice %arg4[%dma_start3A_232, %dma_start3A_233] : memref<10000x64xf32, #tpu.memory_space<hbm>> -> memref<10000x64xf32, #tpu.memory_space<hbm>>
      tpu.enqueue_indirect_dma source(%dma_start3A_234 : memref<10000x64xf32, #tpu.memory_space<hbm>>) target(%dma_start3A_230 : memref<128x64xf32, #tpu.memory_space<vmem>>) offsets(%dma_start3A_231 : memref<128xi32, #tpu.memory_space<vmem>>) semaphore(%arg12 : memref<!tpu.dma_semaphore, #tpu.memory_space<semaphore_mem>>)
      %mul3A_235 = arith.constant 2 : i32
      %mul3A_236 = arith.muli %mul3A_235, %scan3A_111 : i32
      %add3A_237 = arith.constant 1 : i32
      %add3A_238 = arith.addi %mul3A_236, %add3A_237 : i32
      %dma_wait3A_239 = arith.constant 0 : i32
      %dma_wait3A_240 = arith.constant 0 : i32
      %dma_wait3A_241 = tpu.memref_slice %arg5[%dma_wait3A_239, %dma_wait3A_240] : memref<10048x64xf32, #tpu.memory_space<hbm>> -> memref<512x64xf32, #tpu.memory_space<hbm>>
      %dma_wait3A_242 = arith.constant 0 : i32
      %dma_wait3A_243 = arith.constant 0 : i32
      %dma_wait3A_244 = tpu.memref_slice %arg5[%dma_wait3A_242, %dma_wait3A_243] : memref<10048x64xf32, #tpu.memory_space<hbm>> -> memref<512x64xf32, #tpu.memory_space<hbm>>
      tpu.wait_dma2 semaphore(%arg13 : memref<!tpu.dma_semaphore, #tpu.memory_space<semaphore_mem>>) src(%dma_wait3A_244 : memref<512x64xf32, #tpu.memory_space<hbm>>) dst(%arg10 : memref<512x64xf32, #tpu.memory_space<vmem>>)
      %mul3A_245 = arith.constant 4 : i32
      %mul3A_246 = arith.muli %add3A_238, %mul3A_245 : i32
      %add3A_247 = arith.constant 0 : i32
      %add3A_248 = arith.addi %mul3A_246, %add3A_247 : i32
      %dma_start3A_249 = arith.constant 0 : i32
      %dma_start3A_250 = arith.constant 0 : i32
      %dma_start3A_251 = tpu.memref_slice %arg10[%dma_start3A_249, %dma_start3A_250] : memref<512x64xf32, #tpu.memory_space<vmem>> -> memref<128x64xf32, #tpu.memory_space<vmem>>
      %dma_start3A_252 = arith.constant 0 : i32
      %dma_start3A_253 = tpu.memref_slice %arg8[%add3A_248, %dma_start3A_252] : memref<80x128xi32, #tpu.memory_space<vmem>> -> memref<1x128xi32, #tpu.memory_space<vmem>>
      %dma_start3A_254 = tpu.memref_squeeze %dma_start3A_253 : memref<1x128xi32, #tpu.memory_space<vmem>> -> memref<128xi32, #tpu.memory_space<vmem>>
      %dma_start3A_255 = arith.constant 0 : i32
      %dma_start3A_256 = arith.constant 0 : i32
      %dma_start3A_257 = tpu.memref_slice %arg11[%dma_start3A_255, %dma_start3A_256] : memref<10048x64xf32, #tpu.memory_space<vmem_shared>> -> memref<10048x64xf32, #tpu.memory_space<vmem_shared>>
      tpu.enqueue_indirect_dma source(%dma_start3A_251 : memref<128x64xf32, #tpu.memory_space<vmem>>) target(%dma_start3A_257 : memref<10048x64xf32, #tpu.memory_space<vmem_shared>>) offsets(%dma_start3A_254 : memref<128xi32, #tpu.memory_space<vmem>>) semaphore(%arg15 : memref<!tpu.dma_semaphore, #tpu.memory_space<semaphore_mem>>) {add = true}
      %mul3A_258 = arith.constant 4 : i32
      %mul3A_259 = arith.muli %add3A_238, %mul3A_258 : i32
      %add3A_260 = arith.constant 1 : i32
      %add3A_261 = arith.addi %mul3A_259, %add3A_260 : i32
      %dma_start3A_262 = arith.constant 128 : i32
      %dma_start3A_263 = arith.constant 0 : i32
      %dma_start3A_264 = tpu.memref_slice %arg10[%dma_start3A_262, %dma_start3A_263] : memref<512x64xf32, #tpu.memory_space<vmem>> -> memref<128x64xf32, #tpu.memory_space<vmem>>
      %dma_start3A_265 = arith.constant 0 : i32
      %dma_start3A_266 = tpu.memref_slice %arg8[%add3A_261, %dma_start3A_265] : memref<80x128xi32, #tpu.memory_space<vmem>> -> memref<1x128xi32, #tpu.memory_space<vmem>>
      %dma_start3A_267 = tpu.memref_squeeze %dma_start3A_266 : memref<1x128xi32, #tpu.memory_space<vmem>> -> memref<128xi32, #tpu.memory_space<vmem>>
      %dma_start3A_268 = arith.constant 0 : i32
      %dma_start3A_269 = arith.constant 0 : i32
      %dma_start3A_270 = tpu.memref_slice %arg11[%dma_start3A_268, %dma_start3A_269] : memref<10048x64xf32, #tpu.memory_space<vmem_shared>> -> memref<10048x64xf32, #tpu.memory_space<vmem_shared>>
      tpu.enqueue_indirect_dma source(%dma_start3A_264 : memref<128x64xf32, #tpu.memory_space<vmem>>) target(%dma_start3A_270 : memref<10048x64xf32, #tpu.memory_space<vmem_shared>>) offsets(%dma_start3A_267 : memref<128xi32, #tpu.memory_space<vmem>>) semaphore(%arg15 : memref<!tpu.dma_semaphore, #tpu.memory_space<semaphore_mem>>) {add = true}
      %mul3A_271 = arith.constant 4 : i32
      %mul3A_272 = arith.muli %add3A_238, %mul3A_271 : i32
      %add3A_273 = arith.constant 2 : i32
      %add3A_274 = arith.addi %mul3A_272, %add3A_273 : i32
      %dma_start3A_275 = arith.constant 256 : i32
      %dma_start3A_276 = arith.constant 0 : i32
      %dma_start3A_277 = tpu.memref_slice %arg10[%dma_start3A_275, %dma_start3A_276] : memref<512x64xf32, #tpu.memory_space<vmem>> -> memref<128x64xf32, #tpu.memory_space<vmem>>
      %dma_start3A_278 = arith.constant 0 : i32
      %dma_start3A_279 = tpu.memref_slice %arg8[%add3A_274, %dma_start3A_278] : memref<80x128xi32, #tpu.memory_space<vmem>> -> memref<1x128xi32, #tpu.memory_space<vmem>>
      %dma_start3A_280 = tpu.memref_squeeze %dma_start3A_279 : memref<1x128xi32, #tpu.memory_space<vmem>> -> memref<128xi32, #tpu.memory_space<vmem>>
      %dma_start3A_281 = arith.constant 0 : i32
      %dma_start3A_282 = arith.constant 0 : i32
      %dma_start3A_283 = tpu.memref_slice %arg11[%dma_start3A_281, %dma_start3A_282] : memref<10048x64xf32, #tpu.memory_space<vmem_shared>> -> memref<10048x64xf32, #tpu.memory_space<vmem_shared>>
      tpu.enqueue_indirect_dma source(%dma_start3A_277 : memref<128x64xf32, #tpu.memory_space<vmem>>) target(%dma_start3A_283 : memref<10048x64xf32, #tpu.memory_space<vmem_shared>>) offsets(%dma_start3A_280 : memref<128xi32, #tpu.memory_space<vmem>>) semaphore(%arg15 : memref<!tpu.dma_semaphore, #tpu.memory_space<semaphore_mem>>) {add = true}
      %mul3A_284 = arith.constant 4 : i32
      %mul3A_285 = arith.muli %add3A_238, %mul3A_284 : i32
      %add3A_286 = arith.constant 3 : i32
      %add3A_287 = arith.addi %mul3A_285, %add3A_286 : i32
      %dma_start3A_288 = arith.constant 384 : i32
      %dma_start3A_289 = arith.constant 0 : i32
      %dma_start3A_290 = tpu.memref_slice %arg10[%dma_start3A_288, %dma_start3A_289] : memref<512x64xf32, #tpu.memory_space<vmem>> -> memref<128x64xf32, #tpu.memory_space<vmem>>
      %dma_start3A_291 = arith.constant 0 : i32
      %dma_start3A_292 = tpu.memref_slice %arg8[%add3A_287, %dma_start3A_291] : memref<80x128xi32, #tpu.memory_space<vmem>> -> memref<1x128xi32, #tpu.memory_space<vmem>>
      %dma_start3A_293 = tpu.memref_squeeze %dma_start3A_292 : memref<1x128xi32, #tpu.memory_space<vmem>> -> memref<128xi32, #tpu.memory_space<vmem>>
      %dma_start3A_294 = arith.constant 0 : i32
      %dma_start3A_295 = arith.constant 0 : i32
      %dma_start3A_296 = tpu.memref_slice %arg11[%dma_start3A_294, %dma_start3A_295] : memref<10048x64xf32, #tpu.memory_space<vmem_shared>> -> memref<10048x64xf32, #tpu.memory_space<vmem_shared>>
      tpu.enqueue_indirect_dma source(%dma_start3A_290 : memref<128x64xf32, #tpu.memory_space<vmem>>) target(%dma_start3A_296 : memref<10048x64xf32, #tpu.memory_space<vmem_shared>>) offsets(%dma_start3A_293 : memref<128xi32, #tpu.memory_space<vmem>>) semaphore(%arg15 : memref<!tpu.dma_semaphore, #tpu.memory_space<semaphore_mem>>) {add = true}
      %dma_wait3A_297 = arith.constant 0 : i32
      %dma_wait3A_298 = arith.constant 0 : i32
      %dma_wait3A_299 = tpu.memref_slice %arg5[%dma_wait3A_297, %dma_wait3A_298] : memref<10048x64xf32, #tpu.memory_space<hbm>> -> memref<512x64xf32, #tpu.memory_space<hbm>>
      %dma_wait3A_300 = arith.constant 0 : i32
      %dma_wait3A_301 = arith.constant 0 : i32
      %dma_wait3A_302 = tpu.memref_slice %arg5[%dma_wait3A_300, %dma_wait3A_301] : memref<10048x64xf32, #tpu.memory_space<hbm>> -> memref<512x64xf32, #tpu.memory_space<hbm>>
      tpu.wait_dma2 semaphore(%arg15 : memref<!tpu.dma_semaphore, #tpu.memory_space<semaphore_mem>>) src(%dma_wait3A_302 : memref<512x64xf32, #tpu.memory_space<hbm>>) dst(%arg10 : memref<512x64xf32, #tpu.memory_space<vmem>>)
      %add3A_303 = arith.constant 2 : i32
      %add3A_304 = arith.addi %add3A_238, %add3A_303 : i32
      %min3A_305 = arith.constant 19 : i32
      %min3A_306 = arith.minsi %add3A_304, %min3A_305 : i32
      %mul3A_307 = arith.constant 4 : i32
      %mul3A_308 = arith.muli %min3A_306, %mul3A_307 : i32
      %add3A_309 = arith.constant 0 : i32
      %add3A_310 = arith.addi %mul3A_308, %add3A_309 : i32
      %mul3A_311 = arith.constant 128 : i32
      %mul3A_312 = arith.muli %add3A_310, %mul3A_311 : i32
      %dma_start3A_313 = arith.constant 0 : i32
      %dma_start3A_314 = arith.constant 0 : i32
      %dma_start3A_315 = tpu.memref_slice %arg10[%dma_start3A_313, %dma_start3A_314] : memref<512x64xf32, #tpu.memory_space<vmem>> -> memref<128x64xf32, #tpu.memory_space<vmem>>
      %dma_start3A_316 = tpu.memref_slice %arg7[%mul3A_312] : memref<10240xi32, #tpu.memory_space<vmem>> -> memref<128xi32, #tpu.memory_space<vmem>>
      %dma_start3A_317 = arith.constant 0 : i32
      %dma_start3A_318 = arith.constant 0 : i32
      %dma_start3A_319 = tpu.memref_slice %arg4[%dma_start3A_317, %dma_start3A_318] : memref<10000x64xf32, #tpu.memory_space<hbm>> -> memref<10000x64xf32, #tpu.memory_space<hbm>>
      tpu.enqueue_indirect_dma source(%dma_start3A_319 : memref<10000x64xf32, #tpu.memory_space<hbm>>) target(%dma_start3A_315 : memref<128x64xf32, #tpu.memory_space<vmem>>) offsets(%dma_start3A_316 : memref<128xi32, #tpu.memory_space<vmem>>) semaphore(%arg13 : memref<!tpu.dma_semaphore, #tpu.memory_space<semaphore_mem>>)
      %mul3A_320 = arith.constant 4 : i32
      %mul3A_321 = arith.muli %min3A_306, %mul3A_320 : i32
      %add3A_322 = arith.constant 1 : i32
      %add3A_323 = arith.addi %mul3A_321, %add3A_322 : i32
      %mul3A_324 = arith.constant 128 : i32
      %mul3A_325 = arith.muli %add3A_323, %mul3A_324 : i32
      %dma_start3A_326 = arith.constant 128 : i32
      %dma_start3A_327 = arith.constant 0 : i32
      %dma_start3A_328 = tpu.memref_slice %arg10[%dma_start3A_326, %dma_start3A_327] : memref<512x64xf32, #tpu.memory_space<vmem>> -> memref<128x64xf32, #tpu.memory_space<vmem>>
      %dma_start3A_329 = tpu.memref_slice %arg7[%mul3A_325] : memref<10240xi32, #tpu.memory_space<vmem>> -> memref<128xi32, #tpu.memory_space<vmem>>
      %dma_start3A_330 = arith.constant 0 : i32
      %dma_start3A_331 = arith.constant 0 : i32
      %dma_start3A_332 = tpu.memref_slice %arg4[%dma_start3A_330, %dma_start3A_331] : memref<10000x64xf32, #tpu.memory_space<hbm>> -> memref<10000x64xf32, #tpu.memory_space<hbm>>
      tpu.enqueue_indirect_dma source(%dma_start3A_332 : memref<10000x64xf32, #tpu.memory_space<hbm>>) target(%dma_start3A_328 : memref<128x64xf32, #tpu.memory_space<vmem>>) offsets(%dma_start3A_329 : memref<128xi32, #tpu.memory_space<vmem>>) semaphore(%arg13 : memref<!tpu.dma_semaphore, #tpu.memory_space<semaphore_mem>>)
      %mul3A_333 = arith.constant 4 : i32
      %mul3A_334 = arith.muli %min3A_306, %mul3A_333 : i32
      %add3A_335 = arith.constant 2 : i32
      %add3A_336 = arith.addi %mul3A_334, %add3A_335 : i32
      %mul3A_337 = arith.constant 128 : i32
      %mul3A_338 = arith.muli %add3A_336, %mul3A_337 : i32
      %dma_start3A_339 = arith.constant 256 : i32
      %dma_start3A_340 = arith.constant 0 : i32
      %dma_start3A_341 = tpu.memref_slice %arg10[%dma_start3A_339, %dma_start3A_340] : memref<512x64xf32, #tpu.memory_space<vmem>> -> memref<128x64xf32, #tpu.memory_space<vmem>>
      %dma_start3A_342 = tpu.memref_slice %arg7[%mul3A_338] : memref<10240xi32, #tpu.memory_space<vmem>> -> memref<128xi32, #tpu.memory_space<vmem>>
      %dma_start3A_343 = arith.constant 0 : i32
      %dma_start3A_344 = arith.constant 0 : i32
      %dma_start3A_345 = tpu.memref_slice %arg4[%dma_start3A_343, %dma_start3A_344] : memref<10000x64xf32, #tpu.memory_space<hbm>> -> memref<10000x64xf32, #tpu.memory_space<hbm>>
      tpu.enqueue_indirect_dma source(%dma_start3A_345 : memref<10000x64xf32, #tpu.memory_space<hbm>>) target(%dma_start3A_341 : memref<128x64xf32, #tpu.memory_space<vmem>>) offsets(%dma_start3A_342 : memref<128xi32, #tpu.memory_space<vmem>>) semaphore(%arg13 : memref<!tpu.dma_semaphore, #tpu.memory_space<semaphore_mem>>)
      %mul3A_346 = arith.constant 4 : i32
      %mul3A_347 = arith.muli %min3A_306, %mul3A_346 : i32
      %add3A_348 = arith.constant 3 : i32
      %add3A_349 = arith.addi %mul3A_347, %add3A_348 : i32
      %mul3A_350 = arith.constant 128 : i32
      %mul3A_351 = arith.muli %add3A_349, %mul3A_350 : i32
      %dma_start3A_352 = arith.constant 384 : i32
      %dma_start3A_353 = arith.constant 0 : i32
      %dma_start3A_354 = tpu.memref_slice %arg10[%dma_start3A_352, %dma_start3A_353] : memref<512x64xf32, #tpu.memory_space<vmem>> -> memref<128x64xf32, #tpu.memory_space<vmem>>
      %dma_start3A_355 = tpu.memref_slice %arg7[%mul3A_351] : memref<10240xi32, #tpu.memory_space<vmem>> -> memref<128xi32, #tpu.memory_space<vmem>>
      %dma_start3A_356 = arith.constant 0 : i32
      %dma_start3A_357 = arith.constant 0 : i32
      %dma_start3A_358 = tpu.memref_slice %arg4[%dma_start3A_356, %dma_start3A_357] : memref<10000x64xf32, #tpu.memory_space<hbm>> -> memref<10000x64xf32, #tpu.memory_space<hbm>>
      tpu.enqueue_indirect_dma source(%dma_start3A_358 : memref<10000x64xf32, #tpu.memory_space<hbm>>) target(%dma_start3A_354 : memref<128x64xf32, #tpu.memory_space<vmem>>) offsets(%dma_start3A_355 : memref<128xi32, #tpu.memory_space<vmem>>) semaphore(%arg13 : memref<!tpu.dma_semaphore, #tpu.memory_space<semaphore_mem>>)
    }
    %scan3A_97 = arith.constant 10 : i32
    %dma_wait3A_98 = arith.constant 0 : i32
    %dma_wait3A_99 = arith.constant 0 : i32
    %dma_wait3A_100 = tpu.memref_slice %arg5[%dma_wait3A_98, %dma_wait3A_99] : memref<10048x64xf32, #tpu.memory_space<hbm>> -> memref<512x64xf32, #tpu.memory_space<hbm>>
    %dma_wait3A_101 = arith.constant 0 : i32
    %dma_wait3A_102 = arith.constant 0 : i32
    %dma_wait3A_103 = tpu.memref_slice %arg5[%dma_wait3A_101, %dma_wait3A_102] : memref<10048x64xf32, #tpu.memory_space<hbm>> -> memref<512x64xf32, #tpu.memory_space<hbm>>
    tpu.wait_dma2 semaphore(%arg12 : memref<!tpu.dma_semaphore, #tpu.memory_space<semaphore_mem>>) src(%dma_wait3A_103 : memref<512x64xf32, #tpu.memory_space<hbm>>) dst(%arg9 : memref<512x64xf32, #tpu.memory_space<vmem>>)
    %dma_wait3A_104 = arith.constant 0 : i32
    %dma_wait3A_105 = arith.constant 0 : i32
    %dma_wait3A_106 = tpu.memref_slice %arg5[%dma_wait3A_104, %dma_wait3A_105] : memref<10048x64xf32, #tpu.memory_space<hbm>> -> memref<512x64xf32, #tpu.memory_space<hbm>>
    %dma_wait3A_107 = arith.constant 0 : i32
    %dma_wait3A_108 = arith.constant 0 : i32
    %dma_wait3A_109 = tpu.memref_slice %arg5[%dma_wait3A_107, %dma_wait3A_108] : memref<10048x64xf32, #tpu.memory_space<hbm>> -> memref<512x64xf32, #tpu.memory_space<hbm>>
    tpu.wait_dma2 semaphore(%arg13 : memref<!tpu.dma_semaphore, #tpu.memory_space<semaphore_mem>>) src(%dma_wait3A_109 : memref<512x64xf32, #tpu.memory_space<hbm>>) dst(%arg10 : memref<512x64xf32, #tpu.memory_space<vmem>>)
    %barrier3A_110 = arith.constant 0 : index
    tpu.barrier barrier_id(%barrier3A_110)
    "tpu.region"() ({
      %run_scoped3A = tpu.sem_alloc : memref<!tpu.dma_semaphore, #tpu.memory_space<semaphore_mem>>
      %dma_start3A_111 = arith.constant 0 : i32
      %dma_start3A_112 = tpu.memref_slice %arg6[%arg0, %mul3A_2, %dma_start3A_111] : memref<2x10048x64xf32, #tpu.memory_space<hbm>> -> memref<1x628x64xf32, #tpu.memory_space<hbm>>
      %dma_start3A_113 = tpu.memref_squeeze %dma_start3A_112 : memref<1x628x64xf32, #tpu.memory_space<hbm>> -> memref<628x64xf32, #tpu.memory_space<hbm>>
      %dma_start3A_114 = arith.constant 0 : i32
      %dma_start3A_115 = tpu.memref_slice %arg11[%mul3A_2, %dma_start3A_114] : memref<10048x64xf32, #tpu.memory_space<vmem_shared>> -> memref<628x64xf32, #tpu.memory_space<vmem_shared>>
      tpu.enqueue_dma source(%dma_start3A_115 : memref<628x64xf32, #tpu.memory_space<vmem_shared>>) target(%dma_start3A_113 : memref<628x64xf32, #tpu.memory_space<hbm>>) target_semaphore(%run_scoped3A : memref<!tpu.dma_semaphore, #tpu.memory_space<semaphore_mem>>)
      %dma_wait3A_116 = arith.constant 0 : i32
      %dma_wait3A_117 = tpu.memref_slice %arg6[%arg0, %mul3A_2, %dma_wait3A_116] : memref<2x10048x64xf32, #tpu.memory_space<hbm>> -> memref<1x628x64xf32, #tpu.memory_space<hbm>>
      %dma_wait3A_118 = tpu.memref_squeeze %dma_wait3A_117 : memref<1x628x64xf32, #tpu.memory_space<hbm>> -> memref<628x64xf32, #tpu.memory_space<hbm>>
      %dma_wait3A_119 = arith.constant 0 : i32
      %dma_wait3A_120 = tpu.memref_slice %arg11[%mul3A_2, %dma_wait3A_119] : memref<10048x64xf32, #tpu.memory_space<vmem_shared>> -> memref<628x64xf32, #tpu.memory_space<vmem_shared>>
      tpu.wait_dma2 semaphore(%run_scoped3A : memref<!tpu.dma_semaphore, #tpu.memory_space<semaphore_mem>>) src(%dma_wait3A_120 : memref<628x64xf32, #tpu.memory_space<vmem_shared>>) dst(%dma_wait3A_118 : memref<628x64xf32, #tpu.memory_space<hbm>>)
      tpu.yield
    }) : () -> ()
    return
  }
}

#map = affine_map<(d0, d1) -> (0)>
#map1 = affine_map<(d0, d1) -> (0, 0)>
#map2 = affine_map<(d0, d1) -> (0, 0, 0)>
module attributes {stable_mosaic.version = 14 : i64} {
  func.func @k(%arg0: i32, %arg1: i32, %arg2: memref<327680xi32, #tpu.memory_space<hbm>>, %arg3: memref<2560x128xi32, #tpu.memory_space<hbm>>, %arg4: memref<10000x64xf32, #tpu.memory_space<hbm>>, %arg5: memref<10048x64xf32, #tpu.memory_space<hbm>>, %arg6: memref<2x10048x64xf32, #tpu.memory_space<hbm>>, %arg7: memref<10240xi32, #tpu.memory_space<vmem>>, %arg8: memref<80x128xi32, #tpu.memory_space<vmem>>, %arg9: memref<512x64xf32, #tpu.memory_space<vmem>>, %arg10: memref<512x64xf32, #tpu.memory_space<vmem>>, %arg11: memref<10048x64xf32, #tpu.memory_space<vmem_shared>>, %arg12: memref<!tpu.dma_semaphore, #tpu.memory_space<semaphore_mem>>, %arg13: memref<!tpu.dma_semaphore, #tpu.memory_space<semaphore_mem>>, %arg14: memref<!tpu.dma_semaphore, #tpu.memory_space<semaphore_mem>>, %arg15: memref<!tpu.dma_semaphore, #tpu.memory_space<semaphore_mem>>) attributes {dimension_semantics = [#tpu.dimension_semantics<core_parallel>, #tpu.dimension_semantics<subcore_parallel>], iteration_bounds = array<i64: 2, 16>, scalar_prefetch = 0 : i64, scratch_operands = 9 : i64, tpu.core_type = #tpu.core_type<sc_vector_subcore>, window_params = [{transform_indices = #map}, {transform_indices = #map1}, {transform_indices = #map1}, {transform_indices = #map1}, {transform_indices = #map2}]} {
    %mul3A = arith.constant 2 : i32
    %mul3A_0 = arith.muli %arg1, %mul3A : i32
    %add3A = arith.addi %mul3A_0, %arg0 : i32
    %mul3A_1 = arith.constant 628 : i32
    %mul3A_2 = arith.muli %arg1, %mul3A_1 : i32
    %dma_start3A = arith.constant 0 : i32
    %dma_start3A_3 = tpu.memref_slice %arg11[%mul3A_2, %dma_start3A] : memref<10048x64xf32, #tpu.memory_space<vmem_shared>> -> memref<628x64xf32, #tpu.memory_space<vmem_shared>>
    %dma_start3A_4 = arith.constant 0 : i32
    %dma_start3A_5 = tpu.memref_slice %arg5[%mul3A_2, %dma_start3A_4] : memref<10048x64xf32, #tpu.memory_space<hbm>> -> memref<628x64xf32, #tpu.memory_space<hbm>>
    tpu.enqueue_dma source(%dma_start3A_5 : memref<628x64xf32, #tpu.memory_space<hbm>>) target(%dma_start3A_3 : memref<628x64xf32, #tpu.memory_space<vmem_shared>>) target_semaphore(%arg14 : memref<!tpu.dma_semaphore, #tpu.memory_space<semaphore_mem>>)
    %mul3A_6 = arith.constant 10240 : i32
    %mul3A_7 = arith.muli %add3A, %mul3A_6 : i32
    %dma_start3A_8 = tpu.memref_slice %arg2[%mul3A_7] : memref<327680xi32, #tpu.memory_space<hbm>> -> memref<10240xi32, #tpu.memory_space<hbm>>
    %dma_start3A_9 = tpu.memref_slice %arg2[%mul3A_7] : memref<327680xi32, #tpu.memory_space<hbm>> -> memref<10240xi32, #tpu.memory_space<hbm>>
    tpu.enqueue_dma source(%dma_start3A_9 : memref<10240xi32, #tpu.memory_space<hbm>>) target(%arg7 : memref<10240xi32, #tpu.memory_space<vmem>>) target_semaphore(%arg14 : memref<!tpu.dma_semaphore, #tpu.memory_space<semaphore_mem>>)
    %mul3A_10 = arith.constant 80 : i32
    %mul3A_11 = arith.muli %add3A, %mul3A_10 : i32
    %dma_start3A_12 = arith.constant 0 : i32
    %dma_start3A_13 = tpu.memref_slice %arg3[%mul3A_11, %dma_start3A_12] : memref<2560x128xi32, #tpu.memory_space<hbm>> -> memref<80x128xi32, #tpu.memory_space<hbm>>
    %dma_start3A_14 = arith.constant 0 : i32
    %dma_start3A_15 = tpu.memref_slice %arg3[%mul3A_11, %dma_start3A_14] : memref<2560x128xi32, #tpu.memory_space<hbm>> -> memref<80x128xi32, #tpu.memory_space<hbm>>
    tpu.enqueue_dma source(%dma_start3A_15 : memref<80x128xi32, #tpu.memory_space<hbm>>) target(%arg8 : memref<80x128xi32, #tpu.memory_space<vmem>>) target_semaphore(%arg14 : memref<!tpu.dma_semaphore, #tpu.memory_space<semaphore_mem>>)
    %dma_wait3A = arith.constant 0 : i32
    %dma_wait3A_16 = tpu.memref_slice %arg11[%mul3A_2, %dma_wait3A] : memref<10048x64xf32, #tpu.memory_space<vmem_shared>> -> memref<628x64xf32, #tpu.memory_space<vmem_shared>>
    %dma_wait3A_17 = arith.constant 0 : i32
    %dma_wait3A_18 = tpu.memref_slice %arg5[%mul3A_2, %dma_wait3A_17] : memref<10048x64xf32, #tpu.memory_space<hbm>> -> memref<628x64xf32, #tpu.memory_space<hbm>>
    tpu.wait_dma2 semaphore(%arg14 : memref<!tpu.dma_semaphore, #tpu.memory_space<semaphore_mem>>) src(%dma_wait3A_18 : memref<628x64xf32, #tpu.memory_space<hbm>>) dst(%dma_wait3A_16 : memref<628x64xf32, #tpu.memory_space<vmem_shared>>)
    %dma_wait3A_19 = arith.constant 0 : i32
    %dma_wait3A_20 = tpu.memref_slice %arg2[%dma_wait3A_19] : memref<327680xi32, #tpu.memory_space<hbm>> -> memref<10240xi32, #tpu.memory_space<hbm>>
    %dma_wait3A_21 = arith.constant 0 : i32
    %dma_wait3A_22 = tpu.memref_slice %arg2[%dma_wait3A_21] : memref<327680xi32, #tpu.memory_space<hbm>> -> memref<10240xi32, #tpu.memory_space<hbm>>
    tpu.wait_dma2 semaphore(%arg14 : memref<!tpu.dma_semaphore, #tpu.memory_space<semaphore_mem>>) src(%dma_wait3A_22 : memref<10240xi32, #tpu.memory_space<hbm>>) dst(%arg7 : memref<10240xi32, #tpu.memory_space<vmem>>)
    %dma_wait3A_23 = arith.constant 0 : i32
    %dma_wait3A_24 = arith.constant 0 : i32
    %dma_wait3A_25 = tpu.memref_slice %arg3[%dma_wait3A_23, %dma_wait3A_24] : memref<2560x128xi32, #tpu.memory_space<hbm>> -> memref<80x128xi32, #tpu.memory_space<hbm>>
    %dma_wait3A_26 = arith.constant 0 : i32
    %dma_wait3A_27 = arith.constant 0 : i32
    %dma_wait3A_28 = tpu.memref_slice %arg3[%dma_wait3A_26, %dma_wait3A_27] : memref<2560x128xi32, #tpu.memory_space<hbm>> -> memref<80x128xi32, #tpu.memory_space<hbm>>
    tpu.wait_dma2 semaphore(%arg14 : memref<!tpu.dma_semaphore, #tpu.memory_space<semaphore_mem>>) src(%dma_wait3A_28 : memref<80x128xi32, #tpu.memory_space<hbm>>) dst(%arg8 : memref<80x128xi32, #tpu.memory_space<vmem>>)
    %barrier3A = arith.constant 0 : index
    tpu.barrier barrier_id(%barrier3A)
    %dma_start3A_29 = arith.constant 0 : i32
    %dma_start3A_30 = arith.constant 0 : i32
    %dma_start3A_31 = tpu.memref_slice %arg9[%dma_start3A_29, %dma_start3A_30] : memref<512x64xf32, #tpu.memory_space<vmem>> -> memref<128x64xf32, #tpu.memory_space<vmem>>
    %dma_start3A_32 = arith.constant 0 : i32
    %dma_start3A_33 = tpu.memref_slice %arg7[%dma_start3A_32] : memref<10240xi32, #tpu.memory_space<vmem>> -> memref<128xi32, #tpu.memory_space<vmem>>
    %dma_start3A_34 = arith.constant 0 : i32
    %dma_start3A_35 = arith.constant 0 : i32
    %dma_start3A_36 = tpu.memref_slice %arg4[%dma_start3A_34, %dma_start3A_35] : memref<10000x64xf32, #tpu.memory_space<hbm>> -> memref<10000x64xf32, #tpu.memory_space<hbm>>
    tpu.enqueue_indirect_dma source(%dma_start3A_36 : memref<10000x64xf32, #tpu.memory_space<hbm>>) target(%dma_start3A_31 : memref<128x64xf32, #tpu.memory_space<vmem>>) offsets(%dma_start3A_33 : memref<128xi32, #tpu.memory_space<vmem>>) semaphore(%arg12 : memref<!tpu.dma_semaphore, #tpu.memory_space<semaphore_mem>>)
    %dma_start3A_37 = arith.constant 128 : i32
    %dma_start3A_38 = arith.constant 0 : i32
    %dma_start3A_39 = tpu.memref_slice %arg9[%dma_start3A_37, %dma_start3A_38] : memref<512x64xf32, #tpu.memory_space<vmem>> -> memref<128x64xf32, #tpu.memory_space<vmem>>
    %dma_start3A_40 = arith.constant 128 : i32
    %dma_start3A_41 = tpu.memref_slice %arg7[%dma_start3A_40] : memref<10240xi32, #tpu.memory_space<vmem>> -> memref<128xi32, #tpu.memory_space<vmem>>
    %dma_start3A_42 = arith.constant 0 : i32
    %dma_start3A_43 = arith.constant 0 : i32
    %dma_start3A_44 = tpu.memref_slice %arg4[%dma_start3A_42, %dma_start3A_43] : memref<10000x64xf32, #tpu.memory_space<hbm>> -> memref<10000x64xf32, #tpu.memory_space<hbm>>
    tpu.enqueue_indirect_dma source(%dma_start3A_44 : memref<10000x64xf32, #tpu.memory_space<hbm>>) target(%dma_start3A_39 : memref<128x64xf32, #tpu.memory_space<vmem>>) offsets(%dma_start3A_41 : memref<128xi32, #tpu.memory_space<vmem>>) semaphore(%arg12 : memref<!tpu.dma_semaphore, #tpu.memory_space<semaphore_mem>>)
    %dma_start3A_45 = arith.constant 256 : i32
    %dma_start3A_46 = arith.constant 0 : i32
    %dma_start3A_47 = tpu.memref_slice %arg9[%dma_start3A_45, %dma_start3A_46] : memref<512x64xf32, #tpu.memory_space<vmem>> -> memref<128x64xf32, #tpu.memory_space<vmem>>
    %dma_start3A_48 = arith.constant 256 : i32
    %dma_start3A_49 = tpu.memref_slice %arg7[%dma_start3A_48] : memref<10240xi32, #tpu.memory_space<vmem>> -> memref<128xi32, #tpu.memory_space<vmem>>
    %dma_start3A_50 = arith.constant 0 : i32
    %dma_start3A_51 = arith.constant 0 : i32
    %dma_start3A_52 = tpu.memref_slice %arg4[%dma_start3A_50, %dma_start3A_51] : memref<10000x64xf32, #tpu.memory_space<hbm>> -> memref<10000x64xf32, #tpu.memory_space<hbm>>
    tpu.enqueue_indirect_dma source(%dma_start3A_52 : memref<10000x64xf32, #tpu.memory_space<hbm>>) target(%dma_start3A_47 : memref<128x64xf32, #tpu.memory_space<vmem>>) offsets(%dma_start3A_49 : memref<128xi32, #tpu.memory_space<vmem>>) semaphore(%arg12 : memref<!tpu.dma_semaphore, #tpu.memory_space<semaphore_mem>>)
    %dma_start3A_53 = arith.constant 384 : i32
    %dma_start3A_54 = arith.constant 0 : i32
    %dma_start3A_55 = tpu.memref_slice %arg9[%dma_start3A_53, %dma_start3A_54] : memref<512x64xf32, #tpu.memory_space<vmem>> -> memref<128x64xf32, #tpu.memory_space<vmem>>
    %dma_start3A_56 = arith.constant 384 : i32
    %dma_start3A_57 = tpu.memref_slice %arg7[%dma_start3A_56] : memref<10240xi32, #tpu.memory_space<vmem>> -> memref<128xi32, #tpu.memory_space<vmem>>
    %dma_start3A_58 = arith.constant 0 : i32
    %dma_start3A_59 = arith.constant 0 : i32
    %dma_start3A_60 = tpu.memref_slice %arg4[%dma_start3A_58, %dma_start3A_59] : memref<10000x64xf32, #tpu.memory_space<hbm>> -> memref<10000x64xf32, #tpu.memory_space<hbm>>
    tpu.enqueue_indirect_dma source(%dma_start3A_60 : memref<10000x64xf32, #tpu.memory_space<hbm>>) target(%dma_start3A_55 : memref<128x64xf32, #tpu.memory_space<vmem>>) offsets(%dma_start3A_57 : memref<128xi32, #tpu.memory_space<vmem>>) semaphore(%arg12 : memref<!tpu.dma_semaphore, #tpu.memory_space<semaphore_mem>>)
    %dma_start3A_61 = arith.constant 0 : i32
    %dma_start3A_62 = arith.constant 0 : i32
    %dma_start3A_63 = tpu.memref_slice %arg10[%dma_start3A_61, %dma_start3A_62] : memref<512x64xf32, #tpu.memory_space<vmem>> -> memref<128x64xf32, #tpu.memory_space<vmem>>
    %dma_start3A_64 = arith.constant 512 : i32
    %dma_start3A_65 = tpu.memref_slice %arg7[%dma_start3A_64] : memref<10240xi32, #tpu.memory_space<vmem>> -> memref<128xi32, #tpu.memory_space<vmem>>
    %dma_start3A_66 = arith.constant 0 : i32
    %dma_start3A_67 = arith.constant 0 : i32
    %dma_start3A_68 = tpu.memref_slice %arg4[%dma_start3A_66, %dma_start3A_67] : memref<10000x64xf32, #tpu.memory_space<hbm>> -> memref<10000x64xf32, #tpu.memory_space<hbm>>
    tpu.enqueue_indirect_dma source(%dma_start3A_68 : memref<10000x64xf32, #tpu.memory_space<hbm>>) target(%dma_start3A_63 : memref<128x64xf32, #tpu.memory_space<vmem>>) offsets(%dma_start3A_65 : memref<128xi32, #tpu.memory_space<vmem>>) semaphore(%arg13 : memref<!tpu.dma_semaphore, #tpu.memory_space<semaphore_mem>>)
    %dma_start3A_69 = arith.constant 128 : i32
    %dma_start3A_70 = arith.constant 0 : i32
    %dma_start3A_71 = tpu.memref_slice %arg10[%dma_start3A_69, %dma_start3A_70] : memref<512x64xf32, #tpu.memory_space<vmem>> -> memref<128x64xf32, #tpu.memory_space<vmem>>
    %dma_start3A_72 = arith.constant 640 : i32
    %dma_start3A_73 = tpu.memref_slice %arg7[%dma_start3A_72] : memref<10240xi32, #tpu.memory_space<vmem>> -> memref<128xi32, #tpu.memory_space<vmem>>
    %dma_start3A_74 = arith.constant 0 : i32
    %dma_start3A_75 = arith.constant 0 : i32
    %dma_start3A_76 = tpu.memref_slice %arg4[%dma_start3A_74, %dma_start3A_75] : memref<10000x64xf32, #tpu.memory_space<hbm>> -> memref<10000x64xf32, #tpu.memory_space<hbm>>
    tpu.enqueue_indirect_dma source(%dma_start3A_76 : memref<10000x64xf32, #tpu.memory_space<hbm>>) target(%dma_start3A_71 : memref<128x64xf32, #tpu.memory_space<vmem>>) offsets(%dma_start3A_73 : memref<128xi32, #tpu.memory_space<vmem>>) semaphore(%arg13 : memref<!tpu.dma_semaphore, #tpu.memory_space<semaphore_mem>>)
    %dma_start3A_77 = arith.constant 256 : i32
    %dma_start3A_78 = arith.constant 0 : i32
    %dma_start3A_79 = tpu.memref_slice %arg10[%dma_start3A_77, %dma_start3A_78] : memref<512x64xf32, #tpu.memory_space<vmem>> -> memref<128x64xf32, #tpu.memory_space<vmem>>
    %dma_start3A_80 = arith.constant 768 : i32
    %dma_start3A_81 = tpu.memref_slice %arg7[%dma_start3A_80] : memref<10240xi32, #tpu.memory_space<vmem>> -> memref<128xi32, #tpu.memory_space<vmem>>
    %dma_start3A_82 = arith.constant 0 : i32
    %dma_start3A_83 = arith.constant 0 : i32
    %dma_start3A_84 = tpu.memref_slice %arg4[%dma_start3A_82, %dma_start3A_83] : memref<10000x64xf32, #tpu.memory_space<hbm>> -> memref<10000x64xf32, #tpu.memory_space<hbm>>
    tpu.enqueue_indirect_dma source(%dma_start3A_84 : memref<10000x64xf32, #tpu.memory_space<hbm>>) target(%dma_start3A_79 : memref<128x64xf32, #tpu.memory_space<vmem>>) offsets(%dma_start3A_81 : memref<128xi32, #tpu.memory_space<vmem>>) semaphore(%arg13 : memref<!tpu.dma_semaphore, #tpu.memory_space<semaphore_mem>>)
    %dma_start3A_85 = arith.constant 384 : i32
    %dma_start3A_86 = arith.constant 0 : i32
    %dma_start3A_87 = tpu.memref_slice %arg10[%dma_start3A_85, %dma_start3A_86] : memref<512x64xf32, #tpu.memory_space<vmem>> -> memref<128x64xf32, #tpu.memory_space<vmem>>
    %dma_start3A_88 = arith.constant 896 : i32
    %dma_start3A_89 = tpu.memref_slice %arg7[%dma_start3A_88] : memref<10240xi32, #tpu.memory_space<vmem>> -> memref<128xi32, #tpu.memory_space<vmem>>
    %dma_start3A_90 = arith.constant 0 : i32
    %dma_start3A_91 = arith.constant 0 : i32
    %dma_start3A_92 = tpu.memref_slice %arg4[%dma_start3A_90, %dma_start3A_91] : memref<10000x64xf32, #tpu.memory_space<hbm>> -> memref<10000x64xf32, #tpu.memory_space<hbm>>
    tpu.enqueue_indirect_dma source(%dma_start3A_92 : memref<10000x64xf32, #tpu.memory_space<hbm>>) target(%dma_start3A_87 : memref<128x64xf32, #tpu.memory_space<vmem>>) offsets(%dma_start3A_89 : memref<128xi32, #tpu.memory_space<vmem>>) semaphore(%arg13 : memref<!tpu.dma_semaphore, #tpu.memory_space<semaphore_mem>>)
    %scan3A = arith.constant 0 : i32
    %scan3A_93 = arith.constant 0 : i32
    %scan3A_94 = arith.constant 10 : i32
    %scan3A_95 = arith.addi %scan3A_93, %scan3A_94 : i32
    %scan3A_96 = arith.constant 1 : i32
    scf.for %scan3A_111 = %scan3A_93 to %scan3A_95 step %scan3A_96  : i32 {
      %mul3A_112 = arith.constant 2 : i32
      %mul3A_113 = arith.muli %mul3A_112, %scan3A_111 : i32
      %add3A_114 = arith.constant 0 : i32
      %add3A_115 = arith.addi %mul3A_113, %add3A_114 : i32
      %dma_wait3A_116 = arith.constant 0 : i32
      %dma_wait3A_117 = arith.constant 0 : i32
      %dma_wait3A_118 = tpu.memref_slice %arg5[%dma_wait3A_116, %dma_wait3A_117] : memref<10048x64xf32, #tpu.memory_space<hbm>> -> memref<512x64xf32, #tpu.memory_space<hbm>>
      %dma_wait3A_119 = arith.constant 0 : i32
      %dma_wait3A_120 = arith.constant 0 : i32
      %dma_wait3A_121 = tpu.memref_slice %arg5[%dma_wait3A_119, %dma_wait3A_120] : memref<10048x64xf32, #tpu.memory_space<hbm>> -> memref<512x64xf32, #tpu.memory_space<hbm>>
      tpu.wait_dma2 semaphore(%arg12 : memref<!tpu.dma_semaphore, #tpu.memory_space<semaphore_mem>>) src(%dma_wait3A_121 : memref<512x64xf32, #tpu.memory_space<hbm>>) dst(%arg9 : memref<512x64xf32, #tpu.memory_space<vmem>>)
      %mul3A_122 = arith.constant 4 : i32
      %mul3A_123 = arith.muli %add3A_115, %mul3A_122 : i32
      %add3A_124 = arith.constant 0 : i32
      %add3A_125 = arith.addi %mul3A_123, %add3A_124 : i32
      %dma_start3A_126 = arith.constant 0 : i32
      %dma_start3A_127 = arith.constant 0 : i32
      %dma_start3A_128 = tpu.memref_slice %arg9[%dma_start3A_126, %dma_start3A_127] : memref<512x64xf32, #tpu.memory_space<vmem>> -> memref<128x64xf32, #tpu.memory_space<vmem>>
      %dma_start3A_129 = arith.constant 0 : i32
      %dma_start3A_130 = tpu.memref_slice %arg8[%add3A_125, %dma_start3A_129] : memref<80x128xi32, #tpu.memory_space<vmem>> -> memref<1x128xi32, #tpu.memory_space<vmem>>
      %dma_start3A_131 = tpu.memref_squeeze %dma_start3A_130 : memref<1x128xi32, #tpu.memory_space<vmem>> -> memref<128xi32, #tpu.memory_space<vmem>>
      %dma_start3A_132 = arith.constant 0 : i32
      %dma_start3A_133 = arith.constant 0 : i32
      %dma_start3A_134 = tpu.memref_slice %arg11[%dma_start3A_132, %dma_start3A_133] : memref<10048x64xf32, #tpu.memory_space<vmem_shared>> -> memref<10048x64xf32, #tpu.memory_space<vmem_shared>>
      tpu.enqueue_indirect_dma source(%dma_start3A_128 : memref<128x64xf32, #tpu.memory_space<vmem>>) target(%dma_start3A_134 : memref<10048x64xf32, #tpu.memory_space<vmem_shared>>) offsets(%dma_start3A_131 : memref<128xi32, #tpu.memory_space<vmem>>) semaphore(%arg14 : memref<!tpu.dma_semaphore, #tpu.memory_space<semaphore_mem>>) {add = true}
      %mul3A_135 = arith.constant 4 : i32
      %mul3A_136 = arith.muli %add3A_115, %mul3A_135 : i32
      %add3A_137 = arith.constant 1 : i32
      %add3A_138 = arith.addi %mul3A_136, %add3A_137 : i32
      %dma_start3A_139 = arith.constant 128 : i32
      %dma_start3A_140 = arith.constant 0 : i32
      %dma_start3A_141 = tpu.memref_slice %arg9[%dma_start3A_139, %dma_start3A_140] : memref<512x64xf32, #tpu.memory_space<vmem>> -> memref<128x64xf32, #tpu.memory_space<vmem>>
      %dma_start3A_142 = arith.constant 0 : i32
      %dma_start3A_143 = tpu.memref_slice %arg8[%add3A_138, %dma_start3A_142] : memref<80x128xi32, #tpu.memory_space<vmem>> -> memref<1x128xi32, #tpu.memory_space<vmem>>
      %dma_start3A_144 = tpu.memref_squeeze %dma_start3A_143 : memref<1x128xi32, #tpu.memory_space<vmem>> -> memref<128xi32, #tpu.memory_space<vmem>>
      %dma_start3A_145 = arith.constant 0 : i32
      %dma_start3A_146 = arith.constant 0 : i32
      %dma_start3A_147 = tpu.memref_slice %arg11[%dma_start3A_145, %dma_start3A_146] : memref<10048x64xf32, #tpu.memory_space<vmem_shared>> -> memref<10048x64xf32, #tpu.memory_space<vmem_shared>>
      tpu.enqueue_indirect_dma source(%dma_start3A_141 : memref<128x64xf32, #tpu.memory_space<vmem>>) target(%dma_start3A_147 : memref<10048x64xf32, #tpu.memory_space<vmem_shared>>) offsets(%dma_start3A_144 : memref<128xi32, #tpu.memory_space<vmem>>) semaphore(%arg14 : memref<!tpu.dma_semaphore, #tpu.memory_space<semaphore_mem>>) {add = true}
      %mul3A_148 = arith.constant 4 : i32
      %mul3A_149 = arith.muli %add3A_115, %mul3A_148 : i32
      %add3A_150 = arith.constant 2 : i32
      %add3A_151 = arith.addi %mul3A_149, %add3A_150 : i32
      %dma_start3A_152 = arith.constant 256 : i32
      %dma_start3A_153 = arith.constant 0 : i32
      %dma_start3A_154 = tpu.memref_slice %arg9[%dma_start3A_152, %dma_start3A_153] : memref<512x64xf32, #tpu.memory_space<vmem>> -> memref<128x64xf32, #tpu.memory_space<vmem>>
      %dma_start3A_155 = arith.constant 0 : i32
      %dma_start3A_156 = tpu.memref_slice %arg8[%add3A_151, %dma_start3A_155] : memref<80x128xi32, #tpu.memory_space<vmem>> -> memref<1x128xi32, #tpu.memory_space<vmem>>
      %dma_start3A_157 = tpu.memref_squeeze %dma_start3A_156 : memref<1x128xi32, #tpu.memory_space<vmem>> -> memref<128xi32, #tpu.memory_space<vmem>>
      %dma_start3A_158 = arith.constant 0 : i32
      %dma_start3A_159 = arith.constant 0 : i32
      %dma_start3A_160 = tpu.memref_slice %arg11[%dma_start3A_158, %dma_start3A_159] : memref<10048x64xf32, #tpu.memory_space<vmem_shared>> -> memref<10048x64xf32, #tpu.memory_space<vmem_shared>>
      tpu.enqueue_indirect_dma source(%dma_start3A_154 : memref<128x64xf32, #tpu.memory_space<vmem>>) target(%dma_start3A_160 : memref<10048x64xf32, #tpu.memory_space<vmem_shared>>) offsets(%dma_start3A_157 : memref<128xi32, #tpu.memory_space<vmem>>) semaphore(%arg14 : memref<!tpu.dma_semaphore, #tpu.memory_space<semaphore_mem>>) {add = true}
      %mul3A_161 = arith.constant 4 : i32
      %mul3A_162 = arith.muli %add3A_115, %mul3A_161 : i32
      %add3A_163 = arith.constant 3 : i32
      %add3A_164 = arith.addi %mul3A_162, %add3A_163 : i32
      %dma_start3A_165 = arith.constant 384 : i32
      %dma_start3A_166 = arith.constant 0 : i32
      %dma_start3A_167 = tpu.memref_slice %arg9[%dma_start3A_165, %dma_start3A_166] : memref<512x64xf32, #tpu.memory_space<vmem>> -> memref<128x64xf32, #tpu.memory_space<vmem>>
      %dma_start3A_168 = arith.constant 0 : i32
      %dma_start3A_169 = tpu.memref_slice %arg8[%add3A_164, %dma_start3A_168] : memref<80x128xi32, #tpu.memory_space<vmem>> -> memref<1x128xi32, #tpu.memory_space<vmem>>
      %dma_start3A_170 = tpu.memref_squeeze %dma_start3A_169 : memref<1x128xi32, #tpu.memory_space<vmem>> -> memref<128xi32, #tpu.memory_space<vmem>>
      %dma_start3A_171 = arith.constant 0 : i32
      %dma_start3A_172 = arith.constant 0 : i32
      %dma_start3A_173 = tpu.memref_slice %arg11[%dma_start3A_171, %dma_start3A_172] : memref<10048x64xf32, #tpu.memory_space<vmem_shared>> -> memref<10048x64xf32, #tpu.memory_space<vmem_shared>>
      tpu.enqueue_indirect_dma source(%dma_start3A_167 : memref<128x64xf32, #tpu.memory_space<vmem>>) target(%dma_start3A_173 : memref<10048x64xf32, #tpu.memory_space<vmem_shared>>) offsets(%dma_start3A_170 : memref<128xi32, #tpu.memory_space<vmem>>) semaphore(%arg14 : memref<!tpu.dma_semaphore, #tpu.memory_space<semaphore_mem>>) {add = true}
      %dma_wait3A_174 = arith.constant 0 : i32
      %dma_wait3A_175 = arith.constant 0 : i32
      %dma_wait3A_176 = tpu.memref_slice %arg5[%dma_wait3A_174, %dma_wait3A_175] : memref<10048x64xf32, #tpu.memory_space<hbm>> -> memref<512x64xf32, #tpu.memory_space<hbm>>
      %dma_wait3A_177 = arith.constant 0 : i32
      %dma_wait3A_178 = arith.constant 0 : i32
      %dma_wait3A_179 = tpu.memref_slice %arg5[%dma_wait3A_177, %dma_wait3A_178] : memref<10048x64xf32, #tpu.memory_space<hbm>> -> memref<512x64xf32, #tpu.memory_space<hbm>>
      tpu.wait_dma2 semaphore(%arg14 : memref<!tpu.dma_semaphore, #tpu.memory_space<semaphore_mem>>) src(%dma_wait3A_179 : memref<512x64xf32, #tpu.memory_space<hbm>>) dst(%arg9 : memref<512x64xf32, #tpu.memory_space<vmem>>)
      %add3A_180 = arith.constant 2 : i32
      %add3A_181 = arith.addi %add3A_115, %add3A_180 : i32
      %min3A = arith.constant 19 : i32
      %min3A_182 = arith.minsi %add3A_181, %min3A : i32
      %mul3A_183 = arith.constant 4 : i32
      %mul3A_184 = arith.muli %min3A_182, %mul3A_183 : i32
      %add3A_185 = arith.constant 0 : i32
      %add3A_186 = arith.addi %mul3A_184, %add3A_185 : i32
      %mul3A_187 = arith.constant 128 : i32
      %mul3A_188 = arith.muli %add3A_186, %mul3A_187 : i32
      %dma_start3A_189 = arith.constant 0 : i32
      %dma_start3A_190 = arith.constant 0 : i32
      %dma_start3A_191 = tpu.memref_slice %arg9[%dma_start3A_189, %dma_start3A_190] : memref<512x64xf32, #tpu.memory_space<vmem>> -> memref<128x64xf32, #tpu.memory_space<vmem>>
      %dma_start3A_192 = tpu.memref_slice %arg7[%mul3A_188] : memref<10240xi32, #tpu.memory_space<vmem>> -> memref<128xi32, #tpu.memory_space<vmem>>
      %dma_start3A_193 = arith.constant 0 : i32
      %dma_start3A_194 = arith.constant 0 : i32
      %dma_start3A_195 = tpu.memref_slice %arg4[%dma_start3A_193, %dma_start3A_194] : memref<10000x64xf32, #tpu.memory_space<hbm>> -> memref<10000x64xf32, #tpu.memory_space<hbm>>
      tpu.enqueue_indirect_dma source(%dma_start3A_195 : memref<10000x64xf32, #tpu.memory_space<hbm>>) target(%dma_start3A_191 : memref<128x64xf32, #tpu.memory_space<vmem>>) offsets(%dma_start3A_192 : memref<128xi32, #tpu.memory_space<vmem>>) semaphore(%arg12 : memref<!tpu.dma_semaphore, #tpu.memory_space<semaphore_mem>>)
      %mul3A_196 = arith.constant 4 : i32
      %mul3A_197 = arith.muli %min3A_182, %mul3A_196 : i32
      %add3A_198 = arith.constant 1 : i32
      %add3A_199 = arith.addi %mul3A_197, %add3A_198 : i32
      %mul3A_200 = arith.constant 128 : i32
      %mul3A_201 = arith.muli %add3A_199, %mul3A_200 : i32
      %dma_start3A_202 = arith.constant 128 : i32
      %dma_start3A_203 = arith.constant 0 : i32
      %dma_start3A_204 = tpu.memref_slice %arg9[%dma_start3A_202, %dma_start3A_203] : memref<512x64xf32, #tpu.memory_space<vmem>> -> memref<128x64xf32, #tpu.memory_space<vmem>>
      %dma_start3A_205 = tpu.memref_slice %arg7[%mul3A_201] : memref<10240xi32, #tpu.memory_space<vmem>> -> memref<128xi32, #tpu.memory_space<vmem>>
      %dma_start3A_206 = arith.constant 0 : i32
      %dma_start3A_207 = arith.constant 0 : i32
      %dma_start3A_208 = tpu.memref_slice %arg4[%dma_start3A_206, %dma_start3A_207] : memref<10000x64xf32, #tpu.memory_space<hbm>> -> memref<10000x64xf32, #tpu.memory_space<hbm>>
      tpu.enqueue_indirect_dma source(%dma_start3A_208 : memref<10000x64xf32, #tpu.memory_space<hbm>>) target(%dma_start3A_204 : memref<128x64xf32, #tpu.memory_space<vmem>>) offsets(%dma_start3A_205 : memref<128xi32, #tpu.memory_space<vmem>>) semaphore(%arg12 : memref<!tpu.dma_semaphore, #tpu.memory_space<semaphore_mem>>)
      %mul3A_209 = arith.constant 4 : i32
      %mul3A_210 = arith.muli %min3A_182, %mul3A_209 : i32
      %add3A_211 = arith.constant 2 : i32
      %add3A_212 = arith.addi %mul3A_210, %add3A_211 : i32
      %mul3A_213 = arith.constant 128 : i32
      %mul3A_214 = arith.muli %add3A_212, %mul3A_213 : i32
      %dma_start3A_215 = arith.constant 256 : i32
      %dma_start3A_216 = arith.constant 0 : i32
      %dma_start3A_217 = tpu.memref_slice %arg9[%dma_start3A_215, %dma_start3A_216] : memref<512x64xf32, #tpu.memory_space<vmem>> -> memref<128x64xf32, #tpu.memory_space<vmem>>
      %dma_start3A_218 = tpu.memref_slice %arg7[%mul3A_214] : memref<10240xi32, #tpu.memory_space<vmem>> -> memref<128xi32, #tpu.memory_space<vmem>>
      %dma_start3A_219 = arith.constant 0 : i32
      %dma_start3A_220 = arith.constant 0 : i32
      %dma_start3A_221 = tpu.memref_slice %arg4[%dma_start3A_219, %dma_start3A_220] : memref<10000x64xf32, #tpu.memory_space<hbm>> -> memref<10000x64xf32, #tpu.memory_space<hbm>>
      tpu.enqueue_indirect_dma source(%dma_start3A_221 : memref<10000x64xf32, #tpu.memory_space<hbm>>) target(%dma_start3A_217 : memref<128x64xf32, #tpu.memory_space<vmem>>) offsets(%dma_start3A_218 : memref<128xi32, #tpu.memory_space<vmem>>) semaphore(%arg12 : memref<!tpu.dma_semaphore, #tpu.memory_space<semaphore_mem>>)
      %mul3A_222 = arith.constant 4 : i32
      %mul3A_223 = arith.muli %min3A_182, %mul3A_222 : i32
      %add3A_224 = arith.constant 3 : i32
      %add3A_225 = arith.addi %mul3A_223, %add3A_224 : i32
      %mul3A_226 = arith.constant 128 : i32
      %mul3A_227 = arith.muli %add3A_225, %mul3A_226 : i32
      %dma_start3A_228 = arith.constant 384 : i32
      %dma_start3A_229 = arith.constant 0 : i32
      %dma_start3A_230 = tpu.memref_slice %arg9[%dma_start3A_228, %dma_start3A_229] : memref<512x64xf32, #tpu.memory_space<vmem>> -> memref<128x64xf32, #tpu.memory_space<vmem>>
      %dma_start3A_231 = tpu.memref_slice %arg7[%mul3A_227] : memref<10240xi32, #tpu.memory_space<vmem>> -> memref<128xi32, #tpu.memory_space<vmem>>
      %dma_start3A_232 = arith.constant 0 : i32
      %dma_start3A_233 = arith.constant 0 : i32
      %dma_start3A_234 = tpu.memref_slice %arg4[%dma_start3A_232, %dma_start3A_233] : memref<10000x64xf32, #tpu.memory_space<hbm>> -> memref<10000x64xf32, #tpu.memory_space<hbm>>
      tpu.enqueue_indirect_dma source(%dma_start3A_234 : memref<10000x64xf32, #tpu.memory_space<hbm>>) target(%dma_start3A_230 : memref<128x64xf32, #tpu.memory_space<vmem>>) offsets(%dma_start3A_231 : memref<128xi32, #tpu.memory_space<vmem>>) semaphore(%arg12 : memref<!tpu.dma_semaphore, #tpu.memory_space<semaphore_mem>>)
      %mul3A_235 = arith.constant 2 : i32
      %mul3A_236 = arith.muli %mul3A_235, %scan3A_111 : i32
      %add3A_237 = arith.constant 1 : i32
      %add3A_238 = arith.addi %mul3A_236, %add3A_237 : i32
      %dma_wait3A_239 = arith.constant 0 : i32
      %dma_wait3A_240 = arith.constant 0 : i32
      %dma_wait3A_241 = tpu.memref_slice %arg5[%dma_wait3A_239, %dma_wait3A_240] : memref<10048x64xf32, #tpu.memory_space<hbm>> -> memref<512x64xf32, #tpu.memory_space<hbm>>
      %dma_wait3A_242 = arith.constant 0 : i32
      %dma_wait3A_243 = arith.constant 0 : i32
      %dma_wait3A_244 = tpu.memref_slice %arg5[%dma_wait3A_242, %dma_wait3A_243] : memref<10048x64xf32, #tpu.memory_space<hbm>> -> memref<512x64xf32, #tpu.memory_space<hbm>>
      tpu.wait_dma2 semaphore(%arg13 : memref<!tpu.dma_semaphore, #tpu.memory_space<semaphore_mem>>) src(%dma_wait3A_244 : memref<512x64xf32, #tpu.memory_space<hbm>>) dst(%arg10 : memref<512x64xf32, #tpu.memory_space<vmem>>)
      %mul3A_245 = arith.constant 4 : i32
      %mul3A_246 = arith.muli %add3A_238, %mul3A_245 : i32
      %add3A_247 = arith.constant 0 : i32
      %add3A_248 = arith.addi %mul3A_246, %add3A_247 : i32
      %dma_start3A_249 = arith.constant 0 : i32
      %dma_start3A_250 = arith.constant 0 : i32
      %dma_start3A_251 = tpu.memref_slice %arg10[%dma_start3A_249, %dma_start3A_250] : memref<512x64xf32, #tpu.memory_space<vmem>> -> memref<128x64xf32, #tpu.memory_space<vmem>>
      %dma_start3A_252 = arith.constant 0 : i32
      %dma_start3A_253 = tpu.memref_slice %arg8[%add3A_248, %dma_start3A_252] : memref<80x128xi32, #tpu.memory_space<vmem>> -> memref<1x128xi32, #tpu.memory_space<vmem>>
      %dma_start3A_254 = tpu.memref_squeeze %dma_start3A_253 : memref<1x128xi32, #tpu.memory_space<vmem>> -> memref<128xi32, #tpu.memory_space<vmem>>
      %dma_start3A_255 = arith.constant 0 : i32
      %dma_start3A_256 = arith.constant 0 : i32
      %dma_start3A_257 = tpu.memref_slice %arg11[%dma_start3A_255, %dma_start3A_256] : memref<10048x64xf32, #tpu.memory_space<vmem_shared>> -> memref<10048x64xf32, #tpu.memory_space<vmem_shared>>
      tpu.enqueue_indirect_dma source(%dma_start3A_251 : memref<128x64xf32, #tpu.memory_space<vmem>>) target(%dma_start3A_257 : memref<10048x64xf32, #tpu.memory_space<vmem_shared>>) offsets(%dma_start3A_254 : memref<128xi32, #tpu.memory_space<vmem>>) semaphore(%arg15 : memref<!tpu.dma_semaphore, #tpu.memory_space<semaphore_mem>>) {add = true}
      %mul3A_258 = arith.constant 4 : i32
      %mul3A_259 = arith.muli %add3A_238, %mul3A_258 : i32
      %add3A_260 = arith.constant 1 : i32
      %add3A_261 = arith.addi %mul3A_259, %add3A_260 : i32
      %dma_start3A_262 = arith.constant 128 : i32
      %dma_start3A_263 = arith.constant 0 : i32
      %dma_start3A_264 = tpu.memref_slice %arg10[%dma_start3A_262, %dma_start3A_263] : memref<512x64xf32, #tpu.memory_space<vmem>> -> memref<128x64xf32, #tpu.memory_space<vmem>>
      %dma_start3A_265 = arith.constant 0 : i32
      %dma_start3A_266 = tpu.memref_slice %arg8[%add3A_261, %dma_start3A_265] : memref<80x128xi32, #tpu.memory_space<vmem>> -> memref<1x128xi32, #tpu.memory_space<vmem>>
      %dma_start3A_267 = tpu.memref_squeeze %dma_start3A_266 : memref<1x128xi32, #tpu.memory_space<vmem>> -> memref<128xi32, #tpu.memory_space<vmem>>
      %dma_start3A_268 = arith.constant 0 : i32
      %dma_start3A_269 = arith.constant 0 : i32
      %dma_start3A_270 = tpu.memref_slice %arg11[%dma_start3A_268, %dma_start3A_269] : memref<10048x64xf32, #tpu.memory_space<vmem_shared>> -> memref<10048x64xf32, #tpu.memory_space<vmem_shared>>
      tpu.enqueue_indirect_dma source(%dma_start3A_264 : memref<128x64xf32, #tpu.memory_space<vmem>>) target(%dma_start3A_270 : memref<10048x64xf32, #tpu.memory_space<vmem_shared>>) offsets(%dma_start3A_267 : memref<128xi32, #tpu.memory_space<vmem>>) semaphore(%arg15 : memref<!tpu.dma_semaphore, #tpu.memory_space<semaphore_mem>>) {add = true}
      %mul3A_271 = arith.constant 4 : i32
      %mul3A_272 = arith.muli %add3A_238, %mul3A_271 : i32
      %add3A_273 = arith.constant 2 : i32
      %add3A_274 = arith.addi %mul3A_272, %add3A_273 : i32
      %dma_start3A_275 = arith.constant 256 : i32
      %dma_start3A_276 = arith.constant 0 : i32
      %dma_start3A_277 = tpu.memref_slice %arg10[%dma_start3A_275, %dma_start3A_276] : memref<512x64xf32, #tpu.memory_space<vmem>> -> memref<128x64xf32, #tpu.memory_space<vmem>>
      %dma_start3A_278 = arith.constant 0 : i32
      %dma_start3A_279 = tpu.memref_slice %arg8[%add3A_274, %dma_start3A_278] : memref<80x128xi32, #tpu.memory_space<vmem>> -> memref<1x128xi32, #tpu.memory_space<vmem>>
      %dma_start3A_280 = tpu.memref_squeeze %dma_start3A_279 : memref<1x128xi32, #tpu.memory_space<vmem>> -> memref<128xi32, #tpu.memory_space<vmem>>
      %dma_start3A_281 = arith.constant 0 : i32
      %dma_start3A_282 = arith.constant 0 : i32
      %dma_start3A_283 = tpu.memref_slice %arg11[%dma_start3A_281, %dma_start3A_282] : memref<10048x64xf32, #tpu.memory_space<vmem_shared>> -> memref<10048x64xf32, #tpu.memory_space<vmem_shared>>
      tpu.enqueue_indirect_dma source(%dma_start3A_277 : memref<128x64xf32, #tpu.memory_space<vmem>>) target(%dma_start3A_283 : memref<10048x64xf32, #tpu.memory_space<vmem_shared>>) offsets(%dma_start3A_280 : memref<128xi32, #tpu.memory_space<vmem>>) semaphore(%arg15 : memref<!tpu.dma_semaphore, #tpu.memory_space<semaphore_mem>>) {add = true}
      %mul3A_284 = arith.constant 4 : i32
      %mul3A_285 = arith.muli %add3A_238, %mul3A_284 : i32
      %add3A_286 = arith.constant 3 : i32
      %add3A_287 = arith.addi %mul3A_285, %add3A_286 : i32
      %dma_start3A_288 = arith.constant 384 : i32
      %dma_start3A_289 = arith.constant 0 : i32
      %dma_start3A_290 = tpu.memref_slice %arg10[%dma_start3A_288, %dma_start3A_289] : memref<512x64xf32, #tpu.memory_space<vmem>> -> memref<128x64xf32, #tpu.memory_space<vmem>>
      %dma_start3A_291 = arith.constant 0 : i32
      %dma_start3A_292 = tpu.memref_slice %arg8[%add3A_287, %dma_start3A_291] : memref<80x128xi32, #tpu.memory_space<vmem>> -> memref<1x128xi32, #tpu.memory_space<vmem>>
      %dma_start3A_293 = tpu.memref_squeeze %dma_start3A_292 : memref<1x128xi32, #tpu.memory_space<vmem>> -> memref<128xi32, #tpu.memory_space<vmem>>
      %dma_start3A_294 = arith.constant 0 : i32
      %dma_start3A_295 = arith.constant 0 : i32
      %dma_start3A_296 = tpu.memref_slice %arg11[%dma_start3A_294, %dma_start3A_295] : memref<10048x64xf32, #tpu.memory_space<vmem_shared>> -> memref<10048x64xf32, #tpu.memory_space<vmem_shared>>
      tpu.enqueue_indirect_dma source(%dma_start3A_290 : memref<128x64xf32, #tpu.memory_space<vmem>>) target(%dma_start3A_296 : memref<10048x64xf32, #tpu.memory_space<vmem_shared>>) offsets(%dma_start3A_293 : memref<128xi32, #tpu.memory_space<vmem>>) semaphore(%arg15 : memref<!tpu.dma_semaphore, #tpu.memory_space<semaphore_mem>>) {add = true}
      %dma_wait3A_297 = arith.constant 0 : i32
      %dma_wait3A_298 = arith.constant 0 : i32
      %dma_wait3A_299 = tpu.memref_slice %arg5[%dma_wait3A_297, %dma_wait3A_298] : memref<10048x64xf32, #tpu.memory_space<hbm>> -> memref<512x64xf32, #tpu.memory_space<hbm>>
      %dma_wait3A_300 = arith.constant 0 : i32
      %dma_wait3A_301 = arith.constant 0 : i32
      %dma_wait3A_302 = tpu.memref_slice %arg5[%dma_wait3A_300, %dma_wait3A_301] : memref<10048x64xf32, #tpu.memory_space<hbm>> -> memref<512x64xf32, #tpu.memory_space<hbm>>
      tpu.wait_dma2 semaphore(%arg15 : memref<!tpu.dma_semaphore, #tpu.memory_space<semaphore_mem>>) src(%dma_wait3A_302 : memref<512x64xf32, #tpu.memory_space<hbm>>) dst(%arg10 : memref<512x64xf32, #tpu.memory_space<vmem>>)
      %add3A_303 = arith.constant 2 : i32
      %add3A_304 = arith.addi %add3A_238, %add3A_303 : i32
      %min3A_305 = arith.constant 19 : i32
      %min3A_306 = arith.minsi %add3A_304, %min3A_305 : i32
      %mul3A_307 = arith.constant 4 : i32
      %mul3A_308 = arith.muli %min3A_306, %mul3A_307 : i32
      %add3A_309 = arith.constant 0 : i32
      %add3A_310 = arith.addi %mul3A_308, %add3A_309 : i32
      %mul3A_311 = arith.constant 128 : i32
      %mul3A_312 = arith.muli %add3A_310, %mul3A_311 : i32
      %dma_start3A_313 = arith.constant 0 : i32
      %dma_start3A_314 = arith.constant 0 : i32
      %dma_start3A_315 = tpu.memref_slice %arg10[%dma_start3A_313, %dma_start3A_314] : memref<512x64xf32, #tpu.memory_space<vmem>> -> memref<128x64xf32, #tpu.memory_space<vmem>>
      %dma_start3A_316 = tpu.memref_slice %arg7[%mul3A_312] : memref<10240xi32, #tpu.memory_space<vmem>> -> memref<128xi32, #tpu.memory_space<vmem>>
      %dma_start3A_317 = arith.constant 0 : i32
      %dma_start3A_318 = arith.constant 0 : i32
      %dma_start3A_319 = tpu.memref_slice %arg4[%dma_start3A_317, %dma_start3A_318] : memref<10000x64xf32, #tpu.memory_space<hbm>> -> memref<10000x64xf32, #tpu.memory_space<hbm>>
      tpu.enqueue_indirect_dma source(%dma_start3A_319 : memref<10000x64xf32, #tpu.memory_space<hbm>>) target(%dma_start3A_315 : memref<128x64xf32, #tpu.memory_space<vmem>>) offsets(%dma_start3A_316 : memref<128xi32, #tpu.memory_space<vmem>>) semaphore(%arg13 : memref<!tpu.dma_semaphore, #tpu.memory_space<semaphore_mem>>)
      %mul3A_320 = arith.constant 4 : i32
      %mul3A_321 = arith.muli %min3A_306, %mul3A_320 : i32
      %add3A_322 = arith.constant 1 : i32
      %add3A_323 = arith.addi %mul3A_321, %add3A_322 : i32
      %mul3A_324 = arith.constant 128 : i32
      %mul3A_325 = arith.muli %add3A_323, %mul3A_324 : i32
      %dma_start3A_326 = arith.constant 128 : i32
      %dma_start3A_327 = arith.constant 0 : i32
      %dma_start3A_328 = tpu.memref_slice %arg10[%dma_start3A_326, %dma_start3A_327] : memref<512x64xf32, #tpu.memory_space<vmem>> -> memref<128x64xf32, #tpu.memory_space<vmem>>
      %dma_start3A_329 = tpu.memref_slice %arg7[%mul3A_325] : memref<10240xi32, #tpu.memory_space<vmem>> -> memref<128xi32, #tpu.memory_space<vmem>>
      %dma_start3A_330 = arith.constant 0 : i32
      %dma_start3A_331 = arith.constant 0 : i32
      %dma_start3A_332 = tpu.memref_slice %arg4[%dma_start3A_330, %dma_start3A_331] : memref<10000x64xf32, #tpu.memory_space<hbm>> -> memref<10000x64xf32, #tpu.memory_space<hbm>>
      tpu.enqueue_indirect_dma source(%dma_start3A_332 : memref<10000x64xf32, #tpu.memory_space<hbm>>) target(%dma_start3A_328 : memref<128x64xf32, #tpu.memory_space<vmem>>) offsets(%dma_start3A_329 : memref<128xi32, #tpu.memory_space<vmem>>) semaphore(%arg13 : memref<!tpu.dma_semaphore, #tpu.memory_space<semaphore_mem>>)
      %mul3A_333 = arith.constant 4 : i32
      %mul3A_334 = arith.muli %min3A_306, %mul3A_333 : i32
      %add3A_335 = arith.constant 2 : i32
      %add3A_336 = arith.addi %mul3A_334, %add3A_335 : i32
      %mul3A_337 = arith.constant 128 : i32
      %mul3A_338 = arith.muli %add3A_336, %mul3A_337 : i32
      %dma_start3A_339 = arith.constant 256 : i32
      %dma_start3A_340 = arith.constant 0 : i32
      %dma_start3A_341 = tpu.memref_slice %arg10[%dma_start3A_339, %dma_start3A_340] : memref<512x64xf32, #tpu.memory_space<vmem>> -> memref<128x64xf32, #tpu.memory_space<vmem>>
      %dma_start3A_342 = tpu.memref_slice %arg7[%mul3A_338] : memref<10240xi32, #tpu.memory_space<vmem>> -> memref<128xi32, #tpu.memory_space<vmem>>
      %dma_start3A_343 = arith.constant 0 : i32
      %dma_start3A_344 = arith.constant 0 : i32
      %dma_start3A_345 = tpu.memref_slice %arg4[%dma_start3A_343, %dma_start3A_344] : memref<10000x64xf32, #tpu.memory_space<hbm>> -> memref<10000x64xf32, #tpu.memory_space<hbm>>
      tpu.enqueue_indirect_dma source(%dma_start3A_345 : memref<10000x64xf32, #tpu.memory_space<hbm>>) target(%dma_start3A_341 : memref<128x64xf32, #tpu.memory_space<vmem>>) offsets(%dma_start3A_342 : memref<128xi32, #tpu.memory_space<vmem>>) semaphore(%arg13 : memref<!tpu.dma_semaphore, #tpu.memory_space<semaphore_mem>>)
      %mul3A_346 = arith.constant 4 : i32
      %mul3A_347 = arith.muli %min3A_306, %mul3A_346 : i32
      %add3A_348 = arith.constant 3 : i32
      %add3A_349 = arith.addi %mul3A_347, %add3A_348 : i32
      %mul3A_350 = arith.constant 128 : i32
      %mul3A_351 = arith.muli %add3A_349, %mul3A_350 : i32
      %dma_start3A_352 = arith.constant 384 : i32
      %dma_start3A_353 = arith.constant 0 : i32
      %dma_start3A_354 = tpu.memref_slice %arg10[%dma_start3A_352, %dma_start3A_353] : memref<512x64xf32, #tpu.memory_space<vmem>> -> memref<128x64xf32, #tpu.memory_space<vmem>>
      %dma_start3A_355 = tpu.memref_slice %arg7[%mul3A_351] : memref<10240xi32, #tpu.memory_space<vmem>> -> memref<128xi32, #tpu.memory_space<vmem>>
      %dma_start3A_356 = arith.constant 0 : i32
      %dma_start3A_357 = arith.constant 0 : i32
      %dma_start3A_358 = tpu.memref_slice %arg4[%dma_start3A_356, %dma_start3A_357] : memref<10000x64xf32, #tpu.memory_space<hbm>> -> memref<10000x64xf32, #tpu.memory_space<hbm>>
      tpu.enqueue_indirect_dma source(%dma_start3A_358 : memref<10000x64xf32, #tpu.memory_space<hbm>>) target(%dma_start3A_354 : memref<128x64xf32, #tpu.memory_space<vmem>>) offsets(%dma_start3A_355 : memref<128xi32, #tpu.memory_space<vmem>>) semaphore(%arg13 : memref<!tpu.dma_semaphore, #tpu.memory_space<semaphore_mem>>)
    }
    %scan3A_97 = arith.constant 10 : i32
    %dma_wait3A_98 = arith.constant 0 : i32
    %dma_wait3A_99 = arith.constant 0 : i32
    %dma_wait3A_100 = tpu.memref_slice %arg5[%dma_wait3A_98, %dma_wait3A_99] : memref<10048x64xf32, #tpu.memory_space<hbm>> -> memref<512x64xf32, #tpu.memory_space<hbm>>
    %dma_wait3A_101 = arith.constant 0 : i32
    %dma_wait3A_102 = arith.constant 0 : i32
    %dma_wait3A_103 = tpu.memref_slice %arg5[%dma_wait3A_101, %dma_wait3A_102] : memref<10048x64xf32, #tpu.memory_space<hbm>> -> memref<512x64xf32, #tpu.memory_space<hbm>>
    tpu.wait_dma2 semaphore(%arg12 : memref<!tpu.dma_semaphore, #tpu.memory_space<semaphore_mem>>) src(%dma_wait3A_103 : memref<512x64xf32, #tpu.memory_space<hbm>>) dst(%arg9 : memref<512x64xf32, #tpu.memory_space<vmem>>)
    %dma_wait3A_104 = arith.constant 0 : i32
    %dma_wait3A_105 = arith.constant 0 : i32
    %dma_wait3A_106 = tpu.memref_slice %arg5[%dma_wait3A_104, %dma_wait3A_105] : memref<10048x64xf32, #tpu.memory_space<hbm>> -> memref<512x64xf32, #tpu.memory_space<hbm>>
    %dma_wait3A_107 = arith.constant 0 : i32
    %dma_wait3A_108 = arith.constant 0 : i32
    %dma_wait3A_109 = tpu.memref_slice %arg5[%dma_wait3A_107, %dma_wait3A_108] : memref<10048x64xf32, #tpu.memory_space<hbm>> -> memref<512x64xf32, #tpu.memory_space<hbm>>
    tpu.wait_dma2 semaphore(%arg13 : memref<!tpu.dma_semaphore, #tpu.memory_space<semaphore_mem>>) src(%dma_wait3A_109 : memref<512x64xf32, #tpu.memory_space<hbm>>) dst(%arg10 : memref<512x64xf32, #tpu.memory_space<vmem>>)
    %barrier3A_110 = arith.constant 0 : index
    tpu.barrier barrier_id(%barrier3A_110)
    "tpu.region"() ({
      %run_scoped3A = tpu.sem_alloc : memref<!tpu.dma_semaphore, #tpu.memory_space<semaphore_mem>>
      %dma_start3A_111 = arith.constant 0 : i32
      %dma_start3A_112 = tpu.memref_slice %arg6[%arg0, %mul3A_2, %dma_start3A_111] : memref<2x10048x64xf32, #tpu.memory_space<hbm>> -> memref<1x628x64xf32, #tpu.memory_space<hbm>>
      %dma_start3A_113 = tpu.memref_squeeze %dma_start3A_112 : memref<1x628x64xf32, #tpu.memory_space<hbm>> -> memref<628x64xf32, #tpu.memory_space<hbm>>
      %dma_start3A_114 = arith.constant 0 : i32
      %dma_start3A_115 = tpu.memref_slice %arg11[%mul3A_2, %dma_start3A_114] : memref<10048x64xf32, #tpu.memory_space<vmem_shared>> -> memref<628x64xf32, #tpu.memory_space<vmem_shared>>
      tpu.enqueue_dma source(%dma_start3A_115 : memref<628x64xf32, #tpu.memory_space<vmem_shared>>) target(%dma_start3A_113 : memref<628x64xf32, #tpu.memory_space<hbm>>) target_semaphore(%run_scoped3A : memref<!tpu.dma_semaphore, #tpu.memory_space<semaphore_mem>>)
      %dma_wait3A_116 = arith.constant 0 : i32
      %dma_wait3A_117 = tpu.memref_slice %arg6[%arg0, %mul3A_2, %dma_wait3A_116] : memref<2x10048x64xf32, #tpu.memory_space<hbm>> -> memref<1x628x64xf32, #tpu.memory_space<hbm>>
      %dma_wait3A_118 = tpu.memref_squeeze %dma_wait3A_117 : memref<1x628x64xf32, #tpu.memory_space<hbm>> -> memref<628x64xf32, #tpu.memory_space<hbm>>
      %dma_wait3A_119 = arith.constant 0 : i32
      %dma_wait3A_120 = tpu.memref_slice %arg11[%mul3A_2, %dma_wait3A_119] : memref<10048x64xf32, #tpu.memory_space<vmem_shared>> -> memref<628x64xf32, #tpu.memory_space<vmem_shared>>
      tpu.wait_dma2 semaphore(%run_scoped3A : memref<!tpu.dma_semaphore, #tpu.memory_space<semaphore_mem>>) src(%dma_wait3A_120 : memref<628x64xf32, #tpu.memory_space<vmem_shared>>) dst(%dma_wait3A_118 : memref<628x64xf32, #tpu.memory_space<hbm>>)
      tpu.yield
    }) : () -> ()
    return
  }
}

#map = affine_map<(d0, d1) -> (0, 0)>
#map1 = affine_map<(d0, d1) -> (0, 0, 0)>
module attributes {stable_mosaic.version = 14 : i64} {
  func.func @k(%arg0: i32, %arg1: i32, %arg2: memref<2560x128xi32, #tpu.memory_space<hbm>>, %arg3: memref<128x8xf32, #tpu.memory_space<hbm>>, %arg4: memref<10048x8xf32, #tpu.memory_space<hbm>>, %arg5: memref<2x10048x8xf32, #tpu.memory_space<hbm>>, %arg6: memref<80x128xi32, #tpu.memory_space<vmem>>, %arg7: memref<128x8xf32, #tpu.memory_space<vmem>>, %arg8: memref<10048x8xf32, #tpu.memory_space<vmem_shared>>) attributes {dimension_semantics = [#tpu.dimension_semantics<core_parallel>, #tpu.dimension_semantics<subcore_parallel>], iteration_bounds = array<i64: 2, 16>, scalar_prefetch = 0 : i64, scratch_operands = 3 : i64, tpu.core_type = #tpu.core_type<sc_vector_subcore>, window_params = [{transform_indices = #map}, {transform_indices = #map}, {transform_indices = #map}, {transform_indices = #map1}]} {
    %mul3A = arith.constant 2 : i32
    %mul3A_0 = arith.muli %arg1, %mul3A : i32
    %add3A = arith.addi %mul3A_0, %arg0 : i32
    %mul3A_1 = arith.constant 628 : i32
    %mul3A_2 = arith.muli %arg1, %mul3A_1 : i32
    "tpu.region"() ({
      %run_scoped3A = tpu.sem_alloc : memref<!tpu.dma_semaphore, #tpu.memory_space<semaphore_mem>>
      %dma_start3A = arith.constant 0 : i32
      %dma_start3A_11 = tpu.memref_slice %arg8[%mul3A_2, %dma_start3A] : memref<10048x8xf32, #tpu.memory_space<vmem_shared>> -> memref<628x8xf32, #tpu.memory_space<vmem_shared>>
      %dma_start3A_12 = arith.constant 0 : i32
      %dma_start3A_13 = tpu.memref_slice %arg4[%mul3A_2, %dma_start3A_12] : memref<10048x8xf32, #tpu.memory_space<hbm>> -> memref<628x8xf32, #tpu.memory_space<hbm>>
      tpu.enqueue_dma source(%dma_start3A_13 : memref<628x8xf32, #tpu.memory_space<hbm>>) target(%dma_start3A_11 : memref<628x8xf32, #tpu.memory_space<vmem_shared>>) target_semaphore(%run_scoped3A : memref<!tpu.dma_semaphore, #tpu.memory_space<semaphore_mem>>)
      %dma_wait3A = arith.constant 0 : i32
      %dma_wait3A_14 = tpu.memref_slice %arg8[%mul3A_2, %dma_wait3A] : memref<10048x8xf32, #tpu.memory_space<vmem_shared>> -> memref<628x8xf32, #tpu.memory_space<vmem_shared>>
      %dma_wait3A_15 = arith.constant 0 : i32
      %dma_wait3A_16 = tpu.memref_slice %arg4[%mul3A_2, %dma_wait3A_15] : memref<10048x8xf32, #tpu.memory_space<hbm>> -> memref<628x8xf32, #tpu.memory_space<hbm>>
      tpu.wait_dma2 semaphore(%run_scoped3A : memref<!tpu.dma_semaphore, #tpu.memory_space<semaphore_mem>>) src(%dma_wait3A_16 : memref<628x8xf32, #tpu.memory_space<hbm>>) dst(%dma_wait3A_14 : memref<628x8xf32, #tpu.memory_space<vmem_shared>>)
      tpu.yield
    }) : () -> ()
    %mul3A_3 = arith.constant 80 : i32
    %mul3A_4 = arith.muli %add3A, %mul3A_3 : i32
    "tpu.region"() ({
      %run_scoped3A = tpu.sem_alloc : memref<!tpu.dma_semaphore, #tpu.memory_space<semaphore_mem>>
      %dma_start3A = arith.constant 0 : i32
      %dma_start3A_11 = tpu.memref_slice %arg2[%mul3A_4, %dma_start3A] : memref<2560x128xi32, #tpu.memory_space<hbm>> -> memref<80x128xi32, #tpu.memory_space<hbm>>
      %dma_start3A_12 = arith.constant 0 : i32
      %dma_start3A_13 = tpu.memref_slice %arg2[%mul3A_4, %dma_start3A_12] : memref<2560x128xi32, #tpu.memory_space<hbm>> -> memref<80x128xi32, #tpu.memory_space<hbm>>
      tpu.enqueue_dma source(%dma_start3A_13 : memref<80x128xi32, #tpu.memory_space<hbm>>) target(%arg6 : memref<80x128xi32, #tpu.memory_space<vmem>>) target_semaphore(%run_scoped3A : memref<!tpu.dma_semaphore, #tpu.memory_space<semaphore_mem>>)
      %dma_wait3A = arith.constant 0 : i32
      %dma_wait3A_14 = tpu.memref_slice %arg2[%mul3A_4, %dma_wait3A] : memref<2560x128xi32, #tpu.memory_space<hbm>> -> memref<80x128xi32, #tpu.memory_space<hbm>>
      %dma_wait3A_15 = arith.constant 0 : i32
      %dma_wait3A_16 = tpu.memref_slice %arg2[%mul3A_4, %dma_wait3A_15] : memref<2560x128xi32, #tpu.memory_space<hbm>> -> memref<80x128xi32, #tpu.memory_space<hbm>>
      tpu.wait_dma2 semaphore(%run_scoped3A : memref<!tpu.dma_semaphore, #tpu.memory_space<semaphore_mem>>) src(%dma_wait3A_16 : memref<80x128xi32, #tpu.memory_space<hbm>>) dst(%arg6 : memref<80x128xi32, #tpu.memory_space<vmem>>)
      tpu.yield
    }) : () -> ()
    "tpu.region"() ({
      %run_scoped3A = tpu.sem_alloc : memref<!tpu.dma_semaphore, #tpu.memory_space<semaphore_mem>>
      tpu.enqueue_dma source(%arg3 : memref<128x8xf32, #tpu.memory_space<hbm>>) target(%arg7 : memref<128x8xf32, #tpu.memory_space<vmem>>) target_semaphore(%run_scoped3A : memref<!tpu.dma_semaphore, #tpu.memory_space<semaphore_mem>>)
      tpu.wait_dma2 semaphore(%run_scoped3A : memref<!tpu.dma_semaphore, #tpu.memory_space<semaphore_mem>>) src(%arg3 : memref<128x8xf32, #tpu.memory_space<hbm>>) dst(%arg7 : memref<128x8xf32, #tpu.memory_space<vmem>>)
      tpu.yield
    }) : () -> ()
    %barrier3A = arith.constant 0 : index
    tpu.barrier barrier_id(%barrier3A)
    %scan3A = arith.constant 0 : i32
    %scan3A_5 = arith.constant 0 : i32
    %scan3A_6 = arith.constant 80 : i32
    %scan3A_7 = arith.addi %scan3A_5, %scan3A_6 : i32
    %scan3A_8 = arith.constant 1 : i32
    scf.for %scan3A_11 = %scan3A_5 to %scan3A_7 step %scan3A_8  : i32 {
      "tpu.region"() ({
        %run_scoped3A = tpu.sem_alloc : memref<!tpu.dma_semaphore, #tpu.memory_space<semaphore_mem>>
        %dma_start3A = arith.constant 0 : i32
        %dma_start3A_12 = tpu.memref_slice %arg6[%scan3A_11, %dma_start3A] : memref<80x128xi32, #tpu.memory_space<vmem>> -> memref<1x128xi32, #tpu.memory_space<vmem>>
        %dma_start3A_13 = tpu.memref_squeeze %dma_start3A_12 : memref<1x128xi32, #tpu.memory_space<vmem>> -> memref<128xi32, #tpu.memory_space<vmem>>
        %dma_start3A_14 = arith.constant 0 : i32
        %dma_start3A_15 = arith.constant 0 : i32
        %dma_start3A_16 = tpu.memref_slice %arg8[%dma_start3A_14, %dma_start3A_15] : memref<10048x8xf32, #tpu.memory_space<vmem_shared>> -> memref<10048x8xf32, #tpu.memory_space<vmem_shared>>
        tpu.enqueue_indirect_dma source(%arg7 : memref<128x8xf32, #tpu.memory_space<vmem>>) target(%dma_start3A_16 : memref<10048x8xf32, #tpu.memory_space<vmem_shared>>) offsets(%dma_start3A_13 : memref<128xi32, #tpu.memory_space<vmem>>) semaphore(%run_scoped3A : memref<!tpu.dma_semaphore, #tpu.memory_space<semaphore_mem>>) {add = true}
        %dma_wait3A = arith.constant 0 : i32
        %dma_wait3A_17 = tpu.memref_slice %arg6[%scan3A_11, %dma_wait3A] : memref<80x128xi32, #tpu.memory_space<vmem>> -> memref<1x128xi32, #tpu.memory_space<vmem>>
        %dma_wait3A_18 = tpu.memref_squeeze %dma_wait3A_17 : memref<1x128xi32, #tpu.memory_space<vmem>> -> memref<128xi32, #tpu.memory_space<vmem>>
        %dma_wait3A_19 = arith.constant 0 : i32
        %dma_wait3A_20 = arith.constant 0 : i32
        %dma_wait3A_21 = tpu.memref_slice %arg8[%dma_wait3A_19, %dma_wait3A_20] : memref<10048x8xf32, #tpu.memory_space<vmem_shared>> -> memref<10048x8xf32, #tpu.memory_space<vmem_shared>>
        tpu.wait_indirect_dma semaphore(%run_scoped3A : memref<!tpu.dma_semaphore, #tpu.memory_space<semaphore_mem>>) src(%arg7 : memref<128x8xf32, #tpu.memory_space<vmem>>) dst(%dma_wait3A_21 : memref<10048x8xf32, #tpu.memory_space<vmem_shared>>)
        tpu.yield
      }) : () -> ()
    }
    %scan3A_9 = arith.constant 80 : i32
    %barrier3A_10 = arith.constant 0 : index
    tpu.barrier barrier_id(%barrier3A_10)
    "tpu.region"() ({
      %run_scoped3A = tpu.sem_alloc : memref<!tpu.dma_semaphore, #tpu.memory_space<semaphore_mem>>
      %dma_start3A = arith.constant 0 : i32
      %dma_start3A_11 = tpu.memref_slice %arg5[%arg0, %mul3A_2, %dma_start3A] : memref<2x10048x8xf32, #tpu.memory_space<hbm>> -> memref<1x628x8xf32, #tpu.memory_space<hbm>>
      %dma_start3A_12 = tpu.memref_squeeze %dma_start3A_11 : memref<1x628x8xf32, #tpu.memory_space<hbm>> -> memref<628x8xf32, #tpu.memory_space<hbm>>
      %dma_start3A_13 = arith.constant 0 : i32
      %dma_start3A_14 = tpu.memref_slice %arg8[%mul3A_2, %dma_start3A_13] : memref<10048x8xf32, #tpu.memory_space<vmem_shared>> -> memref<628x8xf32, #tpu.memory_space<vmem_shared>>
      tpu.enqueue_dma source(%dma_start3A_14 : memref<628x8xf32, #tpu.memory_space<vmem_shared>>) target(%dma_start3A_12 : memref<628x8xf32, #tpu.memory_space<hbm>>) target_semaphore(%run_scoped3A : memref<!tpu.dma_semaphore, #tpu.memory_space<semaphore_mem>>)
      %dma_wait3A = arith.constant 0 : i32
      %dma_wait3A_15 = tpu.memref_slice %arg5[%arg0, %mul3A_2, %dma_wait3A] : memref<2x10048x8xf32, #tpu.memory_space<hbm>> -> memref<1x628x8xf32, #tpu.memory_space<hbm>>
      %dma_wait3A_16 = tpu.memref_squeeze %dma_wait3A_15 : memref<1x628x8xf32, #tpu.memory_space<hbm>> -> memref<628x8xf32, #tpu.memory_space<hbm>>
      %dma_wait3A_17 = arith.constant 0 : i32
      %dma_wait3A_18 = tpu.memref_slice %arg8[%mul3A_2, %dma_wait3A_17] : memref<10048x8xf32, #tpu.memory_space<vmem_shared>> -> memref<628x8xf32, #tpu.memory_space<vmem_shared>>
      tpu.wait_dma2 semaphore(%run_scoped3A : memref<!tpu.dma_semaphore, #tpu.memory_space<semaphore_mem>>) src(%dma_wait3A_18 : memref<628x8xf32, #tpu.memory_space<vmem_shared>>) dst(%dma_wait3A_16 : memref<628x8xf32, #tpu.memory_space<hbm>>)
      tpu.yield
    }) : () -> ()
    return
  }
}

module attributes {stable_mosaic.version = 14 : i64} {
  func.func @_k1a_body(%arg0: i32, %arg1: memref<1000x128xf32, #tpu.memory_space<vmem>>, %arg2: memref<128x64xf32, #tpu.memory_space<vmem>>, %arg3: memref<1000x64xf32, #tpu.memory_space<vmem>>) attributes {dimension_semantics = [#tpu.dimension_semantics<arbitrary>], iteration_bounds = array<i64: 10>, scalar_prefetch = 0 : i64, scratch_operands = 0 : i64, tpu.core_type = #tpu.core_type<tc>, window_params = [{transform_indices = @transform_0, window_bounds = array<i64: 1000, 128>}, {pipeline_mode = #tpu.pipeline_mode<synchronous>, transform_indices = @transform_1, window_bounds = array<i64: 128, 64>}, {transform_indices = @transform_2, window_bounds = array<i64: 1000, 64>}]} {
    %get3A = arith.constant 0 : index
    %get3A_0 = arith.constant 0 : index
    %get3A_1 = vector.load %arg1[%get3A, %get3A_0] : memref<1000x128xf32, #tpu.memory_space<vmem>>, vector<1000x128xf32>
    %get3A_2 = arith.constant 0 : index
    %get3A_3 = arith.constant 0 : index
    %get3A_4 = vector.load %arg2[%get3A_2, %get3A_3] : memref<128x64xf32, #tpu.memory_space<vmem>>, vector<128x64xf32>
    %dot_general3A = arith.constant dense<0.000000e+00> : vector<1000x64xf32>
    %dot_general3A_5 = tpu.matmul %get3A_1, %get3A_4, %dot_general3A {dimension_numbers = #tpu.dot_dimension_numbers<[1], [0], [0], [1], [0, 0, 1, 1], [], []>, transpose_lhs_hint = false} : vector<1000x128xf32>, vector<128x64xf32>, vector<1000x64xf32> -> vector<1000x64xf32>
    %swap3A = arith.constant 0 : index
    %swap3A_6 = arith.constant 0 : index
    %swap3A_7 = vector.load %arg3[%swap3A, %swap3A_6] : memref<1000x64xf32, #tpu.memory_space<vmem>>, vector<1000x64xf32>
    tpu.vector_store %arg3[%swap3A, %swap3A_6], %dot_general3A_5 {strides = array<i32>} : memref<1000x64xf32, #tpu.memory_space<vmem>>, vector<1000x64xf32>,
    return
  }
  func.func @transform_0(%arg0: i32) -> (i32, i32) {
    %c0_i32 = arith.constant 0 : i32
    %c0_i32_0 = arith.constant 0 : i32
    return %arg0, %c0_i32 : i32, i32
  }
  func.func @transform_1(%arg0: i32) -> (i32, i32) {
    %c0_i32 = arith.constant 0 : i32
    %c0_i32_0 = arith.constant 0 : i32
    %c0_i32_1 = arith.constant 0 : i32
    return %c0_i32, %c0_i32_0 : i32, i32
  }
  func.func @transform_2(%arg0: i32) -> (i32, i32) {
    %c0_i32 = arith.constant 0 : i32
    %c0_i32_0 = arith.constant 0 : i32
    return %arg0, %c0_i32 : i32, i32
  }
}

module attributes {stable_mosaic.version = 14 : i64} {
  func.func @_k1b_body(%arg0: i32, %arg1: memref<1000x64xf32, #tpu.memory_space<vmem>>, %arg2: memref<2x1000x8xf32, #tpu.memory_space<vmem>>, %arg3: memref<1000x64xf32, #tpu.memory_space<vmem>>) attributes {dimension_semantics = [#tpu.dimension_semantics<arbitrary>], iteration_bounds = array<i64: 10>, scalar_prefetch = 0 : i64, scratch_operands = 0 : i64, tpu.core_type = #tpu.core_type<tc>, window_params = [{transform_indices = @transform_0, window_bounds = array<i64: 1000, 64>}, {transform_indices = @transform_1, window_bounds = array<i64: 2, 1000, 8>}, {transform_indices = @transform_2, window_bounds = array<i64: 1000, 64>}]} {
    %get3A = arith.constant 0 : index
    %get3A_0 = arith.constant 0 : index
    %get3A_1 = vector.load %arg1[%get3A, %get3A_0] : memref<1000x64xf32, #tpu.memory_space<vmem>>, vector<1000x64xf32>
    %get3A_2 = arith.constant 0 : index
    %get3A_3 = arith.constant 0 : index
    %get3A_4 = arith.constant 0 : index
    %get3A_5 = vector.load %arg2[%get3A_2, %get3A_3, %get3A_4] : memref<2x1000x8xf32, #tpu.memory_space<vmem>>, vector<1x1000x8xf32>
    %get3A_6 = vector.shape_cast %get3A_5 : vector<1x1000x8xf32> to vector<1000x8xf32>
    %slice3A = vector.extract_strided_slice %get3A_6 {offsets = [0, 0], sizes = [1000, 1], strides = [1, 1]} : vector<1000x8xf32> to vector<1000x1xf32>
    %add3A = arith.constant 1.000000e+00 : f32
    %add3A_7 = vector.broadcast %add3A : f32 to vector<1000x1xf32>
    %add3A_8 = arith.addf %add3A_7, %slice3A : vector<1000x1xf32>
    %get3A_9 = arith.constant 1 : index
    %get3A_10 = arith.constant 0 : index
    %get3A_11 = arith.constant 0 : index
    %get3A_12 = vector.load %arg2[%get3A_9, %get3A_10, %get3A_11] : memref<2x1000x8xf32, #tpu.memory_space<vmem>>, vector<1x1000x8xf32>
    %get3A_13 = vector.shape_cast %get3A_12 : vector<1x1000x8xf32> to vector<1000x8xf32>
    %slice3A_14 = vector.extract_strided_slice %get3A_13 {offsets = [0, 0], sizes = [1000, 1], strides = [1, 1]} : vector<1000x8xf32> to vector<1000x1xf32>
    %add3A_15 = arith.addf %add3A_8, %slice3A_14 : vector<1000x1xf32>
    %rsqrt3A = math.rsqrt %add3A_15 : vector<1000x1xf32>
    %mul3A = vector.broadcast %rsqrt3A : vector<1000x1xf32> to vector<1000x64xf32>
    %mul3A_16 = arith.mulf %get3A_1, %mul3A : vector<1000x64xf32>
    %swap3A = arith.constant 0 : index
    %swap3A_17 = arith.constant 0 : index
    %swap3A_18 = vector.load %arg3[%swap3A, %swap3A_17] : memref<1000x64xf32, #tpu.memory_space<vmem>>, vector<1000x64xf32>
    tpu.vector_store %arg3[%swap3A, %swap3A_17], %mul3A_16 {strides = array<i32>} : memref<1000x64xf32, #tpu.memory_space<vmem>>, vector<1000x64xf32>,
    return
  }
  func.func @transform_0(%arg0: i32) -> (i32, i32) {
    %c0_i32 = arith.constant 0 : i32
    %c0_i32_0 = arith.constant 0 : i32
    return %arg0, %c0_i32 : i32, i32
  }
  func.func @transform_1(%arg0: i32) -> (i32, i32, i32) {
    %c0_i32 = arith.constant 0 : i32
    %c0_i32_0 = arith.constant 0 : i32
    %c0_i32_1 = arith.constant 0 : i32
    return %c0_i32, %arg0, %c0_i32_0 : i32, i32, i32
  }
  func.func @transform_2(%arg0: i32) -> (i32, i32) {
    %c0_i32 = arith.constant 0 : i32
    %c0_i32_0 = arith.constant 0 : i32
    return %arg0, %c0_i32 : i32, i32
  }
}

module attributes {stable_mosaic.version = 14 : i64} {
  func.func @_k2_body(%arg0: i32, %arg1: memref<2x1000x64xf32, #tpu.memory_space<vmem>>, %arg2: memref<1000x64xf32, #tpu.memory_space<vmem>>, %arg3: memref<2x1000x8xf32, #tpu.memory_space<vmem>>, %arg4: memref<1x64xf32, #tpu.memory_space<vmem>>, %arg5: memref<1000x64xf32, #tpu.memory_space<vmem>>) attributes {dimension_semantics = [#tpu.dimension_semantics<arbitrary>], iteration_bounds = array<i64: 10>, scalar_prefetch = 0 : i64, scratch_operands = 0 : i64, tpu.core_type = #tpu.core_type<tc>, window_params = [{transform_indices = @transform_0, window_bounds = array<i64: 2, 1000, 64>}, {transform_indices = @transform_1, window_bounds = array<i64: 1000, 64>}, {transform_indices = @transform_2, window_bounds = array<i64: 2, 1000, 8>}, {pipeline_mode = #tpu.pipeline_mode<synchronous>, transform_indices = @transform_3, window_bounds = array<i64: 1, 64>}, {transform_indices = @transform_4, window_bounds = array<i64: 1000, 64>}]} {
    %get3A = arith.constant 0 : index
    %get3A_0 = arith.constant 0 : index
    %get3A_1 = arith.constant 0 : index
    %get3A_2 = vector.load %arg3[%get3A, %get3A_0, %get3A_1] : memref<2x1000x8xf32, #tpu.memory_space<vmem>>, vector<1x1000x8xf32>
    %get3A_3 = vector.shape_cast %get3A_2 : vector<1x1000x8xf32> to vector<1000x8xf32>
    %slice3A = vector.extract_strided_slice %get3A_3 {offsets = [0, 0], sizes = [1000, 1], strides = [1, 1]} : vector<1000x8xf32> to vector<1000x1xf32>
    %add3A = arith.constant 1.000000e+00 : f32
    %add3A_4 = vector.broadcast %add3A : f32 to vector<1000x1xf32>
    %add3A_5 = arith.addf %add3A_4, %slice3A : vector<1000x1xf32>
    %get3A_6 = arith.constant 1 : index
    %get3A_7 = arith.constant 0 : index
    %get3A_8 = arith.constant 0 : index
    %get3A_9 = vector.load %arg3[%get3A_6, %get3A_7, %get3A_8] : memref<2x1000x8xf32, #tpu.memory_space<vmem>>, vector<1x1000x8xf32>
    %get3A_10 = vector.shape_cast %get3A_9 : vector<1x1000x8xf32> to vector<1000x8xf32>
    %slice3A_11 = vector.extract_strided_slice %get3A_10 {offsets = [0, 0], sizes = [1000, 1], strides = [1, 1]} : vector<1000x8xf32> to vector<1000x1xf32>
    %add3A_12 = arith.addf %add3A_5, %slice3A_11 : vector<1000x1xf32>
    %rsqrt3A = math.rsqrt %add3A_12 : vector<1000x1xf32>
    %get3A_13 = arith.constant 0 : index
    %get3A_14 = arith.constant 0 : index
    %get3A_15 = arith.constant 0 : index
    %get3A_16 = vector.load %arg1[%get3A_13, %get3A_14, %get3A_15] : memref<2x1000x64xf32, #tpu.memory_space<vmem>>, vector<1x1000x64xf32>
    %get3A_17 = vector.shape_cast %get3A_16 : vector<1x1000x64xf32> to vector<1000x64xf32>
    %get3A_18 = arith.constant 1 : index
    %get3A_19 = arith.constant 0 : index
    %get3A_20 = arith.constant 0 : index
    %get3A_21 = vector.load %arg1[%get3A_18, %get3A_19, %get3A_20] : memref<2x1000x64xf32, #tpu.memory_space<vmem>>, vector<1x1000x64xf32>
    %get3A_22 = vector.shape_cast %get3A_21 : vector<1x1000x64xf32> to vector<1000x64xf32>
    %add3A_23 = arith.addf %get3A_17, %get3A_22 : vector<1000x64xf32>
    %get3A_24 = arith.constant 0 : index
    %get3A_25 = arith.constant 0 : index
    %get3A_26 = vector.load %arg2[%get3A_24, %get3A_25] : memref<1000x64xf32, #tpu.memory_space<vmem>>, vector<1000x64xf32>
    %add3A_27 = arith.addf %add3A_23, %get3A_26 : vector<1000x64xf32>
    %mul3A = vector.broadcast %rsqrt3A : vector<1000x1xf32> to vector<1000x64xf32>
    %mul3A_28 = arith.mulf %mul3A, %add3A_27 : vector<1000x64xf32>
    %get3A_29 = arith.constant 0 : index
    %get3A_30 = arith.constant 0 : index
    %get3A_31 = vector.load %arg4[%get3A_29, %get3A_30] : memref<1x64xf32, #tpu.memory_space<vmem>>, vector<1x64xf32>
    %add3A_32 = vector.broadcast %get3A_31 : vector<1x64xf32> to vector<1000x64xf32>
    %add3A_33 = arith.addf %mul3A_28, %add3A_32 : vector<1000x64xf32>
    %max3A = arith.constant 0.000000e+00 : f32
    %max3A_34 = vector.broadcast %max3A : f32 to vector<1000x64xf32>
    %max3A_35 = arith.maximumf %add3A_33, %max3A_34 : vector<1000x64xf32>
    %mul3A_36 = vector.broadcast %rsqrt3A : vector<1000x1xf32> to vector<1000x64xf32>
    %mul3A_37 = arith.mulf %max3A_35, %mul3A_36 : vector<1000x64xf32>
    %swap3A = arith.constant 0 : index
    %swap3A_38 = arith.constant 0 : index
    %swap3A_39 = vector.load %arg5[%swap3A, %swap3A_38] : memref<1000x64xf32, #tpu.memory_space<vmem>>, vector<1000x64xf32>
    tpu.vector_store %arg5[%swap3A, %swap3A_38], %mul3A_37 {strides = array<i32>} : memref<1000x64xf32, #tpu.memory_space<vmem>>, vector<1000x64xf32>,
    return
  }
  func.func @transform_0(%arg0: i32) -> (i32, i32, i32) {
    %c0_i32 = arith.constant 0 : i32
    %c0_i32_0 = arith.constant 0 : i32
    %c0_i32_1 = arith.constant 0 : i32
    return %c0_i32, %arg0, %c0_i32_0 : i32, i32, i32
  }
  func.func @transform_1(%arg0: i32) -> (i32, i32) {
    %c0_i32 = arith.constant 0 : i32
    %c0_i32_0 = arith.constant 0 : i32
    return %arg0, %c0_i32 : i32, i32
  }
  func.func @transform_2(%arg0: i32) -> (i32, i32, i32) {
    %c0_i32 = arith.constant 0 : i32
    %c0_i32_0 = arith.constant 0 : i32
    %c0_i32_1 = arith.constant 0 : i32
    return %c0_i32, %arg0, %c0_i32_0 : i32, i32, i32
  }
  func.func @transform_3(%arg0: i32) -> (i32, i32) {
    %c0_i32 = arith.constant 0 : i32
    %c0_i32_0 = arith.constant 0 : i32
    %c0_i32_1 = arith.constant 0 : i32
    return %c0_i32, %c0_i32_0 : i32, i32
  }
  func.func @transform_4(%arg0: i32) -> (i32, i32) {
    %c0_i32 = arith.constant 0 : i32
    %c0_i32_0 = arith.constant 0 : i32
    return %arg0, %c0_i32 : i32, i32
  }
}

module attributes {stable_mosaic.version = 14 : i64} {
  func.func @_k3_body(%arg0: i32, %arg1: memref<2x1000x64xf32, #tpu.memory_space<vmem>>, %arg2: memref<1000x64xf32, #tpu.memory_space<vmem>>, %arg3: memref<2x1000x8xf32, #tpu.memory_space<vmem>>, %arg4: memref<64x128xf32, #tpu.memory_space<vmem>>, %arg5: memref<1x128xf32, #tpu.memory_space<vmem>>, %arg6: memref<1000x1xi32, #tpu.memory_space<vmem>>, %arg7: memref<128x256xf32, #tpu.memory_space<vmem>>, %arg8: memref<1x256xf32, #tpu.memory_space<vmem>>, %arg9: memref<64x256xf32, #tpu.memory_space<vmem>>, %arg10: memref<64x128xf32, #tpu.memory_space<vmem>>, %arg11: memref<64x1xf32, #tpu.memory_space<vmem>>) attributes {dimension_semantics = [#tpu.dimension_semantics<arbitrary>], iteration_bounds = array<i64: 10>, scalar_prefetch = 0 : i64, scratch_operands = 2 : i64, tpu.core_type = #tpu.core_type<tc>, window_params = [{transform_indices = @transform_0, window_bounds = array<i64: 2, 1000, 64>}, {transform_indices = @transform_1, window_bounds = array<i64: 1000, 64>}, {transform_indices = @transform_2, window_bounds = array<i64: 2, 1000, 8>}, {pipeline_mode = #tpu.pipeline_mode<synchronous>, transform_indices = @transform_3, window_bounds = array<i64: 64, 128>}, {pipeline_mode = #tpu.pipeline_mode<synchronous>, transform_indices = @transform_4, window_bounds = array<i64: 1, 128>}, {transform_indices = @transform_5, window_bounds = array<i64: 1000, 1>}, {pipeline_mode = #tpu.pipeline_mode<synchronous>, transform_indices = @transform_6, window_bounds = array<i64: 128, 256>}, {pipeline_mode = #tpu.pipeline_mode<synchronous>, transform_indices = @transform_7, window_bounds = array<i64: 1, 256>}, {pipeline_mode = #tpu.pipeline_mode<synchronous>, transform_indices = @transform_8, window_bounds = array<i64: 64, 256>}]} {
    %eq3A = arith.constant 0 : i32
    %eq3A_0 = arith.cmpi eq, %arg0, %eq3A : i32
    %convert_element_type3A = arith.extui %eq3A_0 : i1 to i32
    %cond3A = arith.constant 0 : i32
    %cond3A_1 = arith.cmpi ne, %convert_element_type3A, %cond3A : i32
    scf.if %cond3A_1 {
      %broadcast_in_dim3A_73 = arith.constant 0.000000e+00 : f32
      %broadcast_in_dim3A_74 = vector.broadcast %broadcast_in_dim3A_73 : f32 to vector<64x128xf32>
      %swap3A_75 = arith.constant 0 : index
      %swap3A_76 = arith.constant 0 : index
      %swap3A_77 = vector.load %arg10[%swap3A_75, %swap3A_76] : memref<64x128xf32, #tpu.memory_space<vmem>>, vector<64x128xf32>
      tpu.vector_store %arg10[%swap3A_75, %swap3A_76], %broadcast_in_dim3A_74 {strides = array<i32>} : memref<64x128xf32, #tpu.memory_space<vmem>>, vector<64x128xf32>,
      %broadcast_in_dim3A_78 = arith.constant 0.000000e+00 : f32
      %broadcast_in_dim3A_79 = vector.broadcast %broadcast_in_dim3A_78 : f32 to vector<64x1xf32>
      %swap3A_80 = arith.constant 0 : index
      %swap3A_81 = arith.constant 0 : index
      %swap3A_82 = vector.load %arg11[%swap3A_80, %swap3A_81] : memref<64x1xf32, #tpu.memory_space<vmem>>, vector<64x1xf32>
      tpu.vector_store %arg11[%swap3A_80, %swap3A_81], %broadcast_in_dim3A_79 {strides = array<i32>} : memref<64x1xf32, #tpu.memory_space<vmem>>, vector<64x1xf32>,
    } else {
    }
    %get3A = arith.constant 0 : index
    %get3A_2 = arith.constant 0 : index
    %get3A_3 = arith.constant 0 : index
    %get3A_4 = vector.load %arg3[%get3A, %get3A_2, %get3A_3] : memref<2x1000x8xf32, #tpu.memory_space<vmem>>, vector<1x1000x8xf32>
    %get3A_5 = vector.shape_cast %get3A_4 : vector<1x1000x8xf32> to vector<1000x8xf32>
    %slice3A = vector.extract_strided_slice %get3A_5 {offsets = [0, 0], sizes = [1000, 1], strides = [1, 1]} : vector<1000x8xf32> to vector<1000x1xf32>
    %add3A = arith.constant 1.000000e+00 : f32
    %add3A_6 = vector.broadcast %add3A : f32 to vector<1000x1xf32>
    %add3A_7 = arith.addf %add3A_6, %slice3A : vector<1000x1xf32>
    %get3A_8 = arith.constant 1 : index
    %get3A_9 = arith.constant 0 : index
    %get3A_10 = arith.constant 0 : index
    %get3A_11 = vector.load %arg3[%get3A_8, %get3A_9, %get3A_10] : memref<2x1000x8xf32, #tpu.memory_space<vmem>>, vector<1x1000x8xf32>
    %get3A_12 = vector.shape_cast %get3A_11 : vector<1x1000x8xf32> to vector<1000x8xf32>
    %slice3A_13 = vector.extract_strided_slice %get3A_12 {offsets = [0, 0], sizes = [1000, 1], strides = [1, 1]} : vector<1000x8xf32> to vector<1000x1xf32>
    %add3A_14 = arith.addf %add3A_7, %slice3A_13 : vector<1000x1xf32>
    %rsqrt3A = math.rsqrt %add3A_14 : vector<1000x1xf32>
    %get3A_15 = arith.constant 0 : index
    %get3A_16 = arith.constant 0 : index
    %get3A_17 = arith.constant 0 : index
    %get3A_18 = vector.load %arg1[%get3A_15, %get3A_16, %get3A_17] : memref<2x1000x64xf32, #tpu.memory_space<vmem>>, vector<1x1000x64xf32>
    %get3A_19 = vector.shape_cast %get3A_18 : vector<1x1000x64xf32> to vector<1000x64xf32>
    %get3A_20 = arith.constant 1 : index
    %get3A_21 = arith.constant 0 : index
    %get3A_22 = arith.constant 0 : index
    %get3A_23 = vector.load %arg1[%get3A_20, %get3A_21, %get3A_22] : memref<2x1000x64xf32, #tpu.memory_space<vmem>>, vector<1x1000x64xf32>
    %get3A_24 = vector.shape_cast %get3A_23 : vector<1x1000x64xf32> to vector<1000x64xf32>
    %add3A_25 = arith.addf %get3A_19, %get3A_24 : vector<1000x64xf32>
    %get3A_26 = arith.constant 0 : index
    %get3A_27 = arith.constant 0 : index
    %get3A_28 = vector.load %arg2[%get3A_26, %get3A_27] : memref<1000x64xf32, #tpu.memory_space<vmem>>, vector<1000x64xf32>
    %add3A_29 = arith.addf %add3A_25, %get3A_28 : vector<1000x64xf32>
    %mul3A = vector.broadcast %rsqrt3A : vector<1000x1xf32> to vector<1000x64xf32>
    %mul3A_30 = arith.mulf %mul3A, %add3A_29 : vector<1000x64xf32>
    %get3A_31 = arith.constant 0 : index
    %get3A_32 = arith.constant 0 : index
    %get3A_33 = vector.load %arg4[%get3A_31, %get3A_32] : memref<64x128xf32, #tpu.memory_space<vmem>>, vector<64x128xf32>
    %dot_general3A = arith.constant dense<0.000000e+00> : vector<1000x128xf32>
    %dot_general3A_34 = tpu.matmul %mul3A_30, %get3A_33, %dot_general3A {dimension_numbers = #tpu.dot_dimension_numbers<[1], [0], [0], [1], [0, 0, 1, 1], [], []>, transpose_lhs_hint = false} : vector<1000x64xf32>, vector<64x128xf32>, vector<1000x128xf32> -> vector<1000x128xf32>
    %get3A_35 = arith.constant 0 : index
    %get3A_36 = arith.constant 0 : index
    %get3A_37 = vector.load %arg5[%get3A_35, %get3A_36] : memref<1x128xf32, #tpu.memory_space<vmem>>, vector<1x128xf32>
    %add3A_38 = vector.broadcast %get3A_37 : vector<1x128xf32> to vector<1000x128xf32>
    %add3A_39 = arith.addf %dot_general3A_34, %add3A_38 : vector<1000x128xf32>
    %max3A = arith.constant 0.000000e+00 : f32
    %max3A_40 = vector.broadcast %max3A : f32 to vector<1000x128xf32>
    %max3A_41 = arith.maximumf %add3A_39, %max3A_40 : vector<1000x128xf32>
    %get3A_42 = arith.constant 0 : index
    %get3A_43 = arith.constant 0 : index
    %get3A_44 = vector.load %arg6[%get3A_42, %get3A_43] : memref<1000x1xi32, #tpu.memory_space<vmem>>, vector<1000x1xi32>
    %iota3A = tpu.iota {dimensions = array<i32: 1>} : vector<1x64xi32>
    %eq3A_45 = vector.broadcast %get3A_44 : vector<1000x1xi32> to vector<1000x64xi32>
    %eq3A_46 = vector.broadcast %iota3A : vector<1x64xi32> to vector<1000x64xi32>
    %eq3A_47 = arith.cmpi eq, %eq3A_45, %eq3A_46 : vector<1000x64xi32>
    %convert_element_type3A_48 = arith.extui %eq3A_47 : vector<1000x64xi1> to vector<1000x64xi32>
    %convert_element_type3A_49 = arith.sitofp %convert_element_type3A_48 : vector<1000x64xi32> to vector<1000x64xf32>
    %get3A_50 = arith.constant 0 : index
    %get3A_51 = arith.constant 0 : index
    %get3A_52 = vector.load %arg10[%get3A_50, %get3A_51] : memref<64x128xf32, #tpu.memory_space<vmem>>, vector<64x128xf32>
    %dot_general3A_53 = arith.constant dense<0.000000e+00> : vector<64x128xf32>
    %dot_general3A_54 = tpu.matmul %convert_element_type3A_49, %max3A_41, %dot_general3A_53 {dimension_numbers = #tpu.dot_dimension_numbers<[0], [0], [1], [1], [0, 1, 1, 1], [], []>, transpose_lhs_hint = false} : vector<1000x64xf32>, vector<1000x128xf32>, vector<64x128xf32> -> vector<64x128xf32>
    %add3A_55 = arith.addf %get3A_52, %dot_general3A_54 : vector<64x128xf32>
    %swap3A = arith.constant 0 : index
    %swap3A_56 = arith.constant 0 : index
    %swap3A_57 = vector.load %arg10[%swap3A, %swap3A_56] : memref<64x128xf32, #tpu.memory_space<vmem>>, vector<64x128xf32>
    tpu.vector_store %arg10[%swap3A, %swap3A_56], %add3A_55 {strides = array<i32>} : memref<64x128xf32, #tpu.memory_space<vmem>>, vector<64x128xf32>,
    %get3A_58 = arith.constant 0 : index
    %get3A_59 = arith.constant 0 : index
    %get3A_60 = vector.load %arg11[%get3A_58, %get3A_59] : memref<64x1xf32, #tpu.memory_space<vmem>>, vector<64x1xf32>
    %broadcast_in_dim3A = arith.constant 1.000000e+00 : f32
    %broadcast_in_dim3A_61 = vector.broadcast %broadcast_in_dim3A : f32 to vector<1000x1xf32>
    %dot_general3A_62 = arith.constant dense<0.000000e+00> : vector<64x1xf32>
    %dot_general3A_63 = tpu.matmul %convert_element_type3A_49, %broadcast_in_dim3A_61, %dot_general3A_62 {dimension_numbers = #tpu.dot_dimension_numbers<[0], [0], [1], [1], [0, 1, 1, 1], [], []>, transpose_lhs_hint = false} : vector<1000x64xf32>, vector<1000x1xf32>, vector<64x1xf32> -> vector<64x1xf32>
    %add3A_64 = arith.addf %get3A_60, %dot_general3A_63 : vector<64x1xf32>
    %swap3A_65 = arith.constant 0 : index
    %swap3A_66 = arith.constant 0 : index
    %swap3A_67 = vector.load %arg11[%swap3A_65, %swap3A_66] : memref<64x1xf32, #tpu.memory_space<vmem>>, vector<64x1xf32>
    tpu.vector_store %arg11[%swap3A_65, %swap3A_66], %add3A_64 {strides = array<i32>} : memref<64x1xf32, #tpu.memory_space<vmem>>, vector<64x1xf32>,
    %eq3A_68 = arith.constant 9 : i32
    %eq3A_69 = arith.cmpi eq, %arg0, %eq3A_68 : i32
    %convert_element_type3A_70 = arith.extui %eq3A_69 : i1 to i32
    %cond3A_71 = arith.constant 0 : i32
    %cond3A_72 = arith.cmpi ne, %convert_element_type3A_70, %cond3A_71 : i32
    scf.if %cond3A_72 {
      %get3A_73 = arith.constant 0 : index
      %get3A_74 = arith.constant 0 : index
      %get3A_75 = vector.load %arg10[%get3A_73, %get3A_74] : memref<64x128xf32, #tpu.memory_space<vmem>>, vector<64x128xf32>
      %get3A_76 = arith.constant 0 : index
      %get3A_77 = arith.constant 0 : index
      %get3A_78 = vector.load %arg11[%get3A_76, %get3A_77] : memref<64x1xf32, #tpu.memory_space<vmem>>, vector<64x1xf32>
      %max3A_79 = arith.constant 1.000000e+00 : f32
      %max3A_80 = vector.broadcast %max3A_79 : f32 to vector<64x1xf32>
      %max3A_81 = arith.maximumf %get3A_78, %max3A_80 : vector<64x1xf32>
      %div3A = vector.broadcast %max3A_81 : vector<64x1xf32> to vector<64x128xf32>
      %div3A_82 = arith.divf %get3A_75, %div3A : vector<64x128xf32>
      %get3A_83 = arith.constant 0 : index
      %get3A_84 = arith.constant 0 : index
      %get3A_85 = vector.load %arg7[%get3A_83, %get3A_84] : memref<128x256xf32, #tpu.memory_space<vmem>>, vector<128x256xf32>
      %dot_general3A_86 = arith.constant dense<0.000000e+00> : vector<64x256xf32>
      %dot_general3A_87 = tpu.matmul %div3A_82, %get3A_85, %dot_general3A_86 {dimension_numbers = #tpu.dot_dimension_numbers<[1], [0], [0], [1], [0, 0, 1, 1], [], []>, transpose_lhs_hint = false} : vector<64x128xf32>, vector<128x256xf32>, vector<64x256xf32> -> vector<64x256xf32>
      %get3A_88 = arith.constant 0 : index
      %get3A_89 = arith.constant 0 : index
      %get3A_90 = vector.load %arg8[%get3A_88, %get3A_89] : memref<1x256xf32, #tpu.memory_space<vmem>>, vector<1x256xf32>
      %add3A_91 = vector.broadcast %get3A_90 : vector<1x256xf32> to vector<64x256xf32>
      %add3A_92 = arith.addf %dot_general3A_87, %add3A_91 : vector<64x256xf32>
      %max3A_93 = arith.constant 0.000000e+00 : f32
      %max3A_94 = vector.broadcast %max3A_93 : f32 to vector<64x256xf32>
      %max3A_95 = arith.maximumf %add3A_92, %max3A_94 : vector<64x256xf32>
      %swap3A_96 = arith.constant 0 : index
      %swap3A_97 = arith.constant 0 : index
      %swap3A_98 = vector.load %arg9[%swap3A_96, %swap3A_97] : memref<64x256xf32, #tpu.memory_space<vmem>>, vector<64x256xf32>
      tpu.vector_store %arg9[%swap3A_96, %swap3A_97], %max3A_95 {strides = array<i32>} : memref<64x256xf32, #tpu.memory_space<vmem>>, vector<64x256xf32>,
    } else {
    }
    return
  }
  func.func @transform_0(%arg0: i32) -> (i32, i32, i32) {
    %c0_i32 = arith.constant 0 : i32
    %c0_i32_0 = arith.constant 0 : i32
    %c0_i32_1 = arith.constant 0 : i32
    return %c0_i32, %arg0, %c0_i32_0 : i32, i32, i32
  }
  func.func @transform_1(%arg0: i32) -> (i32, i32) {
    %c0_i32 = arith.constant 0 : i32
    %c0_i32_0 = arith.constant 0 : i32
    return %arg0, %c0_i32 : i32, i32
  }
  func.func @transform_2(%arg0: i32) -> (i32, i32, i32) {
    %c0_i32 = arith.constant 0 : i32
    %c0_i32_0 = arith.constant 0 : i32
    %c0_i32_1 = arith.constant 0 : i32
    return %c0_i32, %arg0, %c0_i32_0 : i32, i32, i32
  }
  func.func @transform_3(%arg0: i32) -> (i32, i32) {
    %c0_i32 = arith.constant 0 : i32
    %c0_i32_0 = arith.constant 0 : i32
    %c0_i32_1 = arith.constant 0 : i32
    return %c0_i32, %c0_i32_0 : i32, i32
  }
  func.func @transform_4(%arg0: i32) -> (i32, i32) {
    %c0_i32 = arith.constant 0 : i32
    %c0_i32_0 = arith.constant 0 : i32
    %c0_i32_1 = arith.constant 0 : i32
    return %c0_i32, %c0_i32_0 : i32, i32
  }
  func.func @transform_5(%arg0: i32) -> (i32, i32) {
    %c0_i32 = arith.constant 0 : i32
    %c0_i32_0 = arith.constant 0 : i32
    return %arg0, %c0_i32 : i32, i32
  }
  func.func @transform_6(%arg0: i32) -> (i32, i32) {
    %c0_i32 = arith.constant 0 : i32
    %c0_i32_0 = arith.constant 0 : i32
    %c0_i32_1 = arith.constant 0 : i32
    return %c0_i32, %c0_i32_0 : i32, i32
  }
  func.func @transform_7(%arg0: i32) -> (i32, i32) {
    %c0_i32 = arith.constant 0 : i32
    %c0_i32_0 = arith.constant 0 : i32
    %c0_i32_1 = arith.constant 0 : i32
    return %c0_i32, %c0_i32_0 : i32, i32
  }
  func.func @transform_8(%arg0: i32) -> (i32, i32) {
    %c0_i32 = arith.constant 0 : i32
    %c0_i32_0 = arith.constant 0 : i32
    %c0_i32_1 = arith.constant 0 : i32
    return %c0_i32, %c0_i32_0 : i32, i32
  }
}

</mosaic_0001>

<sc_bundles>
// kernel: kernel.12.cloned.1.call-start
scs
__scs_entry_jumppad:
0x0: {  	(pc) =	sbr.rel $0x88, $3  }
0x1: {  	(tag) =	ssettag $0x0;
	lr =	simm.s32 $0x1  }
0x2: {  	[smem:$0x3F98] =	sst lr;
	_ =	strace $0xD0000000  }
0x3: {  	_ = 	snop  }
0x4: {  	_ = 	snop  }
0x5: {  	_ = 	snop  }
0x6: {  	_ = 	snop  }
0x7: {  	_ = 	snop  }
__scs_overlays_trampoline_lowered:
0x8: {  	[smem:$0x3FA7] =	sst s0  }
0x9: {  	[smem:$0x3FA8] =	sst s1  }
0xa: {  	[smem:$0x3FA9] =	sst s2  }
0xb: {  	[smem:$0x3FAA] =	sst s3  }
0xc: {  	[smem:$0x3FAB] =	sst s4  }
0xd: {  	[smem:$0x3FAC] =	sst s5  }
0xe: {  	[smem:$0x3FAD] =	sst s6  }
0xf: {  	[smem:$0x3FAE] =	sst s7  }
0x10: {  	[smem:$0x3FAF] =	sst s8  }
0x11: {  	[smem:$0x3FB0] =	sst s9;
	s0 =	simm.s32 @!p0 $0x0  }
0x12: {  	s1 =	sld [smem:$0x3F96];
	s0 =	simm.s32 @p0 $0x1  }
0x13: {  	[smem:$0x3FB1] =	sst s0;
	s0 =	simm.s32 @!p1 $0x0  }
0x14: {  	s2 =	sld [smem:$0x3F95];
	s0 =	simm.s32 @p1 $0x1  }
0x15: {  	[smem:$0x3FB2] =	sst s0;
	s0 =	simm.s32 @!p2 $0x0  }
0x16: {  	s3 =	sld [smem:$0x3FDB];
	s0 =	simm.s32 @p2 $0x1  }
0x17: {  	s4 =	simm.s32 $0x1BF5;
	[smem:$0x3FB4] =	sst s0  }
0x18: {  	s0 =	sld [smem:$0x3F97];
	_ =	swait.ge [sflag:s4], $0x0  }
0x19: {  	s7 =	sld [smem:$0x3F98]  }
0x1a: {  	s8 =	sadd.s32 $0xFFFFE003, lr  }
0x1b: {  	s9 =	sadd.s32 $0xFFFFFEF7, lr;
	s5 =	simm.s32 $0xFFFFFFFF;
	p2 =	slt.u32 s8, $0xFFFFF086  }
0x1c: {  	p1 =	slt.u32 s9, $0xF7A;
	s5 =	simm.s32 @!p2 $0x0  }
0x1d: {  	s5 =	simm.s32 @p1 $0x1;
	p0 =	seq.s32 s7, s2  }
0x1e: {  	s7 =	smul.u32 @!p0 $0xF7A, s2;
	p2 =	seq.s32 @!p0 s5, $0x0  }
0x1f: {  	s9 =	smul.u32 $0xF7A, s1;
	s8 =	simm.s32 @!p0 $0x1BF5;
	p2 =	por !p2, p0  }
0x20: {  	[sflag:s8] =	ssyncset.s32 @!p0 $0xFFFFF086;
	s6 =	sadd.s32 @!p0 s3, s7;
	s7 =	simm.s32 @!p0 $0x108  }
0x21: {  	s3 =	sadd.s32 s3, s9;
	s6 =	sadd.s32 @!p0 $0x88, s6;
	s7 =	simm.s32 @p2 $0x1082  }
0x22: {  	[simem:s7], [sflag:s8] =	dma.local @!p0 [hbm:s6], $0xF7A  }
0x23: {  	s9 =	sor.u32 $0xD0000000, s2;
	s6 =	simm.s32 $0x108;
	_ =	swait.ge @!p0 [sflag:s8], $0x0  }
0x24: {  	s3 =	sadd.s32 $0x88, s3;
	s6 =	simm.s32 @!p1 $0x1082;
	[sflag:s4] =	ssyncset.s32 $0xFFFFF086  }
0x25: {  	[simem:s6], [sflag:s4] =	dma.local [hbm:s3], $0xF7A  }
0x26: {  	[smem:$0x3F98] =	sst s1;
	(tag) =	ssettag s2;
	_ =	strace s9  }
0x27: {  	s1 =	sld [smem:$0x3FA8]  }
0x28: {  	s2 =	sld [smem:$0x3FA9]  }
0x29: {  	s4 =	sld [smem:$0x3FAB]  }
0x2a: {  	p0 =	seq.s32 s5, $0x0;
	s5 =	sld [smem:$0x3FAC]  }
0x2b: {  	s6 =	sld [smem:$0x3FAD]  }
0x2c: {  	s7 =	sld [smem:$0x3FAE]  }
0x2d: {  	s3 =	simm.s32 $0x108;
	s8 =	sld [smem:$0x3FAF]  }
0x2e: {  	s3 =	simm.s32 @!p0 $0x1082;
	s9 =	sld [smem:$0x3FB0]  }
0x2f: {  	lr =	sadd.s32 s0, s3;
	s0 =	sld [smem:$0x3FA7]  }
0x30: {  	s3 =	sld [smem:$0x3FAA]  }
0x31: {  	[smem:$0x3FB3] =	sst s10  }
0x32: {  	s10 =	sld [smem:$0x3FB1];
	_ =	sdelay $0x3  }
0x33: {  	p0 =	seq.s32 s10, $0x1;
	s10 =	sld [smem:$0x3FB3];
	_ =	sdelay $0x3  }
0x34: {  	[smem:$0x3FB3] =	sst s10  }
0x35: {  	s10 =	sld [smem:$0x3FB2];
	_ =	sdelay $0x3  }
0x36: {  	p1 =	seq.s32 s10, $0x1;
	s10 =	sld [smem:$0x3FB3];
	_ =	sdelay $0x3  }
0x37: {  	[smem:$0x3FB3] =	sst s10  }
0x38: {  	s10 =	sld [smem:$0x3FB4]  }
0x39: {  	_ = 	snop;
	(pc) =	sbr.ind lr, $3  }
0x3a: {  	_ = 	snop  }
0x3b: {  	_ = 	snop  }
0x3c: {  	p2 =	seq.s32 s10, $0x1;
	s10 =	sld [smem:$0x3FB3]  }
0x3d: {  	_ =	shalt  }
0x3e: {  	_ =	shalt  }
0x3f: {  	_ =	shalt  }
0x40: {  	_ =	shalt  }
0x41: {  	_ =	shalt  }
0x42: {  	_ =	shalt  }
0x43: {  	_ =	shalt  }
0x44: {  	_ =	shalt  }
0x45: {  	_ =	shalt  }
0x46: {  	_ =	shalt  }
0x47: {  	_ =	shalt  }
0x48: {  	_ =	shalt  }
0x49: {  	_ =	shalt  }
0x4a: {  	_ =	shalt  }
0x4b: {  	_ =	shalt  }
0x4c: {  	_ =	shalt  }
0x4d: {  	_ =	shalt  }
0x4e: {  	_ =	shalt  }
0x4f: {  	_ =	shalt  }
0x50: {  	_ =	shalt  }
0x51: {  	_ =	shalt  }
0x52: {  	_ =	shalt  }
0x53: {  	_ =	shalt  }
0x54: {  	_ =	shalt  }
0x55: {  	_ =	shalt  }
0x56: {  	_ =	shalt  }
0x57: {  	_ =	shalt  }
0x58: {  	_ =	shalt  }
0x59: {  	_ =	shalt  }
0x5a: {  	_ =	shalt  }
0x5b: {  	_ =	shalt  }
0x5c: {  	_ =	shalt  }
0x5d: {  	_ =	shalt  }
0x5e: {  	_ =	shalt  }
0x5f: {  	_ =	shalt  }
0x60: {  	_ =	shalt  }
0x61: {  	_ =	shalt  }
0x62: {  	_ =	shalt  }
0x63: {  	_ =	shalt  }
0x64: {  	_ =	shalt  }
0x65: {  	_ =	shalt  }
0x66: {  	_ =	shalt  }
0x67: {  	_ =	shalt  }
0x68: {  	_ =	shalt  }
0x69: {  	_ =	shalt  }
0x6a: {  	_ =	shalt  }
0x6b: {  	_ =	shalt  }
0x6c: {  	_ =	shalt  }
0x6d: {  	_ =	shalt  }
0x6e: {  	_ =	shalt  }
0x6f: {  	_ =	shalt  }
0x70: {  	_ =	shalt  }
0x71: {  	_ =	shalt  }
0x72: {  	_ =	shalt  }
0x73: {  	_ =	shalt  }
0x74: {  	_ =	shalt  }
0x75: {  	_ =	shalt  }
0x76: {  	_ =	shalt  }
0x77: {  	_ =	shalt  }
0x78: {  	_ =	shalt  }
0x79: {  	_ =	shalt  }
0x7a: {  	_ =	shalt  }
0x7b: {  	_ =	shalt  }
0x7c: {  	_ =	shalt  }
0x7d: {  	_ =	shalt  }
0x7e: {  	_ =	shalt  }
0x7f: {  	_ =	shalt  }
0x80: {  	_ =	shalt  }
0x81: {  	_ =	shalt  }
0x82: {  	_ =	shalt  }
0x83: {  	_ =	shalt  }
0x84: {  	_ =	shalt  }
0x85: {  	_ =	shalt  }
0x86: {  	_ =	shalt  }
0x87: {  	_ =	shalt  }
.Lfunc_end0:
.L_simem_size_0:
called_computation.1_lowered:
.L_overlay_start_0:
0x88: {  	s2 =	sld [smem:$0x3FD9]  }
0x89: {  	s3 =	sld [smem:$0x3FFE];
	_ =	sdelay $0x1  }
0x8a: {  	s1 =	srdreg.scid  }
0x8b: {  	s0 =	sand.u32 $0x1, s1  }
0x8c: {  	s16 =	sshll.u32 s0, $0xA;
	s2 =	sadd.s32 s3, s2  }
0x8d: {  	s2 =	sadd.s32 s2, s16  }
0x8e: {  	[smem:$0x3FBF] =	sst s2  }
0x8f: {  	_ = 	snop  }
0x90: {  	(tm) =	ssettm $0x1  }
0x91: {  	s17 =	sld [smem:$0x3FFB];
	_ =	sdelay $0x3  }
0x92: {  	_ =	strace s17  }
0x93: {  	s2 =	sld [smem:$0x3FFC];
	_ =	sdelay $0x3  }
0x94: {  	_ =	strace s2  }
0x95: {  	s2 =	sld [smem:$0x3FFD];
	_ =	sdelay $0x3  }
0x96: {  	_ =	strace s2  }
0x97: {  	_ =	strace $0x8FFFFFFF  }
0x98: {  	s18 =	sld [smem:$0x3FDB];
	_ =	sdelay $0x1  }
0x99: {  	s19 =	simm.s32 $_scs_section_size  }
0x9a: {  	s4 =	simm.s32 $_size__tile_overlayer_lowered;
	s5 =	simm.s32 $_tile_overlayer_lowered  }
0x9b: {  	s22 =	simm.s32 $0x1BFF;
	s21 =	sshll.u32 s5, $0x1;
	s2 =	sadd.s32 s19, s18  }
0x9c: {  	s6 =	simm.s32 $0x0;
	s20 =	sshll.u32 s4, $0x1;
	s4 =	sadd.s32 s21, s2  }
0x9d: {  	[timem:s6], [sflag:s22] =	dma.local [hbm:s4], s20  }
0x9e: {  	_ =	swait.ge [sflag:s22], s20  }
0x9f: {  	s3 =	ssub.s32 $0x0, s20;
	[sflag:s22] =	ssyncset.done $0x0  }
0xa0: {  	[sflag:s22] =	ssyncadd.s32 s3;
	_ =	sdelay $0x1  }
0xa1: {  	s23 =	simm.s32 $0x1B8B  }
0xa2: {  	_ =	swait.ge [sflag:s23], $0x1  }
0xa3: {  	[sflag:s23] =	ssyncset.done $0x0  }
0xa4: {  	s25 =	simm.s32 $0x1B8E;
	s24 =	sld [smem:$0x3FFE];
	[sflag:s23] =	ssyncadd.s32 $0xFFFFFFFF  }
0xa5: {  	s26 =	simm.s32 $execute0_lowered;
	[smem:$0x3FD2] =	sst s25  }
0xa6: {  	s4 =	sshll.u32 s26, $0x1;
	_ =	strace $0x80000049;
	[dreg:$0x1] =	wrdreg $0xFFFFFFFF  }
0xa7: {  	s28 =	simm.s32 $_size_execute0_lowered;
	s2 =	sadd.s32 s2, s4;
	[dreg:$0x0] =	wrdreg $0x0  }
0xa8: {  	s4 =	sshll.u32 s28, $0x1;
	[dreg:$0x2] =	wrdreg s2  }
0xa9: {  	[dreg:$0x3] =	wrdreg s4  }
0xaa: {  	[dreg:$0x4] =	wrdreg $0xC0  }
0xab: {  	_ =	task [dreg:s6], $0x5FFFF  }
0xac: {  	[dreg:$0x1] =	wrdreg $0xFFFFFFFF  }
0xad: {  	[dreg:$0x0] =	wrdreg $0x60  }
0xae: {  	[dreg:$0x2] =	wrdreg s24  }
0xaf: {  	[dreg:$0x3] =	wrdreg $0x150000  }
0xb0: {  	[dreg:$0x4] =	wrdreg $0x9  }
0xb1: {  	_ =	task.clear_ibuf [dreg:s6], $0x5FFFF;
	_ =	strace $0x90000049  }
0xb2: {  	s29 =	simm.s32 $0x9;
	_ =	strace $0x8000004B  }
0xb3: {  	_ =	swait.ge [sflag:s29], $0x1  }
0xb4: {  	[sflag:s29] =	ssyncadd.s32 $0xFFFFFFFF  }
0xb5: {  	_ =	strace $0x9000004B  }
0xb6: {  	_ =	sfence  }
0xb7: {  	s30 =	sld [smem:$0x0];
	_ =	sdelay $0x2  }
0xb8: {  	s31 =	sshll.u32 s1, $0xD;
	s1 =	sshrl.u32 s1, $0x2  }
0xb9: {  	s3 =	sand.u32 $0x4000, s31;
	s1 =	sadd.s32 s1, s30  }
0xba: {  	s0 =	sor.u32 s3, s0;
	s1 =	sshll.u32 s1, $0x11  }
0xbb: {  	s0 =	sor.u32 s1, s0  }
0xbc: {  	s0 =	sadd.s32 $0x8F2B, s0  }
0xbd: {  	[sflag:s0] =	ssyncadd.remote.s32 $0x1  }
0xbe: {  	_ =	sfence.sel $0xFFFF  }
0xbf: {  	[dreg:$0x0] =	wrdreg $0xFFFFFFFF;
	(pc) =	sbr.abs _section_cstart, $3  }
0xc0: {  	[dreg:$0x1] =	wrdreg $0xFFFFFFFF  }
0xc1: {  	_ =	task.clear_ibuf [dreg:s6], $0x2FFFF;
	_ =	strace $0x9FFFFFFF  }
0xc2: {  	(tm) =	ssettm $0x7FFFFFFF  }
0xc3: {  	_ =	shalt  }
tec
execute0_lowered:
.L_overlay_start_1:
0x0: {  	(tag) =	ssettag $0x1  }
0x1: {  	s0 =	srdreg.scid;
	s5 =	rddreg [dreg:$0x0]  }
0x2: {  	s11 =	stileid.u32;
	s2 =	rddreg [dreg:$0x1];
	s3 =	simm.s32 $0x0  }
0x3: {  	s14 =	simm.s32 $0x3;
	s15 =	simm.s32 $0x80;
	s16 =	simm.s32 $0x5000  }
0x4: {  	s17 =	simm.s32 $0x7000;
	s19 =	simm.s32 $0x9000;
	s21 =	simm.s32 $0xB000  }
0x5: {  	s23 =	simm.s32 $0xD000;
	s28 =	simm.s32 $0x11000;
	s30 =	simm.s32 $0x13000  }
0x6: {  	s31 =	simm.s32 $0x1;
	s29 =	simm.s32 $0x2680;
	s13 =	simm.s32 $0x2700  }
0x7: {  	s18 =	simm.s32 $0x2780;
	s24 =	simm.s32 $0x5;
	s20 =	simm.s32 $0x0  }
0x8: {  	s0 =	sand.u32 $0x1, s0;
	s1 =	sshll.u32 s11, $0x1;
	s6 =	smul.u32 $0x9D00, s11  }
0x9: {  	[smem:$0x7FF] =	sst s3;
	s4 =	sadd.s32 $0x64600, s5;
	s1 =	sor.u32 s0, s1  }
0xa: {  	s7 =	smul.u32 $0x9D000, s0;
	_ =	strace $0x8000004A;
	s0 =	ssub.s32 $0x2, s0  }
0xb: {  	s1 =	smul.u32 $0x500, s1;
	s8 =	sshrl.u32 s6, $0x3;
	s9 =	sshrl.u32 s0, $0x1  }
0xc: {  	s7 =	sadd.s32 s6, s7;
	s8 =	sadd.s32 s8, s5;
	s0 =	ssub.s32 s0, s9  }
0xd: {  	s6 =	sadd.s32 s6, s2;
	s1 =	sadd.s32 s1, s5;
	s7 =	sshrl.u32 s7, $0x3  }
0xe: {  	s25 =	sadd.s32 $0x78000, s8;
	s12 =	sshrl.u32 s6, $0x3;
	s10 =	sadd.s32 s7, s5  }
0xf: {  	s5 =	sshll.u32 s11, $0x6;
	[dreg:$0x3] =	wrdreg s25;
	s8 =	sadd.s32 $0x1E00, s1  }
0x10: {  	s9 =	sadd.s32 $0xBE00, s1;
	s11 =	smax.u32 s0, $0x1;
	s25 =	simm.s32 $0xF000  }
0x11: {  	s1 =	simm.s32 $0x2;
	s0 =	simm.s32 $0x4;
	s26 =	sor.u32 $0x1C03, s5  }
0x12: {  	s10 =	sadd.s32 $0x8BA00, s10;
	[dreg:$0x4] =	wrdreg s26;
	s26 =	simm.s32 $0x2600  }
.LBB2_1:
0x13: {  	s6 =	rddreg [dreg:$0x3]  }
0x14: {  	s7 =	rddreg [dreg:$0x4]  }
0x15: {  	[spmem:s12], [sflag:s7] =	dma.local [hbm:s6], $0x13A0  }
0x16: {  	[tilespmem:s3], [sflag:$0x3] =	stream.linear.gather [hbm4b:s8+s3], $0x2800, $0x38;
	[tilespmem:$0x1ED00] =	vst v63  }
0x17: {  	s7 =	simm.s32 $0x2800  }
0x18: {  	[tilespmem:s7], [sflag:$0x3] =	stream.linear.gather [hbm4b:s9+s3], $0x2800, $0x38;
	[tilespmem:$0x1ED00] =	vst v63  }
0x19: {  	_ =	swait.ge [sflag:s14], $0x13A0  }
0x1a: {  	[sflag:s14] =	ssyncset.done $0x0  }
0x1b: {  	[sflag:s14] =	ssyncadd.s32 $0xFFFFEC60  }
0x1c: {  	_ =	swait.ge [sflag:s14], $0x2800  }
0x1d: {  	[sflag:s14] =	ssyncset.done $0x0  }
0x1e: {  	[sflag:s14] =	ssyncadd.s32 $0xFFFFD800  }
0x1f: {  	_ =	swait.ge [sflag:s14], $0x2800  }
0x20: {  	[sflag:s14] =	ssyncset.done $0x0  }
0x21: {  	[sflag:s14] =	ssyncadd.s32 $0xFFFFD800  }
0x22: {  	[bflag:$0x0] =	sbarrier.arrive $0xFFFF  }
0x23: {  	[tilespmem:s16], [sflag:$0x1] =	stream.indirect.gather [hbm4b:s4+s15], $0x40, s3, s15, $0xb8;
	[tilespmem:$0x1ED00] =	vst v63  }
0x24: {  	_ = 	snop  }
0x25: {  	[tilespmem:s17], [sflag:$0x1] =	stream.indirect.gather [hbm4b:s4+s15], $0x40, s15, s15, $0xb8;
	[tilespmem:$0x1ED00] =	vst v63  }
0x26: {  	s22 =	simm.s32 $0x100  }
0x27: {  	[tilespmem:s19], [sflag:$0x1] =	stream.indirect.gather [hbm4b:s4+s15], $0x40, s22, s15, $0xb8;
	[tilespmem:$0x1ED00] =	vst v63  }
0x28: {  	s7 =	simm.s32 $0x180  }
0x29: {  	[tilespmem:s21], [sflag:$0x1] =	stream.indirect.gather [hbm4b:s4+s15], $0x40, s7, s15, $0xb8;
	[tilespmem:$0x1ED00] =	vst v63  }
0x2a: {  	s22 =	simm.s32 $0x200  }
0x2b: {  	[tilespmem:s23], [sflag:$0x2] =	stream.indirect.gather [hbm4b:s4+s15], $0x40, s22, s15, $0xb8;
	[tilespmem:$0x1ED00] =	vst v63  }
0x2c: {  	s7 =	simm.s32 $0x280  }
0x2d: {  	[tilespmem:s25], [sflag:$0x2] =	stream.indirect.gather [hbm4b:s4+s15], $0x40, s7, s15, $0xb8;
	[tilespmem:$0x1ED00] =	vst v63  }
0x2e: {  	s22 =	simm.s32 $0x300  }
0x2f: {  	[tilespmem:s28], [sflag:$0x2] =	stream.indirect.gather [hbm4b:s4+s15], $0x40, s22, s15, $0xb8;
	[tilespmem:$0x1ED00] =	vst v63  }
0x30: {  	s7 =	simm.s32 $0x380  }
0x31: {  	[tilespmem:s30], [sflag:$0x2] =	stream.indirect.gather [hbm4b:s4+s15], $0x40, s7, s15, $0xb8;
	[tilespmem:$0x1ED00] =	vst v63  }
0x32: {  	_ =	swait.ge [sflag:s31], $0x8000  }
0x33: {  	[sflag:s31] =	ssyncset.done $0x0  }
0x34: {  	s22 =	simm.s32 $0x2800;
	[sflag:s31] =	ssyncadd.s32 $0xFFFF8000  }
0x35: {  	[spmem:s2] =	stream.indirect.scatter.add.f32 [tilespmem:s16], [sflag:$0x3], $0x40, s22, s15, $0xb8;
	[tilespmem:$0x1ED00] =	vst v63  }
0x36: {  	s7 =	simm.s32 $0x2880  }
0x37: {  	[spmem:s2] =	stream.indirect.scatter.add.f32 [tilespmem:s17], [sflag:$0x3], $0x40, s7, s15, $0xb8;
	[tilespmem:$0x1ED00] =	vst v63  }
0x38: {  	s22 =	simm.s32 $0x2900  }
0x39: {  	[spmem:s2] =	stream.indirect.scatter.add.f32 [tilespmem:s19], [sflag:$0x3], $0x40, s22, s15, $0xb8;
	[tilespmem:$0x1ED00] =	vst v63  }
0x3a: {  	s7 =	simm.s32 $0x2980  }
0x3b: {  	[spmem:s2] =	stream.indirect.scatter.add.f32 [tilespmem:s21], [sflag:$0x3], $0x40, s7, s15, $0xb8;
	[tilespmem:$0x1ED00] =	vst v63  }
0x3c: {  	_ =	swait.ge [sflag:s14], $0x8000  }
0x3d: {  	[sflag:s14] =	ssyncset.done $0x0  }
0x3e: {  	s22 =	simm.s32 $0x400;
	[sflag:s14] =	ssyncadd.s32 $0xFFFF8000  }
0x3f: {  	[tilespmem:s16], [sflag:$0x1] =	stream.indirect.gather [hbm4b:s4+s15], $0x40, s22, s15, $0xb8;
	[tilespmem:$0x1ED00] =	vst v63  }
0x40: {  	s7 =	simm.s32 $0x480  }
0x41: {  	[tilespmem:s17], [sflag:$0x1] =	stream.indirect.gather [hbm4b:s4+s15], $0x40, s7, s15, $0xb8;
	[tilespmem:$0x1ED00] =	vst v63  }
0x42: {  	s22 =	simm.s32 $0x500  }
0x43: {  	[tilespmem:s19], [sflag:$0x1] =	stream.indirect.gather [hbm4b:s4+s15], $0x40, s22, s15, $0xb8;
	[tilespmem:$0x1ED00] =	vst v63  }
0x44: {  	s7 =	simm.s32 $0x580  }
0x45: {  	[tilespmem:s21], [sflag:$0x1] =	stream.indirect.gather [hbm4b:s4+s15], $0x40, s7, s15, $0xb8;
	[tilespmem:$0x1ED00] =	vst v63  }
0x46: {  	_ =	swait.ge [sflag:s1], $0x8000  }
0x47: {  	[sflag:s1] =	ssyncset.done $0x0  }
0x48: {  	s22 =	simm.s32 $0x2A00;
	[sflag:s1] =	ssyncadd.s32 $0xFFFF8000  }
0x49: {  	[spmem:s2] =	stream.indirect.scatter.add.f32 [tilespmem:s23], [sflag:$0x4], $0x40, s22, s15, $0xb8;
	[tilespmem:$0x1ED00] =	vst v63  }
0x4a: {  	s7 =	simm.s32 $0x2A80  }
0x4b: {  	[spmem:s2] =	stream.indirect.scatter.add.f32 [tilespmem:s25], [sflag:$0x4], $0x40, s7, s15, $0xb8;
	[tilespmem:$0x1ED00] =	vst v63  }
0x4c: {  	s22 =	simm.s32 $0x2B00  }
0x4d: {  	[spmem:s2] =	stream.indirect.scatter.add.f32 [tilespmem:s28], [sflag:$0x4], $0x40, s22, s15, $0xb8;
	[tilespmem:$0x1ED00] =	vst v63  }
0x4e: {  	s7 =	simm.s32 $0x2B80  }
0x4f: {  	[spmem:s2] =	stream.indirect.scatter.add.f32 [tilespmem:s30], [sflag:$0x4], $0x40, s7, s15, $0xb8;
	[tilespmem:$0x1ED00] =	vst v63  }
0x50: {  	_ =	swait.ge [sflag:s0], $0x8000  }
0x51: {  	[sflag:s0] =	ssyncset.done $0x0  }
0x52: {  	s22 =	simm.s32 $0x600;
	[sflag:s0] =	ssyncadd.s32 $0xFFFF8000  }
0x53: {  	[tilespmem:s23], [sflag:$0x2] =	stream.indirect.gather [hbm4b:s4+s15], $0x40, s22, s15, $0xb8;
	[tilespmem:$0x1ED00] =	vst v63  }
0x54: {  	s7 =	simm.s32 $0x680  }
0x55: {  	[tilespmem:s25], [sflag:$0x2] =	stream.indirect.gather [hbm4b:s4+s15], $0x40, s7, s15, $0xb8;
	[tilespmem:$0x1ED00] =	vst v63  }
0x56: {  	s22 =	simm.s32 $0x700  }
0x57: {  	[tilespmem:s28], [sflag:$0x2] =	stream.indirect.gather [hbm4b:s4+s15], $0x40, s22, s15, $0xb8;
	[tilespmem:$0x1ED00] =	vst v63  }
0x58: {  	s6 =	simm.s32 $0x780;
	s22 =	simm.s32 $0x1000  }
.LBB2_2:
0x59: {  	[tilespmem:s30], [sflag:$0x2] =	stream.indirect.gather [hbm4b:s4+s15], $0x40, s6, s15, $0xb8;
	[tilespmem:$0x1ED00] =	vst v63  }
0x5a: {  	s6 =	smov.u32 s22  }
0x5b: {  	p0 =	sne.s32 s22, $0x7000;
	s22 =	sadd.s32 $0x1000, s22;
	_ =	swait.ge [sflag:s31], $0x8000  }
0x5c: {  	s6 =	sshra.s32 s6, $0x2;
	[sflag:s31] =	ssyncset.done $0x0  }
0x5d: {  	s7 =	sadd.s32 $0x2800, s6;
	[sflag:s31] =	ssyncadd.s32 $0xFFFF8000  }
0x5e: {  	[spmem:s2] =	stream.indirect.scatter.add.f32 [tilespmem:s16], [sflag:$0x3], $0x40, s7, s15, $0xb8;
	[tilespmem:$0x1ED00] =	vst v63  }
0x5f: {  	s7 =	sadd.s32 $0x2880, s6  }
0x60: {  	[spmem:s2] =	stream.indirect.scatter.add.f32 [tilespmem:s17], [sflag:$0x3], $0x40, s7, s15, $0xb8;
	[tilespmem:$0x1ED00] =	vst v63  }
0x61: {  	s7 =	sadd.s32 $0x2900, s6  }
0x62: {  	[spmem:s2] =	stream.indirect.scatter.add.f32 [tilespmem:s19], [sflag:$0x3], $0x40, s7, s15, $0xb8;
	[tilespmem:$0x1ED00] =	vst v63  }
0x63: {  	s7 =	sadd.s32 $0x2980, s6  }
0x64: {  	[spmem:s2] =	stream.indirect.scatter.add.f32 [tilespmem:s21], [sflag:$0x3], $0x40, s7, s15, $0xb8;
	[tilespmem:$0x1ED00] =	vst v63  }
0x65: {  	_ =	swait.ge [sflag:s14], $0x8000  }
0x66: {  	[sflag:s14] =	ssyncset.done $0x0  }
0x67: {  	s7 =	sadd.s32 $0x400, s6;
	[sflag:s14] =	ssyncadd.s32 $0xFFFF8000  }
0x68: {  	[tilespmem:s16], [sflag:$0x1] =	stream.indirect.gather [hbm4b:s4+s15], $0x40, s7, s15, $0xb8;
	[tilespmem:$0x1ED00] =	vst v63  }
0x69: {  	s7 =	sadd.s32 $0x480, s6  }
0x6a: {  	[tilespmem:s17], [sflag:$0x1] =	stream.indirect.gather [hbm4b:s4+s15], $0x40, s7, s15, $0xb8;
	[tilespmem:$0x1ED00] =	vst v63  }
0x6b: {  	s7 =	sadd.s32 $0x500, s6  }
0x6c: {  	[tilespmem:s19], [sflag:$0x1] =	stream.indirect.gather [hbm4b:s4+s15], $0x40, s7, s15, $0xb8;
	[tilespmem:$0x1ED00] =	vst v63  }
0x6d: {  	s7 =	sadd.s32 $0x580, s6  }
0x6e: {  	[tilespmem:s21], [sflag:$0x1] =	stream.indirect.gather [hbm4b:s4+s15], $0x40, s7, s15, $0xb8;
	[tilespmem:$0x1ED00] =	vst v63  }
0x6f: {  	_ =	swait.ge [sflag:s1], $0x8000  }
0x70: {  	[sflag:s1] =	ssyncset.done $0x0  }
0x71: {  	s7 =	sadd.s32 $0x2A00, s6;
	[sflag:s1] =	ssyncadd.s32 $0xFFFF8000  }
0x72: {  	[spmem:s2] =	stream.indirect.scatter.add.f32 [tilespmem:s23], [sflag:$0x4], $0x40, s7, s15, $0xb8;
	[tilespmem:$0x1ED00] =	vst v63  }
0x73: {  	s7 =	sadd.s32 $0x2A80, s6  }
0x74: {  	[spmem:s2] =	stream.indirect.scatter.add.f32 [tilespmem:s25], [sflag:$0x4], $0x40, s7, s15, $0xb8;
	[tilespmem:$0x1ED00] =	vst v63  }
0x75: {  	s7 =	sadd.s32 $0x2B00, s6  }
0x76: {  	[spmem:s2] =	stream.indirect.scatter.add.f32 [tilespmem:s28], [sflag:$0x4], $0x40, s7, s15, $0xb8;
	[tilespmem:$0x1ED00] =	vst v63  }
0x77: {  	s7 =	sadd.s32 $0x2B80, s6  }
0x78: {  	[spmem:s2] =	stream.indirect.scatter.add.f32 [tilespmem:s30], [sflag:$0x4], $0x40, s7, s15, $0xb8;
	[tilespmem:$0x1ED00] =	vst v63  }
0x79: {  	_ =	swait.ge [sflag:s0], $0x8000  }
0x7a: {  	[sflag:s0] =	ssyncset.done $0x0  }
0x7b: {  	s7 =	sadd.s32 $0x600, s6;
	[sflag:s0] =	ssyncadd.s32 $0xFFFF8000  }
0x7c: {  	[tilespmem:s23], [sflag:$0x2] =	stream.indirect.gather [hbm4b:s4+s15], $0x40, s7, s15, $0xb8;
	[tilespmem:$0x1ED00] =	vst v63  }
.Ltmp0:
0x7d: {  	s7 =	sadd.s32 $0x680, s6;
	(pc) =	sbr.rel @p0 .LBB2_2-.Ltmp0, $4  }
0x7e: {  	[tilespmem:s25], [sflag:$0x2] =	stream.indirect.gather [hbm4b:s4+s15], $0x40, s7, s15, $0xb8;
	[tilespmem:$0x1ED00] =	vst v63  }
0x7f: {  	s7 =	sadd.s32 $0x700, s6  }
0x80: {  	[tilespmem:s28], [sflag:$0x2] =	stream.indirect.gather [hbm4b:s4+s15], $0x40, s7, s15, $0xb8;
	[tilespmem:$0x1ED00] =	vst v63  }
0x81: {  	s6 =	sadd.s32 $0x780, s6  }
0x82: {  	[tilespmem:s30], [sflag:$0x2] =	stream.indirect.gather [hbm4b:s4+s15], $0x40, s6, s15, $0xb8;
	[tilespmem:$0x1ED00] =	vst v63  }
0x83: {  	_ =	swait.ge [sflag:s31], $0x8000  }
0x84: {  	[sflag:s31] =	ssyncset.done $0x0  }
0x85: {  	s22 =	simm.s32 $0x4800;
	[sflag:s31] =	ssyncadd.s32 $0xFFFF8000  }
0x86: {  	[spmem:s2] =	stream.indirect.scatter.add.f32 [tilespmem:s16], [sflag:$0x3], $0x40, s22, s15, $0xb8;
	[tilespmem:$0x1ED00] =	vst v63  }
0x87: {  	s7 =	simm.s32 $0x4880  }
0x88: {  	[spmem:s2] =	stream.indirect.scatter.add.f32 [tilespmem:s17], [sflag:$0x3], $0x40, s7, s15, $0xb8;
	[tilespmem:$0x1ED00] =	vst v63  }
0x89: {  	s22 =	simm.s32 $0x4900  }
0x8a: {  	[spmem:s2] =	stream.indirect.scatter.add.f32 [tilespmem:s19], [sflag:$0x3], $0x40, s22, s15, $0xb8;
	[tilespmem:$0x1ED00] =	vst v63  }
0x8b: {  	s7 =	simm.s32 $0x4980  }
0x8c: {  	[spmem:s2] =	stream.indirect.scatter.add.f32 [tilespmem:s21], [sflag:$0x3], $0x40, s7, s15, $0xb8;
	[tilespmem:$0x1ED00] =	vst v63  }
0x8d: {  	_ =	swait.ge [sflag:s14], $0x8000  }
0x8e: {  	[sflag:s14] =	ssyncset.done $0x0  }
0x8f: {  	s22 =	simm.s32 $0x2400;
	[sflag:s14] =	ssyncadd.s32 $0xFFFF8000  }
0x90: {  	[tilespmem:s16], [sflag:$0x1] =	stream.indirect.gather [hbm4b:s4+s15], $0x40, s22, s15, $0xb8;
	[tilespmem:$0x1ED00] =	vst v63  }
0x91: {  	s7 =	simm.s32 $0x2480  }
0x92: {  	[tilespmem:s17], [sflag:$0x1] =	stream.indirect.gather [hbm4b:s4+s15], $0x40, s7, s15, $0xb8;
	[tilespmem:$0x1ED00] =	vst v63  }
0x93: {  	s22 =	simm.s32 $0x2500  }
0x94: {  	[tilespmem:s19], [sflag:$0x1] =	stream.indirect.gather [hbm4b:s4+s15], $0x40, s22, s15, $0xb8;
	[tilespmem:$0x1ED00] =	vst v63  }
0x95: {  	s7 =	simm.s32 $0x2580  }
0x96: {  	[tilespmem:s21], [sflag:$0x1] =	stream.indirect.gather [hbm4b:s4+s15], $0x40, s7, s15, $0xb8;
	[tilespmem:$0x1ED00] =	vst v63  }
0x97: {  	_ =	swait.ge [sflag:s1], $0x8000  }
0x98: {  	[sflag:s1] =	ssyncset.done $0x0  }
0x99: {  	s22 =	simm.s32 $0x4A00;
	[sflag:s1] =	ssyncadd.s32 $0xFFFF8000  }
0x9a: {  	[spmem:s2] =	stream.indirect.scatter.add.f32 [tilespmem:s23], [sflag:$0x4], $0x40, s22, s15, $0xb8;
	[tilespmem:$0x1ED00] =	vst v63  }
0x9b: {  	s7 =	simm.s32 $0x4A80  }
0x9c: {  	[spmem:s2] =	stream.indirect.scatter.add.f32 [tilespmem:s25], [sflag:$0x4], $0x40, s7, s15, $0xb8;
	[tilespmem:$0x1ED00] =	vst v63  }
0x9d: {  	s22 =	simm.s32 $0x4B00  }
0x9e: {  	[spmem:s2] =	stream.indirect.scatter.add.f32 [tilespmem:s28], [sflag:$0x4], $0x40, s22, s15, $0xb8;
	[tilespmem:$0x1ED00] =	vst v63  }
0x9f: {  	s7 =	simm.s32 $0x4B80  }
0xa0: {  	[spmem:s2] =	stream.indirect.scatter.add.f32 [tilespmem:s30], [sflag:$0x4], $0x40, s7, s15, $0xb8;
	[tilespmem:$0x1ED00] =	vst v63  }
0xa1: {  	_ =	swait.ge [sflag:s0], $0x8000  }
0xa2: {  	[sflag:s0] =	ssyncset.done $0x0  }
0xa3: {  	[sflag:s0] =	ssyncadd.s32 $0xFFFF8000  }
0xa4: {  	[tilespmem:s23], [sflag:$0x2] =	stream.indirect.gather [hbm4b:s4+s15], $0x40, s26, s15, $0xb8;
	[tilespmem:$0x1ED00] =	vst v63  }
0xa5: {  	_ = 	snop  }
0xa6: {  	[tilespmem:s25], [sflag:$0x2] =	stream.indirect.gather [hbm4b:s4+s15], $0x40, s29, s15, $0xb8;
	[tilespmem:$0x1ED00] =	vst v63  }
0xa7: {  	_ = 	snop  }
0xa8: {  	[tilespmem:s28], [sflag:$0x2] =	stream.indirect.gather [hbm4b:s4+s15], $0x40, s13, s15, $0xb8;
	[tilespmem:$0x1ED00] =	vst v63  }
0xa9: {  	_ = 	snop  }
0xaa: {  	[tilespmem:s30], [sflag:$0x2] =	stream.indirect.gather [hbm4b:s4+s15], $0x40, s18, s15, $0xb8;
	[tilespmem:$0x1ED00] =	vst v63  }
0xab: {  	_ =	swait.ge [sflag:s31], $0x8000  }
0xac: {  	[sflag:s31] =	ssyncset.done $0x0  }
0xad: {  	s22 =	simm.s32 $0x4C00;
	[sflag:s31] =	ssyncadd.s32 $0xFFFF8000  }
0xae: {  	[spmem:s2] =	stream.indirect.scatter.add.f32 [tilespmem:s16], [sflag:$0x3], $0x40, s22, s15, $0xb8;
	[tilespmem:$0x1ED00] =	vst v63  }
0xaf: {  	s7 =	simm.s32 $0x4C80  }
0xb0: {  	[spmem:s2] =	stream.indirect.scatter.add.f32 [tilespmem:s17], [sflag:$0x3], $0x40, s7, s15, $0xb8;
	[tilespmem:$0x1ED00] =	vst v63  }
0xb1: {  	s22 =	simm.s32 $0x4D00  }
0xb2: {  	[spmem:s2] =	stream.indirect.scatter.add.f32 [tilespmem:s19], [sflag:$0x3], $0x40, s22, s15, $0xb8;
	[tilespmem:$0x1ED00] =	vst v63  }
0xb3: {  	s7 =	simm.s32 $0x4D80  }
0xb4: {  	[spmem:s2] =	stream.indirect.scatter.add.f32 [tilespmem:s21], [sflag:$0x3], $0x40, s7, s15, $0xb8;
	[tilespmem:$0x1ED00] =	vst v63  }
0xb5: {  	_ =	swait.ge [sflag:s14], $0x8000  }
0xb6: {  	[sflag:s14] =	ssyncset.done $0x0  }
0xb7: {  	[sflag:s14] =	ssyncadd.s32 $0xFFFF8000  }
0xb8: {  	[tilespmem:s16], [sflag:$0x1] =	stream.indirect.gather [hbm4b:s4+s15], $0x40, s26, s15, $0xb8;
	[tilespmem:$0x1ED00] =	vst v63  }
0xb9: {  	_ = 	snop  }
0xba: {  	[tilespmem:s17], [sflag:$0x1] =	stream.indirect.gather [hbm4b:s4+s15], $0x40, s29, s15, $0xb8;
	[tilespmem:$0x1ED00] =	vst v63  }
0xbb: {  	_ = 	snop  }
0xbc: {  	[tilespmem:s19], [sflag:$0x1] =	stream.indirect.gather [hbm4b:s4+s15], $0x40, s13, s15, $0xb8;
	[tilespmem:$0x1ED00] =	vst v63  }
0xbd: {  	_ = 	snop  }
0xbe: {  	[tilespmem:s21], [sflag:$0x1] =	stream.indirect.gather [hbm4b:s4+s15], $0x40, s18, s15, $0xb8;
	[tilespmem:$0x1ED00] =	vst v63  }
0xbf: {  	_ =	swait.ge [sflag:s1], $0x8000  }
0xc0: {  	[sflag:s1] =	ssyncset.done $0x0  }
0xc1: {  	s22 =	simm.s32 $0x4E00;
	[sflag:s1] =	ssyncadd.s32 $0xFFFF8000  }
0xc2: {  	[spmem:s2] =	stream.indirect.scatter.add.f32 [tilespmem:s23], [sflag:$0x4], $0x40, s22, s15, $0xb8;
	[tilespmem:$0x1ED00] =	vst v63  }
0xc3: {  	s7 =	simm.s32 $0x4E80  }
0xc4: {  	[spmem:s2] =	stream.indirect.scatter.add.f32 [tilespmem:s25], [sflag:$0x4], $0x40, s7, s15, $0xb8;
	[tilespmem:$0x1ED00] =	vst v63  }
0xc5: {  	s22 =	simm.s32 $0x4F00  }
0xc6: {  	[spmem:s2] =	stream.indirect.scatter.add.f32 [tilespmem:s28], [sflag:$0x4], $0x40, s22, s15, $0xb8;
	[tilespmem:$0x1ED00] =	vst v63  }
0xc7: {  	s7 =	simm.s32 $0x4F80  }
0xc8: {  	[spmem:s2] =	stream.indirect.scatter.add.f32 [tilespmem:s30], [sflag:$0x4], $0x40, s7, s15, $0xb8;
	[tilespmem:$0x1ED00] =	vst v63  }
0xc9: {  	_ =	swait.ge [sflag:s0], $0x8000  }
0xca: {  	[sflag:s0] =	ssyncset.done $0x0  }
0xcb: {  	[sflag:s0] =	ssyncadd.s32 $0xFFFF8000  }
0xcc: {  	[tilespmem:s23], [sflag:$0x2] =	stream.indirect.gather [hbm4b:s4+s15], $0x40, s26, s15, $0xb8;
	[tilespmem:$0x1ED00] =	vst v63  }
0xcd: {  	_ = 	snop  }
0xce: {  	[tilespmem:s25], [sflag:$0x2] =	stream.indirect.gather [hbm4b:s4+s15], $0x40, s29, s15, $0xb8;
	[tilespmem:$0x1ED00] =	vst v63  }
0xcf: {  	_ = 	snop  }
0xd0: {  	[tilespmem:s28], [sflag:$0x2] =	stream.indirect.gather [hbm4b:s4+s15], $0x40, s13, s15, $0xb8;
	[tilespmem:$0x1ED00] =	vst v63  }
0xd1: {  	_ = 	snop  }
0xd2: {  	[tilespmem:s30], [sflag:$0x2] =	stream.indirect.gather [hbm4b:s4+s15], $0x40, s18, s15, $0xb8;
	[tilespmem:$0x1ED00] =	vst v63  }
0xd3: {  	_ =	swait.ge [sflag:s31], $0x8000  }
0xd4: {  	[sflag:s31] =	ssyncset.done $0x0  }
0xd5: {  	[sflag:s31] =	ssyncadd.s32 $0xFFFF8000  }
0xd6: {  	_ =	swait.ge [sflag:s1], $0x8000  }
0xd7: {  	s20 =	sadd.s32 $0x1, s20;
	[sflag:s1] =	ssyncset.done $0x0  }
0xd8: {  	p0 =	sne.s32 s20, s11;
	[sflag:s1] =	ssyncadd.s32 $0xFFFF8000  }
.Ltmp1:
0xd9: {  	s22 =	sor.u32 $0x1C05, s5;
	[bflag:$0x0] =	sbarrier.arrive $0xFFFF;
	(pc) =	sbr.rel @p0 .LBB2_1-.Ltmp1, $4  }
0xda: {  	[hbm:s10], [sflag:s22] =	dma.local [spmem:s12], $0x13A0  }
0xdb: {  	_ =	swait.ge [sflag:s24], $0x13A0  }
0xdc: {  	[sflag:s24] =	ssyncset.done $0x0  }
0xdd: {  	[sflag:s24] =	ssyncadd.s32 $0xFFFFEC60  }
0xde: {  	_ =	sfence.sel $0x180000  }
0xdf: {  	[bflag:$0x0] =	sbarrier.arrive $0xFFFF  }
0xe0: {  	_ =	strace $0x9000004A  }
0xe1: {  	s0 =	stileid.u32;
	[bflag:$0x2] =	sbarrier.arrive $0xFFFF  }
0xe2: {  	p0 =	sne.s32 s0, $0x0;
	s0 =	rddreg [dreg:$0x2]  }
0xe3: {  	s0 =	sadd.s32 @!p0 $0x100000, s0  }
0xe4: {  	[sflag:s0] =	ssyncadd.tile.s32 @!p0 $0x1;
	_ =	shalt  }
.Lfunc_end2:
_tile_overlayer_lowered:
.L_overlay_start_2:
0xe5: {  	(tag) =	ssettag $0x2  }
0xe6: {  	s0 =	rddreg [dreg:$0x0];
	s2 =	stileid.u32  }
0xe7: {  	s1 =	rddreg [dreg:$0x1];
	p0 =	sne.s32 s2, $0x0  }
0xe8: {  	s3 =	rddreg [dreg:$0x2];
	[bflag:$0x3] =	sbarrier.arrive $0xFFFF;
	s2 =	simm.s32 @!p0 $0x1C05  }
0xe9: {  	[timem:s3], [sflag:s2] =	dma.local @!p0 [hbm:s0], s1  }
0xea: {  	s0 =	simm.s32 @!p0 $0x5  }
0xeb: {  	_ =	swait.ge @!p0 [sflag:s0], s1  }
0xec: {  	s1 =	ssub.s32 @!p0 $0x0, s1;
	[sflag:s0] =	ssyncset.done @!p0 $0x0  }
0xed: {  	[sflag:s0] =	ssyncadd.s32 @!p0 s1  }
0xee: {  	[bflag:$0x3] =	sbarrier.arrive $0xFFFF  }
0xef: {  	_ =	shalt  }

// kernel: kernel.15.cloned.1.call-start
scs
__scs_entry_jumppad:
0x0: {  	(pc) =	sbr.rel $0x88, $3  }
0x1: {  	(tag) =	ssettag $0x0;
	lr =	simm.s32 $0x1  }
0x2: {  	[smem:$0x3F98] =	sst lr;
	_ =	strace $0xD0000000  }
0x3: {  	_ = 	snop  }
0x4: {  	_ = 	snop  }
0x5: {  	_ = 	snop  }
0x6: {  	_ = 	snop  }
0x7: {  	_ = 	snop  }
__scs_overlays_trampoline_lowered:
0x8: {  	[smem:$0x3FA7] =	sst s0  }
0x9: {  	[smem:$0x3FA8] =	sst s1  }
0xa: {  	[smem:$0x3FA9] =	sst s2  }
0xb: {  	[smem:$0x3FAA] =	sst s3  }
0xc: {  	[smem:$0x3FAB] =	sst s4  }
0xd: {  	[smem:$0x3FAC] =	sst s5  }
0xe: {  	[smem:$0x3FAD] =	sst s6  }
0xf: {  	[smem:$0x3FAE] =	sst s7  }
0x10: {  	[smem:$0x3FAF] =	sst s8  }
0x11: {  	[smem:$0x3FB0] =	sst s9;
	s0 =	simm.s32 @!p0 $0x0  }
0x12: {  	s1 =	sld [smem:$0x3F96];
	s0 =	simm.s32 @p0 $0x1  }
0x13: {  	[smem:$0x3FB1] =	sst s0;
	s0 =	simm.s32 @!p1 $0x0  }
0x14: {  	s2 =	sld [smem:$0x3F95];
	s0 =	simm.s32 @p1 $0x1  }
0x15: {  	[smem:$0x3FB2] =	sst s0;
	s0 =	simm.s32 @!p2 $0x0  }
0x16: {  	s3 =	sld [smem:$0x3FDB];
	s0 =	simm.s32 @p2 $0x1  }
0x17: {  	s4 =	simm.s32 $0x1BF5;
	[smem:$0x3FB4] =	sst s0  }
0x18: {  	s0 =	sld [smem:$0x3F97];
	_ =	swait.ge [sflag:s4], $0x0  }
0x19: {  	s7 =	sld [smem:$0x3F98]  }
0x1a: {  	s8 =	sadd.s32 $0xFFFFE003, lr  }
0x1b: {  	s9 =	sadd.s32 $0xFFFFFEF7, lr;
	s5 =	simm.s32 $0xFFFFFFFF;
	p2 =	slt.u32 s8, $0xFFFFF086  }
0x1c: {  	p1 =	slt.u32 s9, $0xF7A;
	s5 =	simm.s32 @!p2 $0x0  }
0x1d: {  	s5 =	simm.s32 @p1 $0x1;
	p0 =	seq.s32 s7, s2  }
0x1e: {  	s7 =	smul.u32 @!p0 $0xF7A, s2;
	p2 =	seq.s32 @!p0 s5, $0x0  }
0x1f: {  	s9 =	smul.u32 $0xF7A, s1;
	s8 =	simm.s32 @!p0 $0x1BF5;
	p2 =	por !p2, p0  }
0x20: {  	[sflag:s8] =	ssyncset.s32 @!p0 $0xFFFFF086;
	s6 =	sadd.s32 @!p0 s3, s7;
	s7 =	simm.s32 @!p0 $0x108  }
0x21: {  	s3 =	sadd.s32 s3, s9;
	s6 =	sadd.s32 @!p0 $0x88, s6;
	s7 =	simm.s32 @p2 $0x1082  }
0x22: {  	[simem:s7], [sflag:s8] =	dma.local @!p0 [hbm:s6], $0xF7A  }
0x23: {  	s9 =	sor.u32 $0xD0000000, s2;
	s6 =	simm.s32 $0x108;
	_ =	swait.ge @!p0 [sflag:s8], $0x0  }
0x24: {  	s3 =	sadd.s32 $0x88, s3;
	s6 =	simm.s32 @!p1 $0x1082;
	[sflag:s4] =	ssyncset.s32 $0xFFFFF086  }
0x25: {  	[simem:s6], [sflag:s4] =	dma.local [hbm:s3], $0xF7A  }
0x26: {  	[smem:$0x3F98] =	sst s1;
	(tag) =	ssettag s2;
	_ =	strace s9  }
0x27: {  	s1 =	sld [smem:$0x3FA8]  }
0x28: {  	s2 =	sld [smem:$0x3FA9]  }
0x29: {  	s4 =	sld [smem:$0x3FAB]  }
0x2a: {  	p0 =	seq.s32 s5, $0x0;
	s5 =	sld [smem:$0x3FAC]  }
0x2b: {  	s6 =	sld [smem:$0x3FAD]  }
0x2c: {  	s7 =	sld [smem:$0x3FAE]  }
0x2d: {  	s3 =	simm.s32 $0x108;
	s8 =	sld [smem:$0x3FAF]  }
0x2e: {  	s3 =	simm.s32 @!p0 $0x1082;
	s9 =	sld [smem:$0x3FB0]  }
0x2f: {  	lr =	sadd.s32 s0, s3;
	s0 =	sld [smem:$0x3FA7]  }
0x30: {  	s3 =	sld [smem:$0x3FAA]  }
0x31: {  	[smem:$0x3FB3] =	sst s10  }
0x32: {  	s10 =	sld [smem:$0x3FB1];
	_ =	sdelay $0x3  }
0x33: {  	p0 =	seq.s32 s10, $0x1;
	s10 =	sld [smem:$0x3FB3];
	_ =	sdelay $0x3  }
0x34: {  	[smem:$0x3FB3] =	sst s10  }
0x35: {  	s10 =	sld [smem:$0x3FB2];
	_ =	sdelay $0x3  }
0x36: {  	p1 =	seq.s32 s10, $0x1;
	s10 =	sld [smem:$0x3FB3];
	_ =	sdelay $0x3  }
0x37: {  	[smem:$0x3FB3] =	sst s10  }
0x38: {  	s10 =	sld [smem:$0x3FB4]  }
0x39: {  	_ = 	snop;
	(pc) =	sbr.ind lr, $3  }
0x3a: {  	_ = 	snop  }
0x3b: {  	_ = 	snop  }
0x3c: {  	p2 =	seq.s32 s10, $0x1;
	s10 =	sld [smem:$0x3FB3]  }
0x3d: {  	_ =	shalt  }
0x3e: {  	_ =	shalt  }
0x3f: {  	_ =	shalt  }
0x40: {  	_ =	shalt  }
0x41: {  	_ =	shalt  }
0x42: {  	_ =	shalt  }
0x43: {  	_ =	shalt  }
0x44: {  	_ =	shalt  }
0x45: {  	_ =	shalt  }
0x46: {  	_ =	shalt  }
0x47: {  	_ =	shalt  }
0x48: {  	_ =	shalt  }
0x49: {  	_ =	shalt  }
0x4a: {  	_ =	shalt  }
0x4b: {  	_ =	shalt  }
0x4c: {  	_ =	shalt  }
0x4d: {  	_ =	shalt  }
0x4e: {  	_ =	shalt  }
0x4f: {  	_ =	shalt  }
0x50: {  	_ =	shalt  }
0x51: {  	_ =	shalt  }
0x52: {  	_ =	shalt  }
0x53: {  	_ =	shalt  }
0x54: {  	_ =	shalt  }
0x55: {  	_ =	shalt  }
0x56: {  	_ =	shalt  }
0x57: {  	_ =	shalt  }
0x58: {  	_ =	shalt  }
0x59: {  	_ =	shalt  }
0x5a: {  	_ =	shalt  }
0x5b: {  	_ =	shalt  }
0x5c: {  	_ =	shalt  }
0x5d: {  	_ =	shalt  }
0x5e: {  	_ =	shalt  }
0x5f: {  	_ =	shalt  }
0x60: {  	_ =	shalt  }
0x61: {  	_ =	shalt  }
0x62: {  	_ =	shalt  }
0x63: {  	_ =	shalt  }
0x64: {  	_ =	shalt  }
0x65: {  	_ =	shalt  }
0x66: {  	_ =	shalt  }
0x67: {  	_ =	shalt  }
0x68: {  	_ =	shalt  }
0x69: {  	_ =	shalt  }
0x6a: {  	_ =	shalt  }
0x6b: {  	_ =	shalt  }
0x6c: {  	_ =	shalt  }
0x6d: {  	_ =	shalt  }
0x6e: {  	_ =	shalt  }
0x6f: {  	_ =	shalt  }
0x70: {  	_ =	shalt  }
0x71: {  	_ =	shalt  }
0x72: {  	_ =	shalt  }
0x73: {  	_ =	shalt  }
0x74: {  	_ =	shalt  }
0x75: {  	_ =	shalt  }
0x76: {  	_ =	shalt  }
0x77: {  	_ =	shalt  }
0x78: {  	_ =	shalt  }
0x79: {  	_ =	shalt  }
0x7a: {  	_ =	shalt  }
0x7b: {  	_ =	shalt  }
0x7c: {  	_ =	shalt  }
0x7d: {  	_ =	shalt  }
0x7e: {  	_ =	shalt  }
0x7f: {  	_ =	shalt  }
0x80: {  	_ =	shalt  }
0x81: {  	_ =	shalt  }
0x82: {  	_ =	shalt  }
0x83: {  	_ =	shalt  }
0x84: {  	_ =	shalt  }
0x85: {  	_ =	shalt  }
0x86: {  	_ =	shalt  }
0x87: {  	_ =	shalt  }
.Lfunc_end0:
.L_simem_size_0:
called_computation.2_lowered:
.L_overlay_start_0:
0x88: {  	s2 =	sld [smem:$0x3FD9]  }
0x89: {  	s3 =	sld [smem:$0x3FFE];
	_ =	sdelay $0x1  }
0x8a: {  	s1 =	srdreg.scid  }
0x8b: {  	s0 =	sand.u32 $0x1, s1  }
0x8c: {  	s16 =	sshll.u32 s0, $0xA;
	s2 =	sadd.s32 s3, s2  }
0x8d: {  	s2 =	sadd.s32 s2, s16  }
0x8e: {  	[smem:$0x3FBF] =	sst s2  }
0x8f: {  	_ = 	snop  }
0x90: {  	(tm) =	ssettm $0x1  }
0x91: {  	s17 =	sld [smem:$0x3FFB];
	_ =	sdelay $0x3  }
0x92: {  	_ =	strace s17  }
0x93: {  	s2 =	sld [smem:$0x3FFC];
	_ =	sdelay $0x3  }
0x94: {  	_ =	strace s2  }
0x95: {  	s2 =	sld [smem:$0x3FFD];
	_ =	sdelay $0x3  }
0x96: {  	_ =	strace s2  }
0x97: {  	_ =	strace $0x8FFFFFFF  }
0x98: {  	s18 =	sld [smem:$0x3FDB];
	_ =	sdelay $0x1  }
0x99: {  	s19 =	simm.s32 $_scs_section_size  }
0x9a: {  	s4 =	simm.s32 $_size__tile_overlayer_lowered;
	s5 =	simm.s32 $_tile_overlayer_lowered  }
0x9b: {  	s22 =	simm.s32 $0x1BFF;
	s21 =	sshll.u32 s5, $0x1;
	s2 =	sadd.s32 s19, s18  }
0x9c: {  	s6 =	simm.s32 $0x0;
	s20 =	sshll.u32 s4, $0x1;
	s4 =	sadd.s32 s21, s2  }
0x9d: {  	[timem:s6], [sflag:s22] =	dma.local [hbm:s4], s20  }
0x9e: {  	_ =	swait.ge [sflag:s22], s20  }
0x9f: {  	s3 =	ssub.s32 $0x0, s20;
	[sflag:s22] =	ssyncset.done $0x0  }
0xa0: {  	[sflag:s22] =	ssyncadd.s32 s3;
	_ =	sdelay $0x1  }
0xa1: {  	s23 =	simm.s32 $0x1B8B  }
0xa2: {  	_ =	swait.ge [sflag:s23], $0x1  }
0xa3: {  	[sflag:s23] =	ssyncset.done $0x0  }
0xa4: {  	s25 =	simm.s32 $0x1B8E;
	s24 =	sld [smem:$0x3FFE];
	[sflag:s23] =	ssyncadd.s32 $0xFFFFFFFF  }
0xa5: {  	s26 =	simm.s32 $execute0_lowered;
	[smem:$0x3FD2] =	sst s25  }
0xa6: {  	s4 =	sshll.u32 s26, $0x1;
	_ =	strace $0x8000004C;
	[dreg:$0x1] =	wrdreg $0xFFFFFFFF  }
0xa7: {  	s28 =	simm.s32 $_size_execute0_lowered;
	s2 =	sadd.s32 s2, s4;
	[dreg:$0x0] =	wrdreg $0x0  }
0xa8: {  	s4 =	sshll.u32 s28, $0x1;
	[dreg:$0x2] =	wrdreg s2  }
0xa9: {  	[dreg:$0x3] =	wrdreg s4  }
0xaa: {  	[dreg:$0x4] =	wrdreg $0xC0  }
0xab: {  	_ =	task [dreg:s6], $0x5FFFF  }
0xac: {  	[dreg:$0x1] =	wrdreg $0xFFFFFFFF  }
0xad: {  	[dreg:$0x0] =	wrdreg $0x60  }
0xae: {  	[dreg:$0x2] =	wrdreg s24  }
0xaf: {  	[dreg:$0x3] =	wrdreg $0x150000  }
0xb0: {  	[dreg:$0x4] =	wrdreg $0x9  }
0xb1: {  	_ =	task.clear_ibuf [dreg:s6], $0x5FFFF;
	_ =	strace $0x9000004C  }
0xb2: {  	s29 =	simm.s32 $0x9;
	_ =	strace $0x8000004E  }
0xb3: {  	_ =	swait.ge [sflag:s29], $0x1  }
0xb4: {  	[sflag:s29] =	ssyncadd.s32 $0xFFFFFFFF  }
0xb5: {  	_ =	strace $0x9000004E  }
0xb6: {  	_ =	sfence  }
0xb7: {  	s30 =	sld [smem:$0x0];
	_ =	sdelay $0x2  }
0xb8: {  	s31 =	sshll.u32 s1, $0xD;
	s1 =	sshrl.u32 s1, $0x2  }
0xb9: {  	s3 =	sand.u32 $0x4000, s31;
	s1 =	sadd.s32 s1, s30  }
0xba: {  	s0 =	sor.u32 s3, s0;
	s1 =	sshll.u32 s1, $0x11  }
0xbb: {  	s0 =	sor.u32 s1, s0  }
0xbc: {  	s0 =	sadd.s32 $0x8F2B, s0  }
0xbd: {  	[sflag:s0] =	ssyncadd.remote.s32 $0x1  }
0xbe: {  	_ =	sfence.sel $0xFFFF  }
0xbf: {  	[dreg:$0x0] =	wrdreg $0xFFFFFFFF;
	(pc) =	sbr.abs _section_cstart, $3  }
0xc0: {  	[dreg:$0x1] =	wrdreg $0xFFFFFFFF  }
0xc1: {  	_ =	task.clear_ibuf [dreg:s6], $0x2FFFF;
	_ =	strace $0x9FFFFFFF  }
0xc2: {  	(tm) =	ssettm $0x7FFFFFFF  }
0xc3: {  	_ =	shalt  }
tec
execute0_lowered:
.L_overlay_start_1:
0x0: {  	(tag) =	ssettag $0x1  }
0x1: {  	s0 =	srdreg.scid;
	s5 =	rddreg [dreg:$0x0]  }
0x2: {  	s11 =	stileid.u32;
	s2 =	rddreg [dreg:$0x1];
	s3 =	simm.s32 $0x0  }
0x3: {  	s14 =	simm.s32 $0x3;
	s15 =	simm.s32 $0x80;
	s16 =	simm.s32 $0x5000  }
0x4: {  	s17 =	simm.s32 $0x7000;
	s19 =	simm.s32 $0x9000;
	s21 =	simm.s32 $0xB000  }
0x5: {  	s23 =	simm.s32 $0xD000;
	s28 =	simm.s32 $0x11000;
	s30 =	simm.s32 $0x13000  }
0x6: {  	s31 =	simm.s32 $0x1;
	s29 =	simm.s32 $0x2680;
	s13 =	simm.s32 $0x2700  }
0x7: {  	s18 =	simm.s32 $0x2780;
	s24 =	simm.s32 $0x5;
	s20 =	simm.s32 $0x0  }
0x8: {  	s0 =	sand.u32 $0x1, s0;
	s1 =	sshll.u32 s11, $0x1;
	s6 =	smul.u32 $0x9D00, s11  }
0x9: {  	[smem:$0x7FF] =	sst s3;
	s4 =	sadd.s32 $0x64600, s5;
	s1 =	sor.u32 s0, s1  }
0xa: {  	s7 =	smul.u32 $0x9D000, s0;
	_ =	strace $0x8000004D;
	s0 =	ssub.s32 $0x2, s0  }
0xb: {  	s1 =	smul.u32 $0x500, s1;
	s8 =	sshrl.u32 s6, $0x3;
	s9 =	sshrl.u32 s0, $0x1  }
0xc: {  	s7 =	sadd.s32 s6, s7;
	s8 =	sadd.s32 s8, s5;
	s0 =	ssub.s32 s0, s9  }
0xd: {  	s6 =	sadd.s32 s6, s2;
	s1 =	sadd.s32 s1, s5;
	s7 =	sshrl.u32 s7, $0x3  }
0xe: {  	s25 =	sadd.s32 $0x78000, s8;
	s12 =	sshrl.u32 s6, $0x3;
	s10 =	sadd.s32 s7, s5  }
0xf: {  	s5 =	sshll.u32 s11, $0x6;
	[dreg:$0x3] =	wrdreg s25;
	s8 =	sadd.s32 $0x1E00, s1  }
0x10: {  	s9 =	sadd.s32 $0xBE00, s1;
	s11 =	smax.u32 s0, $0x1;
	s25 =	simm.s32 $0xF000  }
0x11: {  	s1 =	simm.s32 $0x2;
	s0 =	simm.s32 $0x4;
	s26 =	sor.u32 $0x1C03, s5  }
0x12: {  	s10 =	sadd.s32 $0x8BA00, s10;
	[dreg:$0x4] =	wrdreg s26;
	s26 =	simm.s32 $0x2600  }
.LBB2_1:
0x13: {  	s6 =	rddreg [dreg:$0x3]  }
0x14: {  	s7 =	rddreg [dreg:$0x4]  }
0x15: {  	[spmem:s12], [sflag:s7] =	dma.local [hbm:s6], $0x13A0  }
0x16: {  	[tilespmem:s3], [sflag:$0x3] =	stream.linear.gather [hbm4b:s8+s3], $0x2800, $0x38;
	[tilespmem:$0x1ED00] =	vst v63  }
0x17: {  	s7 =	simm.s32 $0x2800  }
0x18: {  	[tilespmem:s7], [sflag:$0x3] =	stream.linear.gather [hbm4b:s9+s3], $0x2800, $0x38;
	[tilespmem:$0x1ED00] =	vst v63  }
0x19: {  	_ =	swait.ge [sflag:s14], $0x13A0  }
0x1a: {  	[sflag:s14] =	ssyncset.done $0x0  }
0x1b: {  	[sflag:s14] =	ssyncadd.s32 $0xFFFFEC60  }
0x1c: {  	_ =	swait.ge [sflag:s14], $0x2800  }
0x1d: {  	[sflag:s14] =	ssyncset.done $0x0  }
0x1e: {  	[sflag:s14] =	ssyncadd.s32 $0xFFFFD800  }
0x1f: {  	_ =	swait.ge [sflag:s14], $0x2800  }
0x20: {  	[sflag:s14] =	ssyncset.done $0x0  }
0x21: {  	[sflag:s14] =	ssyncadd.s32 $0xFFFFD800  }
0x22: {  	[bflag:$0x0] =	sbarrier.arrive $0xFFFF  }
0x23: {  	[tilespmem:s16], [sflag:$0x1] =	stream.indirect.gather [hbm4b:s4+s15], $0x40, s3, s15, $0xb8;
	[tilespmem:$0x1ED00] =	vst v63  }
0x24: {  	_ = 	snop  }
0x25: {  	[tilespmem:s17], [sflag:$0x1] =	stream.indirect.gather [hbm4b:s4+s15], $0x40, s15, s15, $0xb8;
	[tilespmem:$0x1ED00] =	vst v63  }
0x26: {  	s22 =	simm.s32 $0x100  }
0x27: {  	[tilespmem:s19], [sflag:$0x1] =	stream.indirect.gather [hbm4b:s4+s15], $0x40, s22, s15, $0xb8;
	[tilespmem:$0x1ED00] =	vst v63  }
0x28: {  	s7 =	simm.s32 $0x180  }
0x29: {  	[tilespmem:s21], [sflag:$0x1] =	stream.indirect.gather [hbm4b:s4+s15], $0x40, s7, s15, $0xb8;
	[tilespmem:$0x1ED00] =	vst v63  }
0x2a: {  	s22 =	simm.s32 $0x200  }
0x2b: {  	[tilespmem:s23], [sflag:$0x2] =	stream.indirect.gather [hbm4b:s4+s15], $0x40, s22, s15, $0xb8;
	[tilespmem:$0x1ED00] =	vst v63  }
0x2c: {  	s7 =	simm.s32 $0x280  }
0x2d: {  	[tilespmem:s25], [sflag:$0x2] =	stream.indirect.gather [hbm4b:s4+s15], $0x40, s7, s15, $0xb8;
	[tilespmem:$0x1ED00] =	vst v63  }
0x2e: {  	s22 =	simm.s32 $0x300  }
0x2f: {  	[tilespmem:s28], [sflag:$0x2] =	stream.indirect.gather [hbm4b:s4+s15], $0x40, s22, s15, $0xb8;
	[tilespmem:$0x1ED00] =	vst v63  }
0x30: {  	s7 =	simm.s32 $0x380  }
0x31: {  	[tilespmem:s30], [sflag:$0x2] =	stream.indirect.gather [hbm4b:s4+s15], $0x40, s7, s15, $0xb8;
	[tilespmem:$0x1ED00] =	vst v63  }
0x32: {  	_ =	swait.ge [sflag:s31], $0x8000  }
0x33: {  	[sflag:s31] =	ssyncset.done $0x0  }
0x34: {  	s22 =	simm.s32 $0x2800;
	[sflag:s31] =	ssyncadd.s32 $0xFFFF8000  }
0x35: {  	[spmem:s2] =	stream.indirect.scatter.add.f32 [tilespmem:s16], [sflag:$0x3], $0x40, s22, s15, $0xb8;
	[tilespmem:$0x1ED00] =	vst v63  }
0x36: {  	s7 =	simm.s32 $0x2880  }
0x37: {  	[spmem:s2] =	stream.indirect.scatter.add.f32 [tilespmem:s17], [sflag:$0x3], $0x40, s7, s15, $0xb8;
	[tilespmem:$0x1ED00] =	vst v63  }
0x38: {  	s22 =	simm.s32 $0x2900  }
0x39: {  	[spmem:s2] =	stream.indirect.scatter.add.f32 [tilespmem:s19], [sflag:$0x3], $0x40, s22, s15, $0xb8;
	[tilespmem:$0x1ED00] =	vst v63  }
0x3a: {  	s7 =	simm.s32 $0x2980  }
0x3b: {  	[spmem:s2] =	stream.indirect.scatter.add.f32 [tilespmem:s21], [sflag:$0x3], $0x40, s7, s15, $0xb8;
	[tilespmem:$0x1ED00] =	vst v63  }
0x3c: {  	_ =	swait.ge [sflag:s14], $0x8000  }
0x3d: {  	[sflag:s14] =	ssyncset.done $0x0  }
0x3e: {  	s22 =	simm.s32 $0x400;
	[sflag:s14] =	ssyncadd.s32 $0xFFFF8000  }
0x3f: {  	[tilespmem:s16], [sflag:$0x1] =	stream.indirect.gather [hbm4b:s4+s15], $0x40, s22, s15, $0xb8;
	[tilespmem:$0x1ED00] =	vst v63  }
0x40: {  	s7 =	simm.s32 $0x480  }
0x41: {  	[tilespmem:s17], [sflag:$0x1] =	stream.indirect.gather [hbm4b:s4+s15], $0x40, s7, s15, $0xb8;
	[tilespmem:$0x1ED00] =	vst v63  }
0x42: {  	s22 =	simm.s32 $0x500  }
0x43: {  	[tilespmem:s19], [sflag:$0x1] =	stream.indirect.gather [hbm4b:s4+s15], $0x40, s22, s15, $0xb8;
	[tilespmem:$0x1ED00] =	vst v63  }
0x44: {  	s7 =	simm.s32 $0x580  }
0x45: {  	[tilespmem:s21], [sflag:$0x1] =	stream.indirect.gather [hbm4b:s4+s15], $0x40, s7, s15, $0xb8;
	[tilespmem:$0x1ED00] =	vst v63  }
0x46: {  	_ =	swait.ge [sflag:s1], $0x8000  }
0x47: {  	[sflag:s1] =	ssyncset.done $0x0  }
0x48: {  	s22 =	simm.s32 $0x2A00;
	[sflag:s1] =	ssyncadd.s32 $0xFFFF8000  }
0x49: {  	[spmem:s2] =	stream.indirect.scatter.add.f32 [tilespmem:s23], [sflag:$0x4], $0x40, s22, s15, $0xb8;
	[tilespmem:$0x1ED00] =	vst v63  }
0x4a: {  	s7 =	simm.s32 $0x2A80  }
0x4b: {  	[spmem:s2] =	stream.indirect.scatter.add.f32 [tilespmem:s25], [sflag:$0x4], $0x40, s7, s15, $0xb8;
	[tilespmem:$0x1ED00] =	vst v63  }
0x4c: {  	s22 =	simm.s32 $0x2B00  }
0x4d: {  	[spmem:s2] =	stream.indirect.scatter.add.f32 [tilespmem:s28], [sflag:$0x4], $0x40, s22, s15, $0xb8;
	[tilespmem:$0x1ED00] =	vst v63  }
0x4e: {  	s7 =	simm.s32 $0x2B80  }
0x4f: {  	[spmem:s2] =	stream.indirect.scatter.add.f32 [tilespmem:s30], [sflag:$0x4], $0x40, s7, s15, $0xb8;
	[tilespmem:$0x1ED00] =	vst v63  }
0x50: {  	_ =	swait.ge [sflag:s0], $0x8000  }
0x51: {  	[sflag:s0] =	ssyncset.done $0x0  }
0x52: {  	s22 =	simm.s32 $0x600;
	[sflag:s0] =	ssyncadd.s32 $0xFFFF8000  }
0x53: {  	[tilespmem:s23], [sflag:$0x2] =	stream.indirect.gather [hbm4b:s4+s15], $0x40, s22, s15, $0xb8;
	[tilespmem:$0x1ED00] =	vst v63  }
0x54: {  	s7 =	simm.s32 $0x680  }
0x55: {  	[tilespmem:s25], [sflag:$0x2] =	stream.indirect.gather [hbm4b:s4+s15], $0x40, s7, s15, $0xb8;
	[tilespmem:$0x1ED00] =	vst v63  }
0x56: {  	s22 =	simm.s32 $0x700  }
0x57: {  	[tilespmem:s28], [sflag:$0x2] =	stream.indirect.gather [hbm4b:s4+s15], $0x40, s22, s15, $0xb8;
	[tilespmem:$0x1ED00] =	vst v63  }
0x58: {  	s6 =	simm.s32 $0x780;
	s22 =	simm.s32 $0x1000  }
.LBB2_2:
0x59: {  	[tilespmem:s30], [sflag:$0x2] =	stream.indirect.gather [hbm4b:s4+s15], $0x40, s6, s15, $0xb8;
	[tilespmem:$0x1ED00] =	vst v63  }
0x5a: {  	s6 =	smov.u32 s22  }
0x5b: {  	p0 =	sne.s32 s22, $0x7000;
	s22 =	sadd.s32 $0x1000, s22;
	_ =	swait.ge [sflag:s31], $0x8000  }
0x5c: {  	s6 =	sshra.s32 s6, $0x2;
	[sflag:s31] =	ssyncset.done $0x0  }
0x5d: {  	s7 =	sadd.s32 $0x2800, s6;
	[sflag:s31] =	ssyncadd.s32 $0xFFFF8000  }
0x5e: {  	[spmem:s2] =	stream.indirect.scatter.add.f32 [tilespmem:s16], [sflag:$0x3], $0x40, s7, s15, $0xb8;
	[tilespmem:$0x1ED00] =	vst v63  }
0x5f: {  	s7 =	sadd.s32 $0x2880, s6  }
0x60: {  	[spmem:s2] =	stream.indirect.scatter.add.f32 [tilespmem:s17], [sflag:$0x3], $0x40, s7, s15, $0xb8;
	[tilespmem:$0x1ED00] =	vst v63  }
0x61: {  	s7 =	sadd.s32 $0x2900, s6  }
0x62: {  	[spmem:s2] =	stream.indirect.scatter.add.f32 [tilespmem:s19], [sflag:$0x3], $0x40, s7, s15, $0xb8;
	[tilespmem:$0x1ED00] =	vst v63  }
0x63: {  	s7 =	sadd.s32 $0x2980, s6  }
0x64: {  	[spmem:s2] =	stream.indirect.scatter.add.f32 [tilespmem:s21], [sflag:$0x3], $0x40, s7, s15, $0xb8;
	[tilespmem:$0x1ED00] =	vst v63  }
0x65: {  	_ =	swait.ge [sflag:s14], $0x8000  }
0x66: {  	[sflag:s14] =	ssyncset.done $0x0  }
0x67: {  	s7 =	sadd.s32 $0x400, s6;
	[sflag:s14] =	ssyncadd.s32 $0xFFFF8000  }
0x68: {  	[tilespmem:s16], [sflag:$0x1] =	stream.indirect.gather [hbm4b:s4+s15], $0x40, s7, s15, $0xb8;
	[tilespmem:$0x1ED00] =	vst v63  }
0x69: {  	s7 =	sadd.s32 $0x480, s6  }
0x6a: {  	[tilespmem:s17], [sflag:$0x1] =	stream.indirect.gather [hbm4b:s4+s15], $0x40, s7, s15, $0xb8;
	[tilespmem:$0x1ED00] =	vst v63  }
0x6b: {  	s7 =	sadd.s32 $0x500, s6  }
0x6c: {  	[tilespmem:s19], [sflag:$0x1] =	stream.indirect.gather [hbm4b:s4+s15], $0x40, s7, s15, $0xb8;
	[tilespmem:$0x1ED00] =	vst v63  }
0x6d: {  	s7 =	sadd.s32 $0x580, s6  }
0x6e: {  	[tilespmem:s21], [sflag:$0x1] =	stream.indirect.gather [hbm4b:s4+s15], $0x40, s7, s15, $0xb8;
	[tilespmem:$0x1ED00] =	vst v63  }
0x6f: {  	_ =	swait.ge [sflag:s1], $0x8000  }
0x70: {  	[sflag:s1] =	ssyncset.done $0x0  }
0x71: {  	s7 =	sadd.s32 $0x2A00, s6;
	[sflag:s1] =	ssyncadd.s32 $0xFFFF8000  }
0x72: {  	[spmem:s2] =	stream.indirect.scatter.add.f32 [tilespmem:s23], [sflag:$0x4], $0x40, s7, s15, $0xb8;
	[tilespmem:$0x1ED00] =	vst v63  }
0x73: {  	s7 =	sadd.s32 $0x2A80, s6  }
0x74: {  	[spmem:s2] =	stream.indirect.scatter.add.f32 [tilespmem:s25], [sflag:$0x4], $0x40, s7, s15, $0xb8;
	[tilespmem:$0x1ED00] =	vst v63  }
0x75: {  	s7 =	sadd.s32 $0x2B00, s6  }
0x76: {  	[spmem:s2] =	stream.indirect.scatter.add.f32 [tilespmem:s28], [sflag:$0x4], $0x40, s7, s15, $0xb8;
	[tilespmem:$0x1ED00] =	vst v63  }
0x77: {  	s7 =	sadd.s32 $0x2B80, s6  }
0x78: {  	[spmem:s2] =	stream.indirect.scatter.add.f32 [tilespmem:s30], [sflag:$0x4], $0x40, s7, s15, $0xb8;
	[tilespmem:$0x1ED00] =	vst v63  }
0x79: {  	_ =	swait.ge [sflag:s0], $0x8000  }
0x7a: {  	[sflag:s0] =	ssyncset.done $0x0  }
0x7b: {  	s7 =	sadd.s32 $0x600, s6;
	[sflag:s0] =	ssyncadd.s32 $0xFFFF8000  }
0x7c: {  	[tilespmem:s23], [sflag:$0x2] =	stream.indirect.gather [hbm4b:s4+s15], $0x40, s7, s15, $0xb8;
	[tilespmem:$0x1ED00] =	vst v63  }
.Ltmp0:
0x7d: {  	s7 =	sadd.s32 $0x680, s6;
	(pc) =	sbr.rel @p0 .LBB2_2-.Ltmp0, $4  }
0x7e: {  	[tilespmem:s25], [sflag:$0x2] =	stream.indirect.gather [hbm4b:s4+s15], $0x40, s7, s15, $0xb8;
	[tilespmem:$0x1ED00] =	vst v63  }
0x7f: {  	s7 =	sadd.s32 $0x700, s6  }
0x80: {  	[tilespmem:s28], [sflag:$0x2] =	stream.indirect.gather [hbm4b:s4+s15], $0x40, s7, s15, $0xb8;
	[tilespmem:$0x1ED00] =	vst v63  }
0x81: {  	s6 =	sadd.s32 $0x780, s6  }
0x82: {  	[tilespmem:s30], [sflag:$0x2] =	stream.indirect.gather [hbm4b:s4+s15], $0x40, s6, s15, $0xb8;
	[tilespmem:$0x1ED00] =	vst v63  }
0x83: {  	_ =	swait.ge [sflag:s31], $0x8000  }
0x84: {  	[sflag:s31] =	ssyncset.done $0x0  }
0x85: {  	s22 =	simm.s32 $0x4800;
	[sflag:s31] =	ssyncadd.s32 $0xFFFF8000  }
0x86: {  	[spmem:s2] =	stream.indirect.scatter.add.f32 [tilespmem:s16], [sflag:$0x3], $0x40, s22, s15, $0xb8;
	[tilespmem:$0x1ED00] =	vst v63  }
0x87: {  	s7 =	simm.s32 $0x4880  }
0x88: {  	[spmem:s2] =	stream.indirect.scatter.add.f32 [tilespmem:s17], [sflag:$0x3], $0x40, s7, s15, $0xb8;
	[tilespmem:$0x1ED00] =	vst v63  }
0x89: {  	s22 =	simm.s32 $0x4900  }
0x8a: {  	[spmem:s2] =	stream.indirect.scatter.add.f32 [tilespmem:s19], [sflag:$0x3], $0x40, s22, s15, $0xb8;
	[tilespmem:$0x1ED00] =	vst v63  }
0x8b: {  	s7 =	simm.s32 $0x4980  }
0x8c: {  	[spmem:s2] =	stream.indirect.scatter.add.f32 [tilespmem:s21], [sflag:$0x3], $0x40, s7, s15, $0xb8;
	[tilespmem:$0x1ED00] =	vst v63  }
0x8d: {  	_ =	swait.ge [sflag:s14], $0x8000  }
0x8e: {  	[sflag:s14] =	ssyncset.done $0x0  }
0x8f: {  	s22 =	simm.s32 $0x2400;
	[sflag:s14] =	ssyncadd.s32 $0xFFFF8000  }
0x90: {  	[tilespmem:s16], [sflag:$0x1] =	stream.indirect.gather [hbm4b:s4+s15], $0x40, s22, s15, $0xb8;
	[tilespmem:$0x1ED00] =	vst v63  }
0x91: {  	s7 =	simm.s32 $0x2480  }
0x92: {  	[tilespmem:s17], [sflag:$0x1] =	stream.indirect.gather [hbm4b:s4+s15], $0x40, s7, s15, $0xb8;
	[tilespmem:$0x1ED00] =	vst v63  }
0x93: {  	s22 =	simm.s32 $0x2500  }
0x94: {  	[tilespmem:s19], [sflag:$0x1] =	stream.indirect.gather [hbm4b:s4+s15], $0x40, s22, s15, $0xb8;
	[tilespmem:$0x1ED00] =	vst v63  }
0x95: {  	s7 =	simm.s32 $0x2580  }
0x96: {  	[tilespmem:s21], [sflag:$0x1] =	stream.indirect.gather [hbm4b:s4+s15], $0x40, s7, s15, $0xb8;
	[tilespmem:$0x1ED00] =	vst v63  }
0x97: {  	_ =	swait.ge [sflag:s1], $0x8000  }
0x98: {  	[sflag:s1] =	ssyncset.done $0x0  }
0x99: {  	s22 =	simm.s32 $0x4A00;
	[sflag:s1] =	ssyncadd.s32 $0xFFFF8000  }
0x9a: {  	[spmem:s2] =	stream.indirect.scatter.add.f32 [tilespmem:s23], [sflag:$0x4], $0x40, s22, s15, $0xb8;
	[tilespmem:$0x1ED00] =	vst v63  }
0x9b: {  	s7 =	simm.s32 $0x4A80  }
0x9c: {  	[spmem:s2] =	stream.indirect.scatter.add.f32 [tilespmem:s25], [sflag:$0x4], $0x40, s7, s15, $0xb8;
	[tilespmem:$0x1ED00] =	vst v63  }
0x9d: {  	s22 =	simm.s32 $0x4B00  }
0x9e: {  	[spmem:s2] =	stream.indirect.scatter.add.f32 [tilespmem:s28], [sflag:$0x4], $0x40, s22, s15, $0xb8;
	[tilespmem:$0x1ED00] =	vst v63  }
0x9f: {  	s7 =	simm.s32 $0x4B80  }
0xa0: {  	[spmem:s2] =	stream.indirect.scatter.add.f32 [tilespmem:s30], [sflag:$0x4], $0x40, s7, s15, $0xb8;
	[tilespmem:$0x1ED00] =	vst v63  }
0xa1: {  	_ =	swait.ge [sflag:s0], $0x8000  }
0xa2: {  	[sflag:s0] =	ssyncset.done $0x0  }
0xa3: {  	[sflag:s0] =	ssyncadd.s32 $0xFFFF8000  }
0xa4: {  	[tilespmem:s23], [sflag:$0x2] =	stream.indirect.gather [hbm4b:s4+s15], $0x40, s26, s15, $0xb8;
	[tilespmem:$0x1ED00] =	vst v63  }
0xa5: {  	_ = 	snop  }
0xa6: {  	[tilespmem:s25], [sflag:$0x2] =	stream.indirect.gather [hbm4b:s4+s15], $0x40, s29, s15, $0xb8;
	[tilespmem:$0x1ED00] =	vst v63  }
0xa7: {  	_ = 	snop  }
0xa8: {  	[tilespmem:s28], [sflag:$0x2] =	stream.indirect.gather [hbm4b:s4+s15], $0x40, s13, s15, $0xb8;
	[tilespmem:$0x1ED00] =	vst v63  }
0xa9: {  	_ = 	snop  }
0xaa: {  	[tilespmem:s30], [sflag:$0x2] =	stream.indirect.gather [hbm4b:s4+s15], $0x40, s18, s15, $0xb8;
	[tilespmem:$0x1ED00] =	vst v63  }
0xab: {  	_ =	swait.ge [sflag:s31], $0x8000  }
0xac: {  	[sflag:s31] =	ssyncset.done $0x0  }
0xad: {  	s22 =	simm.s32 $0x4C00;
	[sflag:s31] =	ssyncadd.s32 $0xFFFF8000  }
0xae: {  	[spmem:s2] =	stream.indirect.scatter.add.f32 [tilespmem:s16], [sflag:$0x3], $0x40, s22, s15, $0xb8;
	[tilespmem:$0x1ED00] =	vst v63  }
0xaf: {  	s7 =	simm.s32 $0x4C80  }
0xb0: {  	[spmem:s2] =	stream.indirect.scatter.add.f32 [tilespmem:s17], [sflag:$0x3], $0x40, s7, s15, $0xb8;
	[tilespmem:$0x1ED00] =	vst v63  }
0xb1: {  	s22 =	simm.s32 $0x4D00  }
0xb2: {  	[spmem:s2] =	stream.indirect.scatter.add.f32 [tilespmem:s19], [sflag:$0x3], $0x40, s22, s15, $0xb8;
	[tilespmem:$0x1ED00] =	vst v63  }
0xb3: {  	s7 =	simm.s32 $0x4D80  }
0xb4: {  	[spmem:s2] =	stream.indirect.scatter.add.f32 [tilespmem:s21], [sflag:$0x3], $0x40, s7, s15, $0xb8;
	[tilespmem:$0x1ED00] =	vst v63  }
0xb5: {  	_ =	swait.ge [sflag:s14], $0x8000  }
0xb6: {  	[sflag:s14] =	ssyncset.done $0x0  }
0xb7: {  	[sflag:s14] =	ssyncadd.s32 $0xFFFF8000  }
0xb8: {  	[tilespmem:s16], [sflag:$0x1] =	stream.indirect.gather [hbm4b:s4+s15], $0x40, s26, s15, $0xb8;
	[tilespmem:$0x1ED00] =	vst v63  }
0xb9: {  	_ = 	snop  }
0xba: {  	[tilespmem:s17], [sflag:$0x1] =	stream.indirect.gather [hbm4b:s4+s15], $0x40, s29, s15, $0xb8;
	[tilespmem:$0x1ED00] =	vst v63  }
0xbb: {  	_ = 	snop  }
0xbc: {  	[tilespmem:s19], [sflag:$0x1] =	stream.indirect.gather [hbm4b:s4+s15], $0x40, s13, s15, $0xb8;
	[tilespmem:$0x1ED00] =	vst v63  }
0xbd: {  	_ = 	snop  }
0xbe: {  	[tilespmem:s21], [sflag:$0x1] =	stream.indirect.gather [hbm4b:s4+s15], $0x40, s18, s15, $0xb8;
	[tilespmem:$0x1ED00] =	vst v63  }
0xbf: {  	_ =	swait.ge [sflag:s1], $0x8000  }
0xc0: {  	[sflag:s1] =	ssyncset.done $0x0  }
0xc1: {  	s22 =	simm.s32 $0x4E00;
	[sflag:s1] =	ssyncadd.s32 $0xFFFF8000  }
0xc2: {  	[spmem:s2] =	stream.indirect.scatter.add.f32 [tilespmem:s23], [sflag:$0x4], $0x40, s22, s15, $0xb8;
	[tilespmem:$0x1ED00] =	vst v63  }
0xc3: {  	s7 =	simm.s32 $0x4E80  }
0xc4: {  	[spmem:s2] =	stream.indirect.scatter.add.f32 [tilespmem:s25], [sflag:$0x4], $0x40, s7, s15, $0xb8;
	[tilespmem:$0x1ED00] =	vst v63  }
0xc5: {  	s22 =	simm.s32 $0x4F00  }
0xc6: {  	[spmem:s2] =	stream.indirect.scatter.add.f32 [tilespmem:s28], [sflag:$0x4], $0x40, s22, s15, $0xb8;
	[tilespmem:$0x1ED00] =	vst v63  }
0xc7: {  	s7 =	simm.s32 $0x4F80  }
0xc8: {  	[spmem:s2] =	stream.indirect.scatter.add.f32 [tilespmem:s30], [sflag:$0x4], $0x40, s7, s15, $0xb8;
	[tilespmem:$0x1ED00] =	vst v63  }
0xc9: {  	_ =	swait.ge [sflag:s0], $0x8000  }
0xca: {  	[sflag:s0] =	ssyncset.done $0x0  }
0xcb: {  	[sflag:s0] =	ssyncadd.s32 $0xFFFF8000  }
0xcc: {  	[tilespmem:s23], [sflag:$0x2] =	stream.indirect.gather [hbm4b:s4+s15], $0x40, s26, s15, $0xb8;
	[tilespmem:$0x1ED00] =	vst v63  }
0xcd: {  	_ = 	snop  }
0xce: {  	[tilespmem:s25], [sflag:$0x2] =	stream.indirect.gather [hbm4b:s4+s15], $0x40, s29, s15, $0xb8;
	[tilespmem:$0x1ED00] =	vst v63  }
0xcf: {  	_ = 	snop  }
0xd0: {  	[tilespmem:s28], [sflag:$0x2] =	stream.indirect.gather [hbm4b:s4+s15], $0x40, s13, s15, $0xb8;
	[tilespmem:$0x1ED00] =	vst v63  }
0xd1: {  	_ = 	snop  }
0xd2: {  	[tilespmem:s30], [sflag:$0x2] =	stream.indirect.gather [hbm4b:s4+s15], $0x40, s18, s15, $0xb8;
	[tilespmem:$0x1ED00] =	vst v63  }
0xd3: {  	_ =	swait.ge [sflag:s31], $0x8000  }
0xd4: {  	[sflag:s31] =	ssyncset.done $0x0  }
0xd5: {  	[sflag:s31] =	ssyncadd.s32 $0xFFFF8000  }
0xd6: {  	_ =	swait.ge [sflag:s1], $0x8000  }
0xd7: {  	s20 =	sadd.s32 $0x1, s20;
	[sflag:s1] =	ssyncset.done $0x0  }
0xd8: {  	p0 =	sne.s32 s20, s11;
	[sflag:s1] =	ssyncadd.s32 $0xFFFF8000  }
.Ltmp1:
0xd9: {  	s22 =	sor.u32 $0x1C05, s5;
	[bflag:$0x0] =	sbarrier.arrive $0xFFFF;
	(pc) =	sbr.rel @p0 .LBB2_1-.Ltmp1, $4  }
0xda: {  	[hbm:s10], [sflag:s22] =	dma.local [spmem:s12], $0x13A0  }
0xdb: {  	_ =	swait.ge [sflag:s24], $0x13A0  }
0xdc: {  	[sflag:s24] =	ssyncset.done $0x0  }
0xdd: {  	[sflag:s24] =	ssyncadd.s32 $0xFFFFEC60  }
0xde: {  	_ =	sfence.sel $0x180000  }
0xdf: {  	[bflag:$0x0] =	sbarrier.arrive $0xFFFF  }
0xe0: {  	_ =	strace $0x9000004D  }
0xe1: {  	s0 =	stileid.u32;
	[bflag:$0x2] =	sbarrier.arrive $0xFFFF  }
0xe2: {  	p0 =	sne.s32 s0, $0x0;
	s0 =	rddreg [dreg:$0x2]  }
0xe3: {  	s0 =	sadd.s32 @!p0 $0x100000, s0  }
0xe4: {  	[sflag:s0] =	ssyncadd.tile.s32 @!p0 $0x1;
	_ =	shalt  }
.Lfunc_end2:
_tile_overlayer_lowered:
.L_overlay_start_2:
0xe5: {  	(tag) =	ssettag $0x2  }
0xe6: {  	s0 =	rddreg [dreg:$0x0];
	s2 =	stileid.u32  }
0xe7: {  	s1 =	rddreg [dreg:$0x1];
	p0 =	sne.s32 s2, $0x0  }
0xe8: {  	s3 =	rddreg [dreg:$0x2];
	[bflag:$0x3] =	sbarrier.arrive $0xFFFF;
	s2 =	simm.s32 @!p0 $0x1C05  }
0xe9: {  	[timem:s3], [sflag:s2] =	dma.local @!p0 [hbm:s0], s1  }
0xea: {  	s0 =	simm.s32 @!p0 $0x5  }
0xeb: {  	_ =	swait.ge @!p0 [sflag:s0], s1  }
0xec: {  	s1 =	ssub.s32 @!p0 $0x0, s1;
	[sflag:s0] =	ssyncset.done @!p0 $0x0  }
0xed: {  	[sflag:s0] =	ssyncadd.s32 @!p0 s1  }
0xee: {  	[bflag:$0x3] =	sbarrier.arrive $0xFFFF  }
0xef: {  	_ =	shalt  }

// kernel: kernel.9.cloned.1.call-start
scs
__scs_entry_jumppad:
0x0: {  	(pc) =	sbr.rel $0x88, $3  }
0x1: {  	(tag) =	ssettag $0x0;
	lr =	simm.s32 $0x1  }
0x2: {  	[smem:$0x3F98] =	sst lr;
	_ =	strace $0xD0000000  }
0x3: {  	_ = 	snop  }
0x4: {  	_ = 	snop  }
0x5: {  	_ = 	snop  }
0x6: {  	_ = 	snop  }
0x7: {  	_ = 	snop  }
__scs_overlays_trampoline_lowered:
0x8: {  	[smem:$0x3FA7] =	sst s0  }
0x9: {  	[smem:$0x3FA8] =	sst s1  }
0xa: {  	[smem:$0x3FA9] =	sst s2  }
0xb: {  	[smem:$0x3FAA] =	sst s3  }
0xc: {  	[smem:$0x3FAB] =	sst s4  }
0xd: {  	[smem:$0x3FAC] =	sst s5  }
0xe: {  	[smem:$0x3FAD] =	sst s6  }
0xf: {  	[smem:$0x3FAE] =	sst s7  }
0x10: {  	[smem:$0x3FAF] =	sst s8  }
0x11: {  	[smem:$0x3FB0] =	sst s9;
	s0 =	simm.s32 @!p0 $0x0  }
0x12: {  	s1 =	sld [smem:$0x3F96];
	s0 =	simm.s32 @p0 $0x1  }
0x13: {  	[smem:$0x3FB1] =	sst s0;
	s0 =	simm.s32 @!p1 $0x0  }
0x14: {  	s2 =	sld [smem:$0x3F95];
	s0 =	simm.s32 @p1 $0x1  }
0x15: {  	[smem:$0x3FB2] =	sst s0;
	s0 =	simm.s32 @!p2 $0x0  }
0x16: {  	s3 =	sld [smem:$0x3FDB];
	s0 =	simm.s32 @p2 $0x1  }
0x17: {  	s4 =	simm.s32 $0x1BF5;
	[smem:$0x3FB4] =	sst s0  }
0x18: {  	s0 =	sld [smem:$0x3F97];
	_ =	swait.ge [sflag:s4], $0x0  }
0x19: {  	s7 =	sld [smem:$0x3F98]  }
0x1a: {  	s8 =	sadd.s32 $0xFFFFE003, lr  }
0x1b: {  	s9 =	sadd.s32 $0xFFFFFEF7, lr;
	s5 =	simm.s32 $0xFFFFFFFF;
	p2 =	slt.u32 s8, $0xFFFFF086  }
0x1c: {  	p1 =	slt.u32 s9, $0xF7A;
	s5 =	simm.s32 @!p2 $0x0  }
0x1d: {  	s5 =	simm.s32 @p1 $0x1;
	p0 =	seq.s32 s7, s2  }
0x1e: {  	s7 =	smul.u32 @!p0 $0xF7A, s2;
	p2 =	seq.s32 @!p0 s5, $0x0  }
0x1f: {  	s9 =	smul.u32 $0xF7A, s1;
	s8 =	simm.s32 @!p0 $0x1BF5;
	p2 =	por !p2, p0  }
0x20: {  	[sflag:s8] =	ssyncset.s32 @!p0 $0xFFFFF086;
	s6 =	sadd.s32 @!p0 s3, s7;
	s7 =	simm.s32 @!p0 $0x108  }
0x21: {  	s3 =	sadd.s32 s3, s9;
	s6 =	sadd.s32 @!p0 $0x88, s6;
	s7 =	simm.s32 @p2 $0x1082  }
0x22: {  	[simem:s7], [sflag:s8] =	dma.local @!p0 [hbm:s6], $0xF7A  }
0x23: {  	s9 =	sor.u32 $0xD0000000, s2;
	s6 =	simm.s32 $0x108;
	_ =	swait.ge @!p0 [sflag:s8], $0x0  }
0x24: {  	s3 =	sadd.s32 $0x88, s3;
	s6 =	simm.s32 @!p1 $0x1082;
	[sflag:s4] =	ssyncset.s32 $0xFFFFF086  }
0x25: {  	[simem:s6], [sflag:s4] =	dma.local [hbm:s3], $0xF7A  }
0x26: {  	[smem:$0x3F98] =	sst s1;
	(tag) =	ssettag s2;
	_ =	strace s9  }
0x27: {  	s1 =	sld [smem:$0x3FA8]  }
0x28: {  	s2 =	sld [smem:$0x3FA9]  }
0x29: {  	s4 =	sld [smem:$0x3FAB]  }
0x2a: {  	p0 =	seq.s32 s5, $0x0;
	s5 =	sld [smem:$0x3FAC]  }
0x2b: {  	s6 =	sld [smem:$0x3FAD]  }
0x2c: {  	s7 =	sld [smem:$0x3FAE]  }
0x2d: {  	s3 =	simm.s32 $0x108;
	s8 =	sld [smem:$0x3FAF]  }
0x2e: {  	s3 =	simm.s32 @!p0 $0x1082;
	s9 =	sld [smem:$0x3FB0]  }
0x2f: {  	lr =	sadd.s32 s0, s3;
	s0 =	sld [smem:$0x3FA7]  }
0x30: {  	s3 =	sld [smem:$0x3FAA]  }
0x31: {  	[smem:$0x3FB3] =	sst s10  }
0x32: {  	s10 =	sld [smem:$0x3FB1];
	_ =	sdelay $0x3  }
0x33: {  	p0 =	seq.s32 s10, $0x1;
	s10 =	sld [smem:$0x3FB3];
	_ =	sdelay $0x3  }
0x34: {  	[smem:$0x3FB3] =	sst s10  }
0x35: {  	s10 =	sld [smem:$0x3FB2];
	_ =	sdelay $0x3  }
0x36: {  	p1 =	seq.s32 s10, $0x1;
	s10 =	sld [smem:$0x3FB3];
	_ =	sdelay $0x3  }
0x37: {  	[smem:$0x3FB3] =	sst s10  }
0x38: {  	s10 =	sld [smem:$0x3FB4]  }
0x39: {  	_ = 	snop;
	(pc) =	sbr.ind lr, $3  }
0x3a: {  	_ = 	snop  }
0x3b: {  	_ = 	snop  }
0x3c: {  	p2 =	seq.s32 s10, $0x1;
	s10 =	sld [smem:$0x3FB3]  }
0x3d: {  	_ =	shalt  }
0x3e: {  	_ =	shalt  }
0x3f: {  	_ =	shalt  }
0x40: {  	_ =	shalt  }
0x41: {  	_ =	shalt  }
0x42: {  	_ =	shalt  }
0x43: {  	_ =	shalt  }
0x44: {  	_ =	shalt  }
0x45: {  	_ =	shalt  }
0x46: {  	_ =	shalt  }
0x47: {  	_ =	shalt  }
0x48: {  	_ =	shalt  }
0x49: {  	_ =	shalt  }
0x4a: {  	_ =	shalt  }
0x4b: {  	_ =	shalt  }
0x4c: {  	_ =	shalt  }
0x4d: {  	_ =	shalt  }
0x4e: {  	_ =	shalt  }
0x4f: {  	_ =	shalt  }
0x50: {  	_ =	shalt  }
0x51: {  	_ =	shalt  }
0x52: {  	_ =	shalt  }
0x53: {  	_ =	shalt  }
0x54: {  	_ =	shalt  }
0x55: {  	_ =	shalt  }
0x56: {  	_ =	shalt  }
0x57: {  	_ =	shalt  }
0x58: {  	_ =	shalt  }
0x59: {  	_ =	shalt  }
0x5a: {  	_ =	shalt  }
0x5b: {  	_ =	shalt  }
0x5c: {  	_ =	shalt  }
0x5d: {  	_ =	shalt  }
0x5e: {  	_ =	shalt  }
0x5f: {  	_ =	shalt  }
0x60: {  	_ =	shalt  }
0x61: {  	_ =	shalt  }
0x62: {  	_ =	shalt  }
0x63: {  	_ =	shalt  }
0x64: {  	_ =	shalt  }
0x65: {  	_ =	shalt  }
0x66: {  	_ =	shalt  }
0x67: {  	_ =	shalt  }
0x68: {  	_ =	shalt  }
0x69: {  	_ =	shalt  }
0x6a: {  	_ =	shalt  }
0x6b: {  	_ =	shalt  }
0x6c: {  	_ =	shalt  }
0x6d: {  	_ =	shalt  }
0x6e: {  	_ =	shalt  }
0x6f: {  	_ =	shalt  }
0x70: {  	_ =	shalt  }
0x71: {  	_ =	shalt  }
0x72: {  	_ =	shalt  }
0x73: {  	_ =	shalt  }
0x74: {  	_ =	shalt  }
0x75: {  	_ =	shalt  }
0x76: {  	_ =	shalt  }
0x77: {  	_ =	shalt  }
0x78: {  	_ =	shalt  }
0x79: {  	_ =	shalt  }
0x7a: {  	_ =	shalt  }
0x7b: {  	_ =	shalt  }
0x7c: {  	_ =	shalt  }
0x7d: {  	_ =	shalt  }
0x7e: {  	_ =	shalt  }
0x7f: {  	_ =	shalt  }
0x80: {  	_ =	shalt  }
0x81: {  	_ =	shalt  }
0x82: {  	_ =	shalt  }
0x83: {  	_ =	shalt  }
0x84: {  	_ =	shalt  }
0x85: {  	_ =	shalt  }
0x86: {  	_ =	shalt  }
0x87: {  	_ =	shalt  }
.Lfunc_end0:
.L_simem_size_0:
called_computation_lowered:
.L_overlay_start_0:
0x88: {  	s2 =	sld [smem:$0x3FD9]  }
0x89: {  	s3 =	sld [smem:$0x3FFE];
	_ =	sdelay $0x1  }
0x8a: {  	s1 =	srdreg.scid  }
0x8b: {  	s0 =	sand.u32 $0x1, s1  }
0x8c: {  	s17 =	sshll.u32 s0, $0xA;
	s2 =	sadd.s32 s3, s2  }
0x8d: {  	s2 =	sadd.s32 s2, s17  }
0x8e: {  	[smem:$0x3FBF] =	sst s2  }
0x8f: {  	_ = 	snop  }
0x90: {  	s2 =	sld [smem:$0x3FD0];
	(tm) =	ssettm $0x1  }
0x91: {  	s18 =	sld [smem:$0x3FFB];
	_ =	sdelay $0x3  }
0x92: {  	_ =	strace s18  }
0x93: {  	s3 =	sld [smem:$0x3FFC];
	_ =	sdelay $0x3  }
0x94: {  	_ =	strace s3  }
0x95: {  	s3 =	sld [smem:$0x3FFD];
	_ =	sdelay $0x3  }
0x96: {  	_ =	strace s3  }
0x97: {  	_ =	strace $0x8FFFFFFF  }
0x98: {  	s19 =	sld [smem:$0x3FDB];
	_ =	sdelay $0x1  }
0x99: {  	s4 =	simm.s32 $_scs_section_size  }
0x9a: {  	s5 =	simm.s32 $_size__tile_overlayer_lowered;
	s6 =	simm.s32 $_tile_overlayer_lowered  }
0x9b: {  	s22 =	simm.s32 $0x1BFF;
	s21 =	sshll.u32 s6, $0x1;
	s3 =	sadd.s32 s4, s19  }
0x9c: {  	s7 =	simm.s32 $0x0;
	s20 =	sshll.u32 s5, $0x1;
	s5 =	sadd.s32 s21, s3  }
0x9d: {  	[timem:s7], [sflag:s22] =	dma.local [hbm:s5], s20  }
0x9e: {  	_ =	swait.ge [sflag:s22], s20  }
0x9f: {  	s4 =	ssub.s32 $0x0, s20;
	[sflag:s22] =	ssyncset.done $0x0  }
0xa0: {  	[sflag:s22] =	ssyncadd.s32 s4;
	_ =	sdelay $0x1  }
0xa1: {  	s23 =	simm.s32 $0x1B8B  }
0xa2: {  	_ =	swait.ge [sflag:s23], $0x1  }
0xa3: {  	[sflag:s23] =	ssyncset.done $0x0  }
0xa4: {  	s25 =	simm.s32 $0x1B8E;
	s24 =	sld [smem:$0x3FFE];
	[sflag:s23] =	ssyncadd.s32 $0xFFFFFFFF  }
0xa5: {  	s26 =	simm.s32 $execute0_lowered;
	[smem:$0x3FD2] =	sst s25  }
0xa6: {  	s5 =	sshll.u32 s26, $0x1;
	_ =	strace $0x80000046;
	[dreg:$0x1] =	wrdreg $0xFFFFFFFF  }
0xa7: {  	s28 =	simm.s32 $_size_execute0_lowered;
	s3 =	sadd.s32 s3, s5;
	[dreg:$0x0] =	wrdreg $0x0  }
0xa8: {  	s5 =	sshll.u32 s28, $0x1;
	[dreg:$0x2] =	wrdreg s3  }
0xa9: {  	[dreg:$0x3] =	wrdreg s5  }
0xaa: {  	[dreg:$0x4] =	wrdreg $0xC0  }
0xab: {  	_ =	task [dreg:s7], $0x5FFFF  }
0xac: {  	[dreg:$0x1] =	wrdreg $0xFFFFFFFF  }
0xad: {  	[dreg:$0x0] =	wrdreg $0x60  }
0xae: {  	[dreg:$0x2] =	wrdreg s24  }
0xaf: {  	[dreg:$0x3] =	wrdreg s2  }
0xb0: {  	[dreg:$0x4] =	wrdreg $0x2C000  }
0xb1: {  	[dreg:$0x5] =	wrdreg $0x9  }
0xb2: {  	_ =	task.clear_ibuf [dreg:s7], $0x6FFFF;
	_ =	strace $0x90000046  }
0xb3: {  	s29 =	simm.s32 $0x9;
	_ =	strace $0x80000048  }
0xb4: {  	_ =	swait.ge [sflag:s29], $0x1  }
0xb5: {  	[sflag:s29] =	ssyncadd.s32 $0xFFFFFFFF  }
0xb6: {  	_ =	strace $0x90000048  }
0xb7: {  	_ =	sfence  }
0xb8: {  	s30 =	sld [smem:$0x0];
	_ =	sdelay $0x2  }
0xb9: {  	s31 =	sshll.u32 s1, $0xD;
	s1 =	sshrl.u32 s1, $0x2  }
0xba: {  	s3 =	sand.u32 $0x4000, s31;
	s1 =	sadd.s32 s1, s30  }
0xbb: {  	s0 =	sor.u32 s3, s0;
	s1 =	sshll.u32 s1, $0x11  }
0xbc: {  	s0 =	sor.u32 s1, s0  }
0xbd: {  	s0 =	sadd.s32 $0x8F2B, s0  }
0xbe: {  	[sflag:s0] =	ssyncadd.remote.s32 $0x1  }
0xbf: {  	_ =	sfence.sel $0xFFFF  }
0xc0: {  	[dreg:$0x0] =	wrdreg $0xFFFFFFFF;
	(pc) =	sbr.abs _section_cstart, $3  }
0xc1: {  	[dreg:$0x1] =	wrdreg $0xFFFFFFFF  }
0xc2: {  	_ =	task.clear_ibuf [dreg:s7], $0x2FFFF;
	_ =	strace $0x9FFFFFFF  }
0xc3: {  	(tm) =	ssettm $0x7FFFFFFF  }
tec
execute0_lowered:
.L_overlay_start_1:
0x0: {  	(tag) =	ssettag $0x1  }
0x1: {  	s5 =	rddreg [dreg:$0x0]  }
0x2: {  	s1 =	srdreg.scid;
	s2 =	rddreg [dreg:$0x1]  }
0x3: {  	s0 =	stileid.u32;
	s3 =	rddreg [dreg:$0x2];
	s4 =	simm.s32 $0x0  }
0x4: {  	s13 =	simm.s32 $0x80;
	s14 =	simm.s32 $0x0;
	s6 =	sand.u32 $0x1, s1  }
0x5: {  	s30 =	sshll.u32 s0, $0x1;
	s8 =	smul.u32 $0x13A0, s0;
	[smem:$0x7FF] =	sst s4  }
0x6: {  	s31 =	sshll.u32 s0, $0x6;
	s1 =	sor.u32 s6, s30;
	s9 =	smul.u32 $0x13A00, s6  }
0x7: {  	s6 =	ssub.s32 $0x2, s6;
	s7 =	smul.u32 $0x500, s1;
	s1 =	rddreg [dreg:$0x3]  }
0x8: {  	_ =	strace $0x80000047;
	s10 =	sshrl.u32 s8, $0x3;
	s11 =	sshrl.u32 s6, $0x1  }
0x9: {  	s12 =	sadd.s32 s8, s3;
	s9 =	sadd.s32 s8, s9;
	s10 =	sadd.s32 s10, s5  }
0xa: {  	s11 =	ssub.s32 s6, s11;
	s6 =	sor.u32 $0x1C01, s31;
	s9 =	sshrl.u32 s9, $0x3  }
0xb: {  	s7 =	sadd.s32 s7, s5;
	s9 =	sadd.s32 s9, s5;
	s5 =	sadd.s32 $0x15E00, s10  }
0xc: {  	s7 =	sadd.s32 $0xBE00, s7;
	s10 =	sshrl.u32 s12, $0x3;
	s12 =	simm.s32 $0x2800  }
0xd: {  	s8 =	sadd.s32 $0x18600, s9;
	s9 =	smax.u32 s11, $0x1;
	s11 =	simm.s32 $0x1  }
.LBB2_1:
0xe: {  	[spmem:s10], [sflag:s6] =	dma.local [hbm:s5], $0x274  }
0xf: {  	_ =	swait.ge [sflag:s11], $0x274  }
0x10: {  	[sflag:s11] =	ssyncset.done $0x0  }
0x11: {  	[sflag:s11] =	ssyncadd.s32 $0xFFFFFD8C  }
0x12: {  	[tilespmem:s4], [sflag:$0x1] =	stream.linear.gather [hbm4b:s7+s4], $0x2800, $0x38;
	[tilespmem:$0x3FA0] =	vst v63  }
0x13: {  	_ =	swait.ge [sflag:s11], $0x2800  }
0x14: {  	[sflag:s11] =	ssyncset.done $0x0  }
0x15: {  	[sflag:s11] =	ssyncadd.s32 $0xFFFFD800  }
0x16: {  	[tilespmem:s12], [sflag:$0x1] =	stream.linear.gather [hbm4b:s2+s4], $0x400, $0x38;
	[tilespmem:$0x3FA0] =	vst v63  }
0x17: {  	_ =	swait.ge [sflag:s11], $0x400  }
0x18: {  	[sflag:s11] =	ssyncset.done $0x0  }
0x19: {  	[sflag:s11] =	ssyncadd.s32 $0xFFFFFC00  }
0x1a: {  	s15 =	simm.s32 $0x0;
	[bflag:$0x0] =	sbarrier.arrive $0xFFFF  }
0x1b: {  	[spmem:s3] =	stream.indirect.scatter.add.f32 [tilespmem:s12], [sflag:$0x1], $0x8, s15, s13, $0xb8;
	[tilespmem:$0x3FA0] =	vst v63  }
0x1c: {  	_ =	swait.ge [sflag:s11], $0x400  }
0x1d: {  	s15 =	simm.s32 $0x200;
	[sflag:s11] =	ssyncset.done $0x0  }
.LBB2_2:
0x1e: {  	s16 =	sshra.s32 s15, $0x2;
	[sflag:s11] =	ssyncadd.s32 $0xFFFFFC00;
	p0 =	sne.s32 s15, $0x9E00  }
0x1f: {  	[spmem:s3] =	stream.indirect.scatter.add.f32 [tilespmem:s12], [sflag:$0x1], $0x8, s16, s13, $0xb8;
	[tilespmem:$0x3FA0] =	vst v63  }
.Ltmp0:
0x20: {  	_ = 	snop;
	(pc) =	sbr.rel @p0 .LBB2_2-.Ltmp0, $4  }
0x21: {  	_ = 	snop  }
0x22: {  	s15 =	sadd.s32 $0x200, s15  }
0x23: {  	_ =	swait.ge [sflag:s11], $0x400  }
0x24: {  	[sflag:s11] =	ssyncset.done $0x0  }
0x25: {  	s14 =	sadd.s32 $0x1, s14  }
0x26: {  	[sflag:s11] =	ssyncadd.s32 $0xFFFFFC00;
	p0 =	sne.s32 s14, s9  }
.Ltmp1:
0x27: {  	[bflag:$0x0] =	sbarrier.arrive $0xFFFF;
	(pc) =	sbr.rel @p0 .LBB2_1-.Ltmp1, $4  }
0x28: {  	[hbm:s8], [sflag:s6] =	dma.local [spmem:s10], $0x274  }
0x29: {  	_ =	swait.ge [sflag:s11], $0x274  }
0x2a: {  	[sflag:s11] =	ssyncset.done $0x0  }
0x2b: {  	[sflag:s11] =	ssyncadd.s32 $0xFFFFFD8C  }
0x2c: {  	_ =	sfence.sel $0x180000  }
0x2d: {  	[bflag:$0x0] =	sbarrier.arrive $0xFFFF  }
0x2e: {  	p0 =	sne.s32 s0, $0x0;
	_ =	strace $0x90000047  }
0x2f: {  	s0 =	sadd.s32 @!p0 $0x100000, s1;
	[bflag:$0x2] =	sbarrier.arrive $0xFFFF  }
0x30: {  	[sflag:s0] =	ssyncadd.tile.s32 @!p0 $0x1;
	_ =	shalt  }
.Lfunc_end2:
_tile_overlayer_lowered:
.L_overlay_start_2:
0x31: {  	(tag) =	ssettag $0x2  }
0x32: {  	s0 =	rddreg [dreg:$0x0];
	s2 =	stileid.u32  }
0x33: {  	s1 =	rddreg [dreg:$0x1];
	p0 =	sne.s32 s2, $0x0  }
0x34: {  	s3 =	rddreg [dreg:$0x2];
	[bflag:$0x3] =	sbarrier.arrive $0xFFFF;
	s2 =	simm.s32 @!p0 $0x1C01  }
0x35: {  	[timem:s3], [sflag:s2] =	dma.local @!p0 [hbm:s0], s1  }
0x36: {  	s0 =	simm.s32 @!p0 $0x1  }
0x37: {  	_ =	swait.ge @!p0 [sflag:s0], s1  }
0x38: {  	s1 =	ssub.s32 @!p0 $0x0, s1;
	[sflag:s0] =	ssyncset.done @!p0 $0x0  }
0x39: {  	[sflag:s0] =	ssyncadd.s32 @!p0 s1  }
0x3a: {  	[bflag:$0x3] =	sbarrier.arrive $0xFFFF  }
0x3b: {  	_ =	shalt  }

</sc_bundles>
